<compile_context>
chip_gen: v7x
topology: tpu7x:2x2x1
jax: 0.10.2.dev20260603
libtpu: 0.0.44.dev20260713+nightly
codegen_flags: <defaults>
</compile_context>

<pallas_src>
import functools

import jax
import jax.numpy as jnp
from jax import lax
from jax.experimental import pallas as pl
from jax.experimental.pallas import tpu as pltpu
from jax.experimental.pallas import tpu_sc as plsc

N_NODES = 10000
N_EDGES = 320000
D_FEAT = 128

NC = 2
NS = 16
E_PER_TILE = N_EDGES // (NC * NS)
CHUNK = 125
NGROUP = 8
GCHUNK = 10
NCHUNK = NGROUP * GCHUNK
NBLK = NGROUP // 2
TW = 632
ZC = 96

_mesh = plsc.VectorSubcoreMesh(core_axis_name="c", subcore_axis_name="s")


@jax.jit
def _propagate(x, ei6):
    @functools.partial(
        pl.kernel,
        out_type=jax.ShapeDtypeStruct((NC, N_NODES, D_FEAT), jnp.float32),
        mesh=_mesh,
        scratch_types=[
            pltpu.VMEM((GCHUNK, CHUNK), jnp.int32),
            pltpu.VMEM((GCHUNK, CHUNK), jnp.int32),
            pltpu.VMEM((GCHUNK, CHUNK), jnp.int32),
            pltpu.VMEM((GCHUNK, CHUNK), jnp.int32),
            pltpu.VMEM((2, CHUNK, D_FEAT), jnp.float32),
            pltpu.VMEM_SHARED((N_NODES, D_FEAT), jnp.float32),
            pltpu.SemaphoreType.DMA,
            pltpu.SemaphoreType.DMA,
            pltpu.SemaphoreType.DMA,
            pltpu.SemaphoreType.DMA,
        ],
    )
    def sc_kernel(x_hbm, ei_hbm, out_hbm,
                  src_v0, dst_v0, src_v1, dst_v1, rows_v, acc,
                  isem0, isem1, gsem0, gsem1):
        c = lax.axis_index("c")
        s = lax.axis_index("s")

        idx_sets = ((src_v0, dst_v0, isem0), (src_v1, dst_v1, isem1))
        row_bufs = ((rows_v.at[0], gsem0), (rows_v.at[1], gsem1))

        def stage(g, set_id):
            src_b, dst_b, isem = idx_sets[set_id]
            pltpu.async_copy(ei_hbm.at[0, c, s, g], src_b, isem)
            pltpu.async_copy(ei_hbm.at[1, c, s, g], dst_b, isem)

        def stage_wait(g, set_id):
            src_b, dst_b, isem = idx_sets[set_id]
            pltpu.make_async_copy(
                ei_hbm.at[0, c, s, g], src_b, isem).wait()
            pltpu.make_async_copy(
                ei_hbm.at[1, c, s, g], dst_b, isem).wait()

        def gather_start(set_id, r, buf_id):
            src_b = idx_sets[set_id][0]
            buf, gsem = row_bufs[buf_id]
            pltpu.async_copy(x_hbm.at[src_b.at[r]], buf, gsem)

        def gather_wait(set_id, r, buf_id):
            src_b = idx_sets[set_id][0]
            buf, gsem = row_bufs[buf_id]
            pltpu.make_async_copy(x_hbm.at[src_b.at[r]], buf, gsem).wait()

        stage(0, 0)
        stage(1, 1)

        zeros16 = jnp.zeros((16,), jnp.float32)

        @pl.loop(0, ZC)
        def _(i):
            @pl.loop(0, D_FEAT, step=16)
            def _(k):
                rows_v[1, i, pl.ds(k, 16)] = zeros16

        stage_wait(0, 0)
        gather_start(0, 0, 0)

        start = pl.multiple_of(jnp.minimum(s * TW, N_NODES - TW), 8)

        @pl.loop(0, TW // ZC)
        def _(k):
            pltpu.sync_copy(
                rows_v.at[1, pl.ds(0, ZC)],
                acc.at[pl.ds(pl.multiple_of(start + k * ZC, 8), ZC)])

        rem = TW - (TW // ZC) * ZC
        pltpu.sync_copy(
            rows_v.at[1, pl.ds(0, rem)],
            acc.at[pl.ds(pl.multiple_of(start + TW - rem, 8), rem)])

        plsc.subcore_barrier()

        @pl.loop(0, NBLK)
        def _(b):
            g0 = b * 2
            g1 = g0 + 1

            for k in range(2 * GCHUNK):
                set_id = 0 if k < GCHUNK else 1
                r = k % GCHUNK
                buf_id = k % 2

                if k == 0:
                    @pl.when(b > 0)
                    def _():
                        stage(g1, 1)
                if k == GCHUNK:
                    @pl.when(g0 + 2 < NGROUP)
                    def _():
                        stage(g0 + 2, 0)

                nk = k + 1
                if nk < 2 * GCHUNK:
                    if nk == GCHUNK:
                        stage_wait(g1, 1)
                    gather_start(0 if nk < GCHUNK else 1, nk % GCHUNK,
                                 nk % 2)
                else:
                    @pl.when(g0 + 2 < NGROUP)
                    def _():
                        stage_wait(g0 + 2, 0)
                        gather_start(0, 0, 0)

                dst_b = idx_sets[set_id][1]
                gather_wait(set_id, r, buf_id)
                pltpu.sync_copy(rows_v.at[buf_id], acc.at[dst_b.at[r]],
                                add=True)

        plsc.subcore_barrier()

        pltpu.sync_copy(
            acc.at[pl.ds(start, TW)],
            out_hbm.at[c, pl.ds(start, TW)],
        )

    return sc_kernel(x, ei6)


def _add_body(p_ref, o_ref):
    o_ref[...] = p_ref[0] + p_ref[1]


@jax.jit
def _combine(partials):
    return pl.pallas_call(
        _add_body,
        out_shape=jax.ShapeDtypeStruct((N_NODES, D_FEAT), jnp.float32),
        grid=(5,),
        in_specs=[
            pl.BlockSpec((NC, N_NODES // 5, D_FEAT), lambda i: (0, i, 0)),
        ],
        out_specs=pl.BlockSpec((N_NODES // 5, D_FEAT), lambda i: (i, 0)),
    )(partials)


def kernel(x, edge_index):
    ei6 = edge_index.reshape(2, NC, NS, NGROUP, GCHUNK, CHUNK)
    partials = _propagate(x, ei6)
    return _combine(partials)

# --- scband reference (transcript-rebuilt; emitter-appended) ---
"""Pipeline reference for scband-message-passing-10411000725577 (READ-ONLY COPY).

The authoritative reference and input builder live on the scoring server;
editing this copy changes nothing except your own understanding.
"""

import jax, jax.numpy as jnp
import numpy as np

N_NODES = 10000
N_EDGES = 320000
D_FEAT = 128


def setup_inputs(seed: int = 0) -> dict:
    key = jax.random.key(seed)
    k1, k2 = jax.random.split(key)
    x = jax.random.normal(k1, (N_NODES, D_FEAT), dtype=jnp.float32)
    edge_index = jax.random.randint(k2, (2, N_EDGES), 0, N_NODES, dtype=jnp.int32)
    return {"x": x, "edge_index": edge_index}


def reference(x, edge_index):
    # MessagePassing with aggr='add', flow='source_to_target':
    #   message(x_j) = x_j  (gather source-node features along edges)
    #   aggregate    = scatter-add of messages into destination nodes
    #   update       = identity
    src = edge_index[0]
    dst = edge_index[1]
    msgs = jnp.take(x, src, axis=0)              # gather: [E, D]
    out = jax.ops.segment_sum(msgs, dst, num_segments=x.shape[0])  # scatter-add: [N, D]
    return out

if __name__ == "__main__":
    import jax
    _d = setup_inputs()
    print(jax.jit(kernel)(*tuple(_d.values())))

</pallas_src>

<mosaic_0001>
#map = affine_map<(d0, d1) -> (0, 0)>
#map1 = affine_map<(d0, d1) -> (0, 0, 0, 0, 0, 0)>
#map2 = affine_map<(d0, d1) -> (0, 0, 0)>
module attributes {stable_mosaic.version = 14 : i64} {
  func.func @sc_kernel(%arg0: i32, %arg1: i32, %arg2: memref<10000x128xf32, #tpu.memory_space<hbm>>, %arg3: memref<2x2x16x8x10x125xi32, #tpu.memory_space<hbm>>, %arg4: memref<2x10000x128xf32, #tpu.memory_space<hbm>>, %arg5: memref<10x125xi32, #tpu.memory_space<vmem>>, %arg6: memref<10x125xi32, #tpu.memory_space<vmem>>, %arg7: memref<10x125xi32, #tpu.memory_space<vmem>>, %arg8: memref<10x125xi32, #tpu.memory_space<vmem>>, %arg9: memref<2x125x128xf32, #tpu.memory_space<vmem>>, %arg10: memref<10000x128xf32, #tpu.memory_space<vmem_shared>>, %arg11: memref<!tpu.dma_semaphore, #tpu.memory_space<semaphore_mem>>, %arg12: memref<!tpu.dma_semaphore, #tpu.memory_space<semaphore_mem>>, %arg13: memref<!tpu.dma_semaphore, #tpu.memory_space<semaphore_mem>>, %arg14: memref<!tpu.dma_semaphore, #tpu.memory_space<semaphore_mem>>) attributes {dimension_semantics = [#tpu.dimension_semantics<core_parallel>, #tpu.dimension_semantics<subcore_parallel>], iteration_bounds = array<i64: 2, 16>, scalar_prefetch = 0 : i64, scratch_operands = 10 : i64, tpu.core_type = #tpu.core_type<sc_vector_subcore>, window_params = [{transform_indices = #map}, {transform_indices = #map1}, {transform_indices = #map2}]} {
    %dma_start3A = arith.constant 0 : i32
    %dma_start3A_0 = arith.constant 0 : i32
    %dma_start3A_1 = arith.constant 0 : i32
    %dma_start3A_2 = arith.constant 0 : i32
    %dma_start3A_3 = tpu.memref_slice %arg3[%dma_start3A, %arg0, %arg1, %dma_start3A_0, %dma_start3A_1, %dma_start3A_2] : memref<2x2x16x8x10x125xi32, #tpu.memory_space<hbm>> -> memref<1x1x1x1x10x125xi32, #tpu.memory_space<hbm>>
    %dma_start3A_4 = tpu.memref_squeeze %dma_start3A_3 : memref<1x1x1x1x10x125xi32, #tpu.memory_space<hbm>> -> memref<10x125xi32, #tpu.memory_space<hbm>>
    %dma_start3A_5 = arith.constant 0 : i32
    %dma_start3A_6 = arith.constant 0 : i32
    %dma_start3A_7 = tpu.memref_slice %arg3[%dma_start3A, %arg0, %arg1, %dma_start3A_0, %dma_start3A_5, %dma_start3A_6] : memref<2x2x16x8x10x125xi32, #tpu.memory_space<hbm>> -> memref<1x1x1x1x10x125xi32, #tpu.memory_space<hbm>>
    %dma_start3A_8 = tpu.memref_squeeze %dma_start3A_7 : memref<1x1x1x1x10x125xi32, #tpu.memory_space<hbm>> -> memref<10x125xi32, #tpu.memory_space<hbm>>
    tpu.enqueue_dma source(%dma_start3A_8 : memref<10x125xi32, #tpu.memory_space<hbm>>) target(%arg5 : memref<10x125xi32, #tpu.memory_space<vmem>>) target_semaphore(%arg11 : memref<!tpu.dma_semaphore, #tpu.memory_space<semaphore_mem>>)
    %dma_start3A_9 = arith.constant 1 : i32
    %dma_start3A_10 = arith.constant 0 : i32
    %dma_start3A_11 = arith.constant 0 : i32
    %dma_start3A_12 = arith.constant 0 : i32
    %dma_start3A_13 = tpu.memref_slice %arg3[%dma_start3A_9, %arg0, %arg1, %dma_start3A_10, %dma_start3A_11, %dma_start3A_12] : memref<2x2x16x8x10x125xi32, #tpu.memory_space<hbm>> -> memref<1x1x1x1x10x125xi32, #tpu.memory_space<hbm>>
    %dma_start3A_14 = tpu.memref_squeeze %dma_start3A_13 : memref<1x1x1x1x10x125xi32, #tpu.memory_space<hbm>> -> memref<10x125xi32, #tpu.memory_space<hbm>>
    %dma_start3A_15 = arith.constant 0 : i32
    %dma_start3A_16 = arith.constant 0 : i32
    %dma_start3A_17 = tpu.memref_slice %arg3[%dma_start3A_9, %arg0, %arg1, %dma_start3A_10, %dma_start3A_15, %dma_start3A_16] : memref<2x2x16x8x10x125xi32, #tpu.memory_space<hbm>> -> memref<1x1x1x1x10x125xi32, #tpu.memory_space<hbm>>
    %dma_start3A_18 = tpu.memref_squeeze %dma_start3A_17 : memref<1x1x1x1x10x125xi32, #tpu.memory_space<hbm>> -> memref<10x125xi32, #tpu.memory_space<hbm>>
    tpu.enqueue_dma source(%dma_start3A_18 : memref<10x125xi32, #tpu.memory_space<hbm>>) target(%arg6 : memref<10x125xi32, #tpu.memory_space<vmem>>) target_semaphore(%arg11 : memref<!tpu.dma_semaphore, #tpu.memory_space<semaphore_mem>>)
    %dma_start3A_19 = arith.constant 0 : i32
    %dma_start3A_20 = arith.constant 1 : i32
    %dma_start3A_21 = arith.constant 0 : i32
    %dma_start3A_22 = arith.constant 0 : i32
    %dma_start3A_23 = tpu.memref_slice %arg3[%dma_start3A_19, %arg0, %arg1, %dma_start3A_20, %dma_start3A_21, %dma_start3A_22] : memref<2x2x16x8x10x125xi32, #tpu.memory_space<hbm>> -> memref<1x1x1x1x10x125xi32, #tpu.memory_space<hbm>>
    %dma_start3A_24 = tpu.memref_squeeze %dma_start3A_23 : memref<1x1x1x1x10x125xi32, #tpu.memory_space<hbm>> -> memref<10x125xi32, #tpu.memory_space<hbm>>
    %dma_start3A_25 = arith.constant 0 : i32
    %dma_start3A_26 = arith.constant 0 : i32
    %dma_start3A_27 = tpu.memref_slice %arg3[%dma_start3A_19, %arg0, %arg1, %dma_start3A_20, %dma_start3A_25, %dma_start3A_26] : memref<2x2x16x8x10x125xi32, #tpu.memory_space<hbm>> -> memref<1x1x1x1x10x125xi32, #tpu.memory_space<hbm>>
    %dma_start3A_28 = tpu.memref_squeeze %dma_start3A_27 : memref<1x1x1x1x10x125xi32, #tpu.memory_space<hbm>> -> memref<10x125xi32, #tpu.memory_space<hbm>>
    tpu.enqueue_dma source(%dma_start3A_28 : memref<10x125xi32, #tpu.memory_space<hbm>>) target(%arg7 : memref<10x125xi32, #tpu.memory_space<vmem>>) target_semaphore(%arg12 : memref<!tpu.dma_semaphore, #tpu.memory_space<semaphore_mem>>)
    %dma_start3A_29 = arith.constant 1 : i32
    %dma_start3A_30 = arith.constant 1 : i32
    %dma_start3A_31 = arith.constant 0 : i32
    %dma_start3A_32 = arith.constant 0 : i32
    %dma_start3A_33 = tpu.memref_slice %arg3[%dma_start3A_29, %arg0, %arg1, %dma_start3A_30, %dma_start3A_31, %dma_start3A_32] : memref<2x2x16x8x10x125xi32, #tpu.memory_space<hbm>> -> memref<1x1x1x1x10x125xi32, #tpu.memory_space<hbm>>
    %dma_start3A_34 = tpu.memref_squeeze %dma_start3A_33 : memref<1x1x1x1x10x125xi32, #tpu.memory_space<hbm>> -> memref<10x125xi32, #tpu.memory_space<hbm>>
    %dma_start3A_35 = arith.constant 0 : i32
    %dma_start3A_36 = arith.constant 0 : i32
    %dma_start3A_37 = tpu.memref_slice %arg3[%dma_start3A_29, %arg0, %arg1, %dma_start3A_30, %dma_start3A_35, %dma_start3A_36] : memref<2x2x16x8x10x125xi32, #tpu.memory_space<hbm>> -> memref<1x1x1x1x10x125xi32, #tpu.memory_space<hbm>>
    %dma_start3A_38 = tpu.memref_squeeze %dma_start3A_37 : memref<1x1x1x1x10x125xi32, #tpu.memory_space<hbm>> -> memref<10x125xi32, #tpu.memory_space<hbm>>
    tpu.enqueue_dma source(%dma_start3A_38 : memref<10x125xi32, #tpu.memory_space<hbm>>) target(%arg8 : memref<10x125xi32, #tpu.memory_space<vmem>>) target_semaphore(%arg12 : memref<!tpu.dma_semaphore, #tpu.memory_space<semaphore_mem>>)
    %broadcast_in_dim3A = arith.constant 0.000000e+00 : f32
    %broadcast_in_dim3A_39 = vector.broadcast %broadcast_in_dim3A : f32 to vector<16xf32>
    %scan3A = arith.constant 0 : i32
    %scan3A_40 = arith.constant 96 : i32
    %scan3A_41 = arith.addi %scan3A, %scan3A_40 : i32
    %scan3A_42 = arith.constant 1 : i32
    scf.for %scan3A_93 = %scan3A to %scan3A_41 step %scan3A_42  : i32 {
      %mul3A_94 = arith.constant 1 : i32
      %mul3A_95 = arith.muli %scan3A_93, %mul3A_94 : i32
      %add3A_96 = arith.constant 0 : i32
      %add3A_97 = arith.addi %add3A_96, %mul3A_95 : i32
      %scan3A_98 = arith.constant 0 : i32
      %scan3A_99 = arith.constant 8 : i32
      %scan3A_100 = arith.addi %scan3A_98, %scan3A_99 : i32
      %scan3A_101 = arith.constant 1 : i32
      scf.for %scan3A_103 = %scan3A_98 to %scan3A_100 step %scan3A_101  : i32 {
        %mul3A_104 = arith.constant 16 : i32
        %mul3A_105 = arith.muli %scan3A_103, %mul3A_104 : i32
        %add3A_106 = arith.constant 0 : i32
        %add3A_107 = arith.addi %add3A_106, %mul3A_105 : i32
        %swap3A = arith.constant 1 : i32
        %swap3A_108 = arith.index_cast %swap3A : i32 to index
        %swap3A_109 = arith.index_cast %add3A_97 : i32 to index
        %swap3A_110 = arith.index_cast %add3A_107 : i32 to index
        %swap3A_111 = tpu.vector_load %arg9[%swap3A_108, %swap3A_109, %swap3A_110] {strides = array<i32>} : memref<2x125x128xf32, #tpu.memory_space<vmem>>, vector<1x1x16xf32>,
        %swap3A_112 = vector.shape_cast %swap3A_111 : vector<1x1x16xf32> to vector<16xf32>
        %swap3A_113 = vector.shape_cast %broadcast_in_dim3A_39 : vector<16xf32> to vector<1x1x16xf32>
        tpu.vector_store %arg9[%swap3A_108, %swap3A_109, %swap3A_110], %swap3A_113 {strides = array<i32>} : memref<2x125x128xf32, #tpu.memory_space<vmem>>, vector<1x1x16xf32>,
      }
      %scan3A_102 = arith.constant 8 : i32
    }
    %scan3A_43 = arith.constant 96 : i32
    %dma_wait3A = arith.constant 0 : i32
    %dma_wait3A_44 = arith.constant 0 : i32
    %dma_wait3A_45 = arith.constant 0 : i32
    %dma_wait3A_46 = arith.constant 0 : i32
    %dma_wait3A_47 = tpu.memref_slice %arg3[%dma_wait3A, %arg0, %arg1, %dma_wait3A_44, %dma_wait3A_45, %dma_wait3A_46] : memref<2x2x16x8x10x125xi32, #tpu.memory_space<hbm>> -> memref<1x1x1x1x10x125xi32, #tpu.memory_space<hbm>>
    %dma_wait3A_48 = tpu.memref_squeeze %dma_wait3A_47 : memref<1x1x1x1x10x125xi32, #tpu.memory_space<hbm>> -> memref<10x125xi32, #tpu.memory_space<hbm>>
    %dma_wait3A_49 = arith.constant 0 : i32
    %dma_wait3A_50 = arith.constant 0 : i32
    %dma_wait3A_51 = tpu.memref_slice %arg3[%dma_wait3A, %arg0, %arg1, %dma_wait3A_44, %dma_wait3A_49, %dma_wait3A_50] : memref<2x2x16x8x10x125xi32, #tpu.memory_space<hbm>> -> memref<1x1x1x1x10x125xi32, #tpu.memory_space<hbm>>
    %dma_wait3A_52 = tpu.memref_squeeze %dma_wait3A_51 : memref<1x1x1x1x10x125xi32, #tpu.memory_space<hbm>> -> memref<10x125xi32, #tpu.memory_space<hbm>>
    tpu.wait_dma2 semaphore(%arg11 : memref<!tpu.dma_semaphore, #tpu.memory_space<semaphore_mem>>) src(%dma_wait3A_52 : memref<10x125xi32, #tpu.memory_space<hbm>>) dst(%arg5 : memref<10x125xi32, #tpu.memory_space<vmem>>)
    %dma_wait3A_53 = arith.constant 1 : i32
    %dma_wait3A_54 = arith.constant 0 : i32
    %dma_wait3A_55 = arith.constant 0 : i32
    %dma_wait3A_56 = arith.constant 0 : i32
    %dma_wait3A_57 = tpu.memref_slice %arg3[%dma_wait3A_53, %arg0, %arg1, %dma_wait3A_54, %dma_wait3A_55, %dma_wait3A_56] : memref<2x2x16x8x10x125xi32, #tpu.memory_space<hbm>> -> memref<1x1x1x1x10x125xi32, #tpu.memory_space<hbm>>
    %dma_wait3A_58 = tpu.memref_squeeze %dma_wait3A_57 : memref<1x1x1x1x10x125xi32, #tpu.memory_space<hbm>> -> memref<10x125xi32, #tpu.memory_space<hbm>>
    %dma_wait3A_59 = arith.constant 0 : i32
    %dma_wait3A_60 = arith.constant 0 : i32
    %dma_wait3A_61 = tpu.memref_slice %arg3[%dma_wait3A_53, %arg0, %arg1, %dma_wait3A_54, %dma_wait3A_59, %dma_wait3A_60] : memref<2x2x16x8x10x125xi32, #tpu.memory_space<hbm>> -> memref<1x1x1x1x10x125xi32, #tpu.memory_space<hbm>>
    %dma_wait3A_62 = tpu.memref_squeeze %dma_wait3A_61 : memref<1x1x1x1x10x125xi32, #tpu.memory_space<hbm>> -> memref<10x125xi32, #tpu.memory_space<hbm>>
    tpu.wait_dma2 semaphore(%arg11 : memref<!tpu.dma_semaphore, #tpu.memory_space<semaphore_mem>>) src(%dma_wait3A_62 : memref<10x125xi32, #tpu.memory_space<hbm>>) dst(%arg6 : memref<10x125xi32, #tpu.memory_space<vmem>>)
    %dma_start3A_63 = arith.constant 0 : i32
    %dma_start3A_64 = arith.constant 0 : i32
    %dma_start3A_65 = arith.constant 0 : i32
    %dma_start3A_66 = arith.constant 0 : i32
    %dma_start3A_67 = tpu.memref_slice %arg9[%dma_start3A_64, %dma_start3A_65, %dma_start3A_66] : memref<2x125x128xf32, #tpu.memory_space<vmem>> -> memref<1x125x128xf32, #tpu.memory_space<vmem>>
    %dma_start3A_68 = tpu.memref_squeeze %dma_start3A_67 : memref<1x125x128xf32, #tpu.memory_space<vmem>> -> memref<125x128xf32, #tpu.memory_space<vmem>>
    %dma_start3A_69 = arith.constant 0 : i32
    %dma_start3A_70 = tpu.memref_slice %arg5[%dma_start3A_63, %dma_start3A_69] : memref<10x125xi32, #tpu.memory_space<vmem>> -> memref<1x125xi32, #tpu.memory_space<vmem>>
    %dma_start3A_71 = tpu.memref_squeeze %dma_start3A_70 : memref<1x125xi32, #tpu.memory_space<vmem>> -> memref<125xi32, #tpu.memory_space<vmem>>
    %dma_start3A_72 = arith.constant 0 : i32
    %dma_start3A_73 = arith.constant 0 : i32
    %dma_start3A_74 = tpu.memref_slice %arg2[%dma_start3A_72, %dma_start3A_73] : memref<10000x128xf32, #tpu.memory_space<hbm>> -> memref<10000x128xf32, #tpu.memory_space<hbm>>
    tpu.enqueue_indirect_dma source(%dma_start3A_74 : memref<10000x128xf32, #tpu.memory_space<hbm>>) target(%dma_start3A_68 : memref<125x128xf32, #tpu.memory_space<vmem>>) offsets(%dma_start3A_71 : memref<125xi32, #tpu.memory_space<vmem>>) semaphore(%arg13 : memref<!tpu.dma_semaphore, #tpu.memory_space<semaphore_mem>>)
    %mul3A = arith.constant 632 : i32
    %mul3A_75 = arith.muli %arg1, %mul3A : i32
    %min3A = arith.constant 9368 : i32
    %min3A_76 = arith.minsi %mul3A_75, %min3A : i32
    %multiple_of3A = tpu.assume_multiple %min3A_76, 8 : i32
    %scan3A_77 = arith.constant 0 : i32
    %scan3A_78 = arith.constant 6 : i32
    %scan3A_79 = arith.addi %scan3A_77, %scan3A_78 : i32
    %scan3A_80 = arith.constant 1 : i32
    scf.for %scan3A_93 = %scan3A_77 to %scan3A_79 step %scan3A_80  : i32 {
      %mul3A_94 = arith.constant 1 : i32
      %mul3A_95 = arith.muli %scan3A_93, %mul3A_94 : i32
      %add3A_96 = arith.constant 0 : i32
      %add3A_97 = arith.addi %add3A_96, %mul3A_95 : i32
      %mul3A_98 = arith.constant 96 : i32
      %mul3A_99 = arith.muli %add3A_97, %mul3A_98 : i32
      %add3A_100 = arith.addi %multiple_of3A, %mul3A_99 : i32
      %multiple_of3A_101 = tpu.assume_multiple %add3A_100, 8 : i32
      %run_scoped3A_102 = arith.constant 1 : i32
      "tpu.region"() ({
        %run_scoped3A_103 = tpu.sem_alloc : memref<!tpu.dma_semaphore, #tpu.memory_space<semaphore_mem>>
        %dma_start3A_104 = arith.constant 0 : i32
        %dma_start3A_105 = arith.constant 0 : i32
        %dma_start3A_106 = tpu.memref_slice %arg9[%run_scoped3A_102, %dma_start3A_104, %dma_start3A_105] : memref<2x125x128xf32, #tpu.memory_space<vmem>> -> memref<1x96x128xf32, #tpu.memory_space<vmem>>
        %dma_start3A_107 = tpu.memref_squeeze %dma_start3A_106 : memref<1x96x128xf32, #tpu.memory_space<vmem>> -> memref<96x128xf32, #tpu.memory_space<vmem>>
        %dma_start3A_108 = arith.constant 0 : i32
        %dma_start3A_109 = tpu.memref_slice %arg10[%multiple_of3A_101, %dma_start3A_108] : memref<10000x128xf32, #tpu.memory_space<vmem_shared>> -> memref<96x128xf32, #tpu.memory_space<vmem_shared>>
        %dma_start3A_110 = arith.constant 0 : i32
        %dma_start3A_111 = tpu.memref_slice %arg10[%multiple_of3A_101, %dma_start3A_110] : memref<10000x128xf32, #tpu.memory_space<vmem_shared>> -> memref<96x128xf32, #tpu.memory_space<vmem_shared>>
        %dma_start3A_112 = arith.constant 0 : i32
        %dma_start3A_113 = arith.constant 0 : i32
        %dma_start3A_114 = tpu.memref_slice %arg9[%run_scoped3A_102, %dma_start3A_112, %dma_start3A_113] : memref<2x125x128xf32, #tpu.memory_space<vmem>> -> memref<1x96x128xf32, #tpu.memory_space<vmem>>
        %dma_start3A_115 = tpu.memref_squeeze %dma_start3A_114 : memref<1x96x128xf32, #tpu.memory_space<vmem>> -> memref<96x128xf32, #tpu.memory_space<vmem>>
        tpu.enqueue_dma source(%dma_start3A_115 : memref<96x128xf32, #tpu.memory_space<vmem>>) target(%dma_start3A_111 : memref<96x128xf32, #tpu.memory_space<vmem_shared>>) target_semaphore(%run_scoped3A_103 : memref<!tpu.dma_semaphore, #tpu.memory_space<semaphore_mem>>)
        %dma_wait3A_116 = arith.constant 0 : i32
        %dma_wait3A_117 = arith.constant 0 : i32
        %dma_wait3A_118 = tpu.memref_slice %arg9[%run_scoped3A_102, %dma_wait3A_116, %dma_wait3A_117] : memref<2x125x128xf32, #tpu.memory_space<vmem>> -> memref<1x96x128xf32, #tpu.memory_space<vmem>>
        %dma_wait3A_119 = tpu.memref_squeeze %dma_wait3A_118 : memref<1x96x128xf32, #tpu.memory_space<vmem>> -> memref<96x128xf32, #tpu.memory_space<vmem>>
        %dma_wait3A_120 = arith.constant 0 : i32
        %dma_wait3A_121 = tpu.memref_slice %arg10[%multiple_of3A_101, %dma_wait3A_120] : memref<10000x128xf32, #tpu.memory_space<vmem_shared>> -> memref<96x128xf32, #tpu.memory_space<vmem_shared>>
        %dma_wait3A_122 = arith.constant 0 : i32
        %dma_wait3A_123 = tpu.memref_slice %arg10[%multiple_of3A_101, %dma_wait3A_122] : memref<10000x128xf32, #tpu.memory_space<vmem_shared>> -> memref<96x128xf32, #tpu.memory_space<vmem_shared>>
        %dma_wait3A_124 = arith.constant 0 : i32
        %dma_wait3A_125 = arith.constant 0 : i32
        %dma_wait3A_126 = tpu.memref_slice %arg9[%run_scoped3A_102, %dma_wait3A_124, %dma_wait3A_125] : memref<2x125x128xf32, #tpu.memory_space<vmem>> -> memref<1x96x128xf32, #tpu.memory_space<vmem>>
        %dma_wait3A_127 = tpu.memref_squeeze %dma_wait3A_126 : memref<1x96x128xf32, #tpu.memory_space<vmem>> -> memref<96x128xf32, #tpu.memory_space<vmem>>
        tpu.wait_dma2 semaphore(%run_scoped3A_103 : memref<!tpu.dma_semaphore, #tpu.memory_space<semaphore_mem>>) src(%dma_wait3A_127 : memref<96x128xf32, #tpu.memory_space<vmem>>) dst(%dma_wait3A_123 : memref<96x128xf32, #tpu.memory_space<vmem_shared>>)
        tpu.yield
      }) : () -> ()
    }
    %scan3A_81 = arith.constant 6 : i32
    %add3A = arith.constant 632 : i32
    %add3A_82 = arith.addi %multiple_of3A, %add3A : i32
    %sub3A = arith.constant 56 : i32
    %sub3A_83 = arith.subi %add3A_82, %sub3A : i32
    %multiple_of3A_84 = tpu.assume_multiple %sub3A_83, 8 : i32
    %run_scoped3A = arith.constant 1 : i32
    "tpu.region"() ({
      %run_scoped3A_93 = tpu.sem_alloc : memref<!tpu.dma_semaphore, #tpu.memory_space<semaphore_mem>>
      %dma_start3A_94 = arith.constant 0 : i32
      %dma_start3A_95 = arith.constant 0 : i32
      %dma_start3A_96 = tpu.memref_slice %arg9[%run_scoped3A, %dma_start3A_94, %dma_start3A_95] : memref<2x125x128xf32, #tpu.memory_space<vmem>> -> memref<1x56x128xf32, #tpu.memory_space<vmem>>
      %dma_start3A_97 = tpu.memref_squeeze %dma_start3A_96 : memref<1x56x128xf32, #tpu.memory_space<vmem>> -> memref<56x128xf32, #tpu.memory_space<vmem>>
      %dma_start3A_98 = arith.constant 0 : i32
      %dma_start3A_99 = tpu.memref_slice %arg10[%multiple_of3A_84, %dma_start3A_98] : memref<10000x128xf32, #tpu.memory_space<vmem_shared>> -> memref<56x128xf32, #tpu.memory_space<vmem_shared>>
      %dma_start3A_100 = arith.constant 0 : i32
      %dma_start3A_101 = tpu.memref_slice %arg10[%multiple_of3A_84, %dma_start3A_100] : memref<10000x128xf32, #tpu.memory_space<vmem_shared>> -> memref<56x128xf32, #tpu.memory_space<vmem_shared>>
      %dma_start3A_102 = arith.constant 0 : i32
      %dma_start3A_103 = arith.constant 0 : i32
      %dma_start3A_104 = tpu.memref_slice %arg9[%run_scoped3A, %dma_start3A_102, %dma_start3A_103] : memref<2x125x128xf32, #tpu.memory_space<vmem>> -> memref<1x56x128xf32, #tpu.memory_space<vmem>>
      %dma_start3A_105 = tpu.memref_squeeze %dma_start3A_104 : memref<1x56x128xf32, #tpu.memory_space<vmem>> -> memref<56x128xf32, #tpu.memory_space<vmem>>
      tpu.enqueue_dma source(%dma_start3A_105 : memref<56x128xf32, #tpu.memory_space<vmem>>) target(%dma_start3A_101 : memref<56x128xf32, #tpu.memory_space<vmem_shared>>) target_semaphore(%run_scoped3A_93 : memref<!tpu.dma_semaphore, #tpu.memory_space<semaphore_mem>>)
      %dma_wait3A_106 = arith.constant 0 : i32
      %dma_wait3A_107 = arith.constant 0 : i32
      %dma_wait3A_108 = tpu.memref_slice %arg9[%run_scoped3A, %dma_wait3A_106, %dma_wait3A_107] : memref<2x125x128xf32, #tpu.memory_space<vmem>> -> memref<1x56x128xf32, #tpu.memory_space<vmem>>
      %dma_wait3A_109 = tpu.memref_squeeze %dma_wait3A_108 : memref<1x56x128xf32, #tpu.memory_space<vmem>> -> memref<56x128xf32, #tpu.memory_space<vmem>>
      %dma_wait3A_110 = arith.constant 0 : i32
      %dma_wait3A_111 = tpu.memref_slice %arg10[%multiple_of3A_84, %dma_wait3A_110] : memref<10000x128xf32, #tpu.memory_space<vmem_shared>> -> memref<56x128xf32, #tpu.memory_space<vmem_shared>>
      %dma_wait3A_112 = arith.constant 0 : i32
      %dma_wait3A_113 = tpu.memref_slice %arg10[%multiple_of3A_84, %dma_wait3A_112] : memref<10000x128xf32, #tpu.memory_space<vmem_shared>> -> memref<56x128xf32, #tpu.memory_space<vmem_shared>>
      %dma_wait3A_114 = arith.constant 0 : i32
      %dma_wait3A_115 = arith.constant 0 : i32
      %dma_wait3A_116 = tpu.memref_slice %arg9[%run_scoped3A, %dma_wait3A_114, %dma_wait3A_115] : memref<2x125x128xf32, #tpu.memory_space<vmem>> -> memref<1x56x128xf32, #tpu.memory_space<vmem>>
      %dma_wait3A_117 = tpu.memref_squeeze %dma_wait3A_116 : memref<1x56x128xf32, #tpu.memory_space<vmem>> -> memref<56x128xf32, #tpu.memory_space<vmem>>
      tpu.wait_dma2 semaphore(%run_scoped3A_93 : memref<!tpu.dma_semaphore, #tpu.memory_space<semaphore_mem>>) src(%dma_wait3A_117 : memref<56x128xf32, #tpu.memory_space<vmem>>) dst(%dma_wait3A_113 : memref<56x128xf32, #tpu.memory_space<vmem_shared>>)
      tpu.yield
    }) : () -> ()
    %barrier3A = arith.constant 0 : index
    tpu.barrier barrier_id(%barrier3A)
    %scan3A_85 = arith.constant 1 : i32
    %scan3A_86 = arith.constant 0 : i32
    %scan3A_87 = arith.constant 0 : i32
    %scan3A_88 = arith.constant 4 : i32
    %scan3A_89 = arith.addi %scan3A_87, %scan3A_88 : i32
    %scan3A_90 = arith.constant 1 : i32
    scf.for %scan3A_93 = %scan3A_87 to %scan3A_89 step %scan3A_90  : i32 {
      %mul3A_94 = arith.constant 1 : i32
      %mul3A_95 = arith.muli %scan3A_93, %mul3A_94 : i32
      %add3A_96 = arith.constant 0 : i32
      %add3A_97 = arith.addi %add3A_96, %mul3A_95 : i32
      %mul3A_98 = arith.constant 2 : i32
      %mul3A_99 = arith.muli %add3A_97, %mul3A_98 : i32
      %add3A_100 = arith.constant 1 : i32
      %add3A_101 = arith.addi %mul3A_99, %add3A_100 : i32
      %gt3A = arith.constant 0 : i32
      %gt3A_102 = arith.cmpi sgt, %add3A_97, %gt3A : i32
      %convert_element_type3A = arith.extui %gt3A_102 : i1 to i32
      %cond3A = arith.constant 0 : i32
      %cond3A_103 = arith.cmpi ne, %convert_element_type3A, %cond3A : i32
      scf.if %cond3A_103 {
        %dma_start3A_604 = arith.constant 0 : i32
        %dma_start3A_605 = arith.constant 0 : i32
        %dma_start3A_606 = arith.constant 0 : i32
        %dma_start3A_607 = tpu.memref_slice %arg3[%dma_start3A_604, %arg0, %arg1, %add3A_101, %dma_start3A_605, %dma_start3A_606] : memref<2x2x16x8x10x125xi32, #tpu.memory_space<hbm>> -> memref<1x1x1x1x10x125xi32, #tpu.memory_space<hbm>>
        %dma_start3A_608 = tpu.memref_squeeze %dma_start3A_607 : memref<1x1x1x1x10x125xi32, #tpu.memory_space<hbm>> -> memref<10x125xi32, #tpu.memory_space<hbm>>
        %dma_start3A_609 = arith.constant 0 : i32
        %dma_start3A_610 = arith.constant 0 : i32
        %dma_start3A_611 = tpu.memref_slice %arg3[%dma_start3A_604, %arg0, %arg1, %add3A_101, %dma_start3A_609, %dma_start3A_610] : memref<2x2x16x8x10x125xi32, #tpu.memory_space<hbm>> -> memref<1x1x1x1x10x125xi32, #tpu.memory_space<hbm>>
        %dma_start3A_612 = tpu.memref_squeeze %dma_start3A_611 : memref<1x1x1x1x10x125xi32, #tpu.memory_space<hbm>> -> memref<10x125xi32, #tpu.memory_space<hbm>>
        tpu.enqueue_dma source(%dma_start3A_612 : memref<10x125xi32, #tpu.memory_space<hbm>>) target(%arg7 : memref<10x125xi32, #tpu.memory_space<vmem>>) target_semaphore(%arg12 : memref<!tpu.dma_semaphore, #tpu.memory_space<semaphore_mem>>)
        %dma_start3A_613 = arith.constant 1 : i32
        %dma_start3A_614 = arith.constant 0 : i32
        %dma_start3A_615 = arith.constant 0 : i32
        %dma_start3A_616 = tpu.memref_slice %arg3[%dma_start3A_613, %arg0, %arg1, %add3A_101, %dma_start3A_614, %dma_start3A_615] : memref<2x2x16x8x10x125xi32, #tpu.memory_space<hbm>> -> memref<1x1x1x1x10x125xi32, #tpu.memory_space<hbm>>
        %dma_start3A_617 = tpu.memref_squeeze %dma_start3A_616 : memref<1x1x1x1x10x125xi32, #tpu.memory_space<hbm>> -> memref<10x125xi32, #tpu.memory_space<hbm>>
        %dma_start3A_618 = arith.constant 0 : i32
        %dma_start3A_619 = arith.constant 0 : i32
        %dma_start3A_620 = tpu.memref_slice %arg3[%dma_start3A_613, %arg0, %arg1, %add3A_101, %dma_start3A_618, %dma_start3A_619] : memref<2x2x16x8x10x125xi32, #tpu.memory_space<hbm>> -> memref<1x1x1x1x10x125xi32, #tpu.memory_space<hbm>>
        %dma_start3A_621 = tpu.memref_squeeze %dma_start3A_620 : memref<1x1x1x1x10x125xi32, #tpu.memory_space<hbm>> -> memref<10x125xi32, #tpu.memory_space<hbm>>
        tpu.enqueue_dma source(%dma_start3A_621 : memref<10x125xi32, #tpu.memory_space<hbm>>) target(%arg8 : memref<10x125xi32, #tpu.memory_space<vmem>>) target_semaphore(%arg12 : memref<!tpu.dma_semaphore, #tpu.memory_space<semaphore_mem>>)
      } else {
      }
      %dma_start3A_104 = arith.constant 1 : i32
      %dma_start3A_105 = arith.constant 0 : i32
      %dma_start3A_106 = arith.constant 0 : i32
      %dma_start3A_107 = tpu.memref_slice %arg9[%scan3A_85, %dma_start3A_105, %dma_start3A_106] : memref<2x125x128xf32, #tpu.memory_space<vmem>> -> memref<1x125x128xf32, #tpu.memory_space<vmem>>
      %dma_start3A_108 = tpu.memref_squeeze %dma_start3A_107 : memref<1x125x128xf32, #tpu.memory_space<vmem>> -> memref<125x128xf32, #tpu.memory_space<vmem>>
      %dma_start3A_109 = arith.constant 0 : i32
      %dma_start3A_110 = tpu.memref_slice %arg5[%dma_start3A_104, %dma_start3A_109] : memref<10x125xi32, #tpu.memory_space<vmem>> -> memref<1x125xi32, #tpu.memory_space<vmem>>
      %dma_start3A_111 = tpu.memref_squeeze %dma_start3A_110 : memref<1x125xi32, #tpu.memory_space<vmem>> -> memref<125xi32, #tpu.memory_space<vmem>>
      %dma_start3A_112 = arith.constant 0 : i32
      %dma_start3A_113 = arith.constant 0 : i32
      %dma_start3A_114 = tpu.memref_slice %arg2[%dma_start3A_112, %dma_start3A_113] : memref<10000x128xf32, #tpu.memory_space<hbm>> -> memref<10000x128xf32, #tpu.memory_space<hbm>>
      tpu.enqueue_indirect_dma source(%dma_start3A_114 : memref<10000x128xf32, #tpu.memory_space<hbm>>) target(%dma_start3A_108 : memref<125x128xf32, #tpu.memory_space<vmem>>) offsets(%dma_start3A_111 : memref<125xi32, #tpu.memory_space<vmem>>) semaphore(%arg14 : memref<!tpu.dma_semaphore, #tpu.memory_space<semaphore_mem>>)
      %dma_wait3A_115 = arith.constant 0 : i32
      %dma_wait3A_116 = arith.constant 0 : i32
      %dma_wait3A_117 = arith.constant 0 : i32
      %dma_wait3A_118 = tpu.memref_slice %arg9[%scan3A_86, %dma_wait3A_116, %dma_wait3A_117] : memref<2x125x128xf32, #tpu.memory_space<vmem>> -> memref<1x125x128xf32, #tpu.memory_space<vmem>>
      %dma_wait3A_119 = tpu.memref_squeeze %dma_wait3A_118 : memref<1x125x128xf32, #tpu.memory_space<vmem>> -> memref<125x128xf32, #tpu.memory_space<vmem>>
      %dma_wait3A_120 = arith.constant 0 : i32
      %dma_wait3A_121 = tpu.memref_slice %arg5[%dma_wait3A_115, %dma_wait3A_120] : memref<10x125xi32, #tpu.memory_space<vmem>> -> memref<1x125xi32, #tpu.memory_space<vmem>>
      %dma_wait3A_122 = tpu.memref_squeeze %dma_wait3A_121 : memref<1x125xi32, #tpu.memory_space<vmem>> -> memref<125xi32, #tpu.memory_space<vmem>>
      %dma_wait3A_123 = arith.constant 0 : i32
      %dma_wait3A_124 = arith.constant 0 : i32
      %dma_wait3A_125 = tpu.memref_slice %arg2[%dma_wait3A_123, %dma_wait3A_124] : memref<10000x128xf32, #tpu.memory_space<hbm>> -> memref<10000x128xf32, #tpu.memory_space<hbm>>
      tpu.wait_indirect_dma semaphore(%arg13 : memref<!tpu.dma_semaphore, #tpu.memory_space<semaphore_mem>>) src(%dma_wait3A_125 : memref<10000x128xf32, #tpu.memory_space<hbm>>) dst(%dma_wait3A_119 : memref<125x128xf32, #tpu.memory_space<vmem>>)
      %run_scoped3A_126 = arith.constant 0 : i32
      %run_scoped3A_127 = arith.constant 0 : i32
      "tpu.region"() ({
        %run_scoped3A_604 = tpu.sem_alloc : memref<!tpu.dma_semaphore, #tpu.memory_space<semaphore_mem>>
        %dma_start3A_605 = arith.constant 0 : i32
        %dma_start3A_606 = arith.constant 0 : i32
        %dma_start3A_607 = tpu.memref_slice %arg9[%run_scoped3A_126, %dma_start3A_605, %dma_start3A_606] : memref<2x125x128xf32, #tpu.memory_space<vmem>> -> memref<1x125x128xf32, #tpu.memory_space<vmem>>
        %dma_start3A_608 = tpu.memref_squeeze %dma_start3A_607 : memref<1x125x128xf32, #tpu.memory_space<vmem>> -> memref<125x128xf32, #tpu.memory_space<vmem>>
        %dma_start3A_609 = arith.constant 0 : i32
        %dma_start3A_610 = tpu.memref_slice %arg6[%run_scoped3A_127, %dma_start3A_609] : memref<10x125xi32, #tpu.memory_space<vmem>> -> memref<1x125xi32, #tpu.memory_space<vmem>>
        %dma_start3A_611 = tpu.memref_squeeze %dma_start3A_610 : memref<1x125xi32, #tpu.memory_space<vmem>> -> memref<125xi32, #tpu.memory_space<vmem>>
        %dma_start3A_612 = arith.constant 0 : i32
        %dma_start3A_613 = arith.constant 0 : i32
        %dma_start3A_614 = tpu.memref_slice %arg10[%dma_start3A_612, %dma_start3A_613] : memref<10000x128xf32, #tpu.memory_space<vmem_shared>> -> memref<10000x128xf32, #tpu.memory_space<vmem_shared>>
        tpu.enqueue_indirect_dma source(%dma_start3A_608 : memref<125x128xf32, #tpu.memory_space<vmem>>) target(%dma_start3A_614 : memref<10000x128xf32, #tpu.memory_space<vmem_shared>>) offsets(%dma_start3A_611 : memref<125xi32, #tpu.memory_space<vmem>>) semaphore(%run_scoped3A_604 : memref<!tpu.dma_semaphore, #tpu.memory_space<semaphore_mem>>) {add = true}
        %dma_wait3A_615 = arith.constant 0 : i32
        %dma_wait3A_616 = arith.constant 0 : i32
        %dma_wait3A_617 = tpu.memref_slice %arg9[%run_scoped3A_126, %dma_wait3A_615, %dma_wait3A_616] : memref<2x125x128xf32, #tpu.memory_space<vmem>> -> memref<1x125x128xf32, #tpu.memory_space<vmem>>
        %dma_wait3A_618 = tpu.memref_squeeze %dma_wait3A_617 : memref<1x125x128xf32, #tpu.memory_space<vmem>> -> memref<125x128xf32, #tpu.memory_space<vmem>>
        %dma_wait3A_619 = arith.constant 0 : i32
        %dma_wait3A_620 = tpu.memref_slice %arg6[%run_scoped3A_127, %dma_wait3A_619] : memref<10x125xi32, #tpu.memory_space<vmem>> -> memref<1x125xi32, #tpu.memory_space<vmem>>
        %dma_wait3A_621 = tpu.memref_squeeze %dma_wait3A_620 : memref<1x125xi32, #tpu.memory_space<vmem>> -> memref<125xi32, #tpu.memory_space<vmem>>
        %dma_wait3A_622 = arith.constant 0 : i32
        %dma_wait3A_623 = arith.constant 0 : i32
        %dma_wait3A_624 = tpu.memref_slice %arg10[%dma_wait3A_622, %dma_wait3A_623] : memref<10000x128xf32, #tpu.memory_space<vmem_shared>> -> memref<10000x128xf32, #tpu.memory_space<vmem_shared>>
        tpu.wait_indirect_dma semaphore(%run_scoped3A_604 : memref<!tpu.dma_semaphore, #tpu.memory_space<semaphore_mem>>) src(%dma_wait3A_618 : memref<125x128xf32, #tpu.memory_space<vmem>>) dst(%dma_wait3A_624 : memref<10000x128xf32, #tpu.memory_space<vmem_shared>>)
        tpu.yield
      }) : () -> ()
      %dma_start3A_128 = arith.constant 2 : i32
      %dma_start3A_129 = arith.constant 0 : i32
      %dma_start3A_130 = arith.constant 0 : i32
      %dma_start3A_131 = tpu.memref_slice %arg9[%scan3A_86, %dma_start3A_129, %dma_start3A_130] : memref<2x125x128xf32, #tpu.memory_space<vmem>> -> memref<1x125x128xf32, #tpu.memory_space<vmem>>
      %dma_start3A_132 = tpu.memref_squeeze %dma_start3A_131 : memref<1x125x128xf32, #tpu.memory_space<vmem>> -> memref<125x128xf32, #tpu.memory_space<vmem>>
      %dma_start3A_133 = arith.constant 0 : i32
      %dma_start3A_134 = tpu.memref_slice %arg5[%dma_start3A_128, %dma_start3A_133] : memref<10x125xi32, #tpu.memory_space<vmem>> -> memref<1x125xi32, #tpu.memory_space<vmem>>
      %dma_start3A_135 = tpu.memref_squeeze %dma_start3A_134 : memref<1x125xi32, #tpu.memory_space<vmem>> -> memref<125xi32, #tpu.memory_space<vmem>>
      %dma_start3A_136 = arith.constant 0 : i32
      %dma_start3A_137 = arith.constant 0 : i32
      %dma_start3A_138 = tpu.memref_slice %arg2[%dma_start3A_136, %dma_start3A_137] : memref<10000x128xf32, #tpu.memory_space<hbm>> -> memref<10000x128xf32, #tpu.memory_space<hbm>>
      tpu.enqueue_indirect_dma source(%dma_start3A_138 : memref<10000x128xf32, #tpu.memory_space<hbm>>) target(%dma_start3A_132 : memref<125x128xf32, #tpu.memory_space<vmem>>) offsets(%dma_start3A_135 : memref<125xi32, #tpu.memory_space<vmem>>) semaphore(%arg13 : memref<!tpu.dma_semaphore, #tpu.memory_space<semaphore_mem>>)
      %dma_wait3A_139 = arith.constant 1 : i32
      %dma_wait3A_140 = arith.constant 0 : i32
      %dma_wait3A_141 = arith.constant 0 : i32
      %dma_wait3A_142 = tpu.memref_slice %arg9[%scan3A_85, %dma_wait3A_140, %dma_wait3A_141] : memref<2x125x128xf32, #tpu.memory_space<vmem>> -> memref<1x125x128xf32, #tpu.memory_space<vmem>>
      %dma_wait3A_143 = tpu.memref_squeeze %dma_wait3A_142 : memref<1x125x128xf32, #tpu.memory_space<vmem>> -> memref<125x128xf32, #tpu.memory_space<vmem>>
      %dma_wait3A_144 = arith.constant 0 : i32
      %dma_wait3A_145 = tpu.memref_slice %arg5[%dma_wait3A_139, %dma_wait3A_144] : memref<10x125xi32, #tpu.memory_space<vmem>> -> memref<1x125xi32, #tpu.memory_space<vmem>>
      %dma_wait3A_146 = tpu.memref_squeeze %dma_wait3A_145 : memref<1x125xi32, #tpu.memory_space<vmem>> -> memref<125xi32, #tpu.memory_space<vmem>>
      %dma_wait3A_147 = arith.constant 0 : i32
      %dma_wait3A_148 = arith.constant 0 : i32
      %dma_wait3A_149 = tpu.memref_slice %arg2[%dma_wait3A_147, %dma_wait3A_148] : memref<10000x128xf32, #tpu.memory_space<hbm>> -> memref<10000x128xf32, #tpu.memory_space<hbm>>
      tpu.wait_indirect_dma semaphore(%arg14 : memref<!tpu.dma_semaphore, #tpu.memory_space<semaphore_mem>>) src(%dma_wait3A_149 : memref<10000x128xf32, #tpu.memory_space<hbm>>) dst(%dma_wait3A_143 : memref<125x128xf32, #tpu.memory_space<vmem>>)
      %run_scoped3A_150 = arith.constant 1 : i32
      %run_scoped3A_151 = arith.constant 1 : i32
      "tpu.region"() ({
        %run_scoped3A_604 = tpu.sem_alloc : memref<!tpu.dma_semaphore, #tpu.memory_space<semaphore_mem>>
        %dma_start3A_605 = arith.constant 0 : i32
        %dma_start3A_606 = arith.constant 0 : i32
        %dma_start3A_607 = tpu.memref_slice %arg9[%run_scoped3A_150, %dma_start3A_605, %dma_start3A_606] : memref<2x125x128xf32, #tpu.memory_space<vmem>> -> memref<1x125x128xf32, #tpu.memory_space<vmem>>
        %dma_start3A_608 = tpu.memref_squeeze %dma_start3A_607 : memref<1x125x128xf32, #tpu.memory_space<vmem>> -> memref<125x128xf32, #tpu.memory_space<vmem>>
        %dma_start3A_609 = arith.constant 0 : i32
        %dma_start3A_610 = tpu.memref_slice %arg6[%run_scoped3A_151, %dma_start3A_609] : memref<10x125xi32, #tpu.memory_space<vmem>> -> memref<1x125xi32, #tpu.memory_space<vmem>>
        %dma_start3A_611 = tpu.memref_squeeze %dma_start3A_610 : memref<1x125xi32, #tpu.memory_space<vmem>> -> memref<125xi32, #tpu.memory_space<vmem>>
        %dma_start3A_612 = arith.constant 0 : i32
        %dma_start3A_613 = arith.constant 0 : i32
        %dma_start3A_614 = tpu.memref_slice %arg10[%dma_start3A_612, %dma_start3A_613] : memref<10000x128xf32, #tpu.memory_space<vmem_shared>> -> memref<10000x128xf32, #tpu.memory_space<vmem_shared>>
        tpu.enqueue_indirect_dma source(%dma_start3A_608 : memref<125x128xf32, #tpu.memory_space<vmem>>) target(%dma_start3A_614 : memref<10000x128xf32, #tpu.memory_space<vmem_shared>>) offsets(%dma_start3A_611 : memref<125xi32, #tpu.memory_space<vmem>>) semaphore(%run_scoped3A_604 : memref<!tpu.dma_semaphore, #tpu.memory_space<semaphore_mem>>) {add = true}
        %dma_wait3A_615 = arith.constant 0 : i32
        %dma_wait3A_616 = arith.constant 0 : i32
        %dma_wait3A_617 = tpu.memref_slice %arg9[%run_scoped3A_150, %dma_wait3A_615, %dma_wait3A_616] : memref<2x125x128xf32, #tpu.memory_space<vmem>> -> memref<1x125x128xf32, #tpu.memory_space<vmem>>
        %dma_wait3A_618 = tpu.memref_squeeze %dma_wait3A_617 : memref<1x125x128xf32, #tpu.memory_space<vmem>> -> memref<125x128xf32, #tpu.memory_space<vmem>>
        %dma_wait3A_619 = arith.constant 0 : i32
        %dma_wait3A_620 = tpu.memref_slice %arg6[%run_scoped3A_151, %dma_wait3A_619] : memref<10x125xi32, #tpu.memory_space<vmem>> -> memref<1x125xi32, #tpu.memory_space<vmem>>
        %dma_wait3A_621 = tpu.memref_squeeze %dma_wait3A_620 : memref<1x125xi32, #tpu.memory_space<vmem>> -> memref<125xi32, #tpu.memory_space<vmem>>
        %dma_wait3A_622 = arith.constant 0 : i32
        %dma_wait3A_623 = arith.constant 0 : i32
        %dma_wait3A_624 = tpu.memref_slice %arg10[%dma_wait3A_622, %dma_wait3A_623] : memref<10000x128xf32, #tpu.memory_space<vmem_shared>> -> memref<10000x128xf32, #tpu.memory_space<vmem_shared>>
        tpu.wait_indirect_dma semaphore(%run_scoped3A_604 : memref<!tpu.dma_semaphore, #tpu.memory_space<semaphore_mem>>) src(%dma_wait3A_618 : memref<125x128xf32, #tpu.memory_space<vmem>>) dst(%dma_wait3A_624 : memref<10000x128xf32, #tpu.memory_space<vmem_shared>>)
        tpu.yield
      }) : () -> ()
      %dma_start3A_152 = arith.constant 3 : i32
      %dma_start3A_153 = arith.constant 0 : i32
      %dma_start3A_154 = arith.constant 0 : i32
      %dma_start3A_155 = tpu.memref_slice %arg9[%scan3A_85, %dma_start3A_153, %dma_start3A_154] : memref<2x125x128xf32, #tpu.memory_space<vmem>> -> memref<1x125x128xf32, #tpu.memory_space<vmem>>
      %dma_start3A_156 = tpu.memref_squeeze %dma_start3A_155 : memref<1x125x128xf32, #tpu.memory_space<vmem>> -> memref<125x128xf32, #tpu.memory_space<vmem>>
      %dma_start3A_157 = arith.constant 0 : i32
      %dma_start3A_158 = tpu.memref_slice %arg5[%dma_start3A_152, %dma_start3A_157] : memref<10x125xi32, #tpu.memory_space<vmem>> -> memref<1x125xi32, #tpu.memory_space<vmem>>
      %dma_start3A_159 = tpu.memref_squeeze %dma_start3A_158 : memref<1x125xi32, #tpu.memory_space<vmem>> -> memref<125xi32, #tpu.memory_space<vmem>>
      %dma_start3A_160 = arith.constant 0 : i32
      %dma_start3A_161 = arith.constant 0 : i32
      %dma_start3A_162 = tpu.memref_slice %arg2[%dma_start3A_160, %dma_start3A_161] : memref<10000x128xf32, #tpu.memory_space<hbm>> -> memref<10000x128xf32, #tpu.memory_space<hbm>>
      tpu.enqueue_indirect_dma source(%dma_start3A_162 : memref<10000x128xf32, #tpu.memory_space<hbm>>) target(%dma_start3A_156 : memref<125x128xf32, #tpu.memory_space<vmem>>) offsets(%dma_start3A_159 : memref<125xi32, #tpu.memory_space<vmem>>) semaphore(%arg14 : memref<!tpu.dma_semaphore, #tpu.memory_space<semaphore_mem>>)
      %dma_wait3A_163 = arith.constant 2 : i32
      %dma_wait3A_164 = arith.constant 0 : i32
      %dma_wait3A_165 = arith.constant 0 : i32
      %dma_wait3A_166 = tpu.memref_slice %arg9[%scan3A_86, %dma_wait3A_164, %dma_wait3A_165] : memref<2x125x128xf32, #tpu.memory_space<vmem>> -> memref<1x125x128xf32, #tpu.memory_space<vmem>>
      %dma_wait3A_167 = tpu.memref_squeeze %dma_wait3A_166 : memref<1x125x128xf32, #tpu.memory_space<vmem>> -> memref<125x128xf32, #tpu.memory_space<vmem>>
      %dma_wait3A_168 = arith.constant 0 : i32
      %dma_wait3A_169 = tpu.memref_slice %arg5[%dma_wait3A_163, %dma_wait3A_168] : memref<10x125xi32, #tpu.memory_space<vmem>> -> memref<1x125xi32, #tpu.memory_space<vmem>>
      %dma_wait3A_170 = tpu.memref_squeeze %dma_wait3A_169 : memref<1x125xi32, #tpu.memory_space<vmem>> -> memref<125xi32, #tpu.memory_space<vmem>>
      %dma_wait3A_171 = arith.constant 0 : i32
      %dma_wait3A_172 = arith.constant 0 : i32
      %dma_wait3A_173 = tpu.memref_slice %arg2[%dma_wait3A_171, %dma_wait3A_172] : memref<10000x128xf32, #tpu.memory_space<hbm>> -> memref<10000x128xf32, #tpu.memory_space<hbm>>
      tpu.wait_indirect_dma semaphore(%arg13 : memref<!tpu.dma_semaphore, #tpu.memory_space<semaphore_mem>>) src(%dma_wait3A_173 : memref<10000x128xf32, #tpu.memory_space<hbm>>) dst(%dma_wait3A_167 : memref<125x128xf32, #tpu.memory_space<vmem>>)
      %run_scoped3A_174 = arith.constant 0 : i32
      %run_scoped3A_175 = arith.constant 2 : i32
      "tpu.region"() ({
        %run_scoped3A_604 = tpu.sem_alloc : memref<!tpu.dma_semaphore, #tpu.memory_space<semaphore_mem>>
        %dma_start3A_605 = arith.constant 0 : i32
        %dma_start3A_606 = arith.constant 0 : i32
        %dma_start3A_607 = tpu.memref_slice %arg9[%run_scoped3A_174, %dma_start3A_605, %dma_start3A_606] : memref<2x125x128xf32, #tpu.memory_space<vmem>> -> memref<1x125x128xf32, #tpu.memory_space<vmem>>
        %dma_start3A_608 = tpu.memref_squeeze %dma_start3A_607 : memref<1x125x128xf32, #tpu.memory_space<vmem>> -> memref<125x128xf32, #tpu.memory_space<vmem>>
        %dma_start3A_609 = arith.constant 0 : i32
        %dma_start3A_610 = tpu.memref_slice %arg6[%run_scoped3A_175, %dma_start3A_609] : memref<10x125xi32, #tpu.memory_space<vmem>> -> memref<1x125xi32, #tpu.memory_space<vmem>>
        %dma_start3A_611 = tpu.memref_squeeze %dma_start3A_610 : memref<1x125xi32, #tpu.memory_space<vmem>> -> memref<125xi32, #tpu.memory_space<vmem>>
        %dma_start3A_612 = arith.constant 0 : i32
        %dma_start3A_613 = arith.constant 0 : i32
        %dma_start3A_614 = tpu.memref_slice %arg10[%dma_start3A_612, %dma_start3A_613] : memref<10000x128xf32, #tpu.memory_space<vmem_shared>> -> memref<10000x128xf32, #tpu.memory_space<vmem_shared>>
        tpu.enqueue_indirect_dma source(%dma_start3A_608 : memref<125x128xf32, #tpu.memory_space<vmem>>) target(%dma_start3A_614 : memref<10000x128xf32, #tpu.memory_space<vmem_shared>>) offsets(%dma_start3A_611 : memref<125xi32, #tpu.memory_space<vmem>>) semaphore(%run_scoped3A_604 : memref<!tpu.dma_semaphore, #tpu.memory_space<semaphore_mem>>) {add = true}
        %dma_wait3A_615 = arith.constant 0 : i32
        %dma_wait3A_616 = arith.constant 0 : i32
        %dma_wait3A_617 = tpu.memref_slice %arg9[%run_scoped3A_174, %dma_wait3A_615, %dma_wait3A_616] : memref<2x125x128xf32, #tpu.memory_space<vmem>> -> memref<1x125x128xf32, #tpu.memory_space<vmem>>
        %dma_wait3A_618 = tpu.memref_squeeze %dma_wait3A_617 : memref<1x125x128xf32, #tpu.memory_space<vmem>> -> memref<125x128xf32, #tpu.memory_space<vmem>>
        %dma_wait3A_619 = arith.constant 0 : i32
        %dma_wait3A_620 = tpu.memref_slice %arg6[%run_scoped3A_175, %dma_wait3A_619] : memref<10x125xi32, #tpu.memory_space<vmem>> -> memref<1x125xi32, #tpu.memory_space<vmem>>
        %dma_wait3A_621 = tpu.memref_squeeze %dma_wait3A_620 : memref<1x125xi32, #tpu.memory_space<vmem>> -> memref<125xi32, #tpu.memory_space<vmem>>
        %dma_wait3A_622 = arith.constant 0 : i32
        %dma_wait3A_623 = arith.constant 0 : i32
        %dma_wait3A_624 = tpu.memref_slice %arg10[%dma_wait3A_622, %dma_wait3A_623] : memref<10000x128xf32, #tpu.memory_space<vmem_shared>> -> memref<10000x128xf32, #tpu.memory_space<vmem_shared>>
        tpu.wait_indirect_dma semaphore(%run_scoped3A_604 : memref<!tpu.dma_semaphore, #tpu.memory_space<semaphore_mem>>) src(%dma_wait3A_618 : memref<125x128xf32, #tpu.memory_space<vmem>>) dst(%dma_wait3A_624 : memref<10000x128xf32, #tpu.memory_space<vmem_shared>>)
        tpu.yield
      }) : () -> ()
      %dma_start3A_176 = arith.constant 4 : i32
      %dma_start3A_177 = arith.constant 0 : i32
      %dma_start3A_178 = arith.constant 0 : i32
      %dma_start3A_179 = tpu.memref_slice %arg9[%scan3A_86, %dma_start3A_177, %dma_start3A_178] : memref<2x125x128xf32, #tpu.memory_space<vmem>> -> memref<1x125x128xf32, #tpu.memory_space<vmem>>
      %dma_start3A_180 = tpu.memref_squeeze %dma_start3A_179 : memref<1x125x128xf32, #tpu.memory_space<vmem>> -> memref<125x128xf32, #tpu.memory_space<vmem>>
      %dma_start3A_181 = arith.constant 0 : i32
      %dma_start3A_182 = tpu.memref_slice %arg5[%dma_start3A_176, %dma_start3A_181] : memref<10x125xi32, #tpu.memory_space<vmem>> -> memref<1x125xi32, #tpu.memory_space<vmem>>
      %dma_start3A_183 = tpu.memref_squeeze %dma_start3A_182 : memref<1x125xi32, #tpu.memory_space<vmem>> -> memref<125xi32, #tpu.memory_space<vmem>>
      %dma_start3A_184 = arith.constant 0 : i32
      %dma_start3A_185 = arith.constant 0 : i32
      %dma_start3A_186 = tpu.memref_slice %arg2[%dma_start3A_184, %dma_start3A_185] : memref<10000x128xf32, #tpu.memory_space<hbm>> -> memref<10000x128xf32, #tpu.memory_space<hbm>>
      tpu.enqueue_indirect_dma source(%dma_start3A_186 : memref<10000x128xf32, #tpu.memory_space<hbm>>) target(%dma_start3A_180 : memref<125x128xf32, #tpu.memory_space<vmem>>) offsets(%dma_start3A_183 : memref<125xi32, #tpu.memory_space<vmem>>) semaphore(%arg13 : memref<!tpu.dma_semaphore, #tpu.memory_space<semaphore_mem>>)
      %dma_wait3A_187 = arith.constant 3 : i32
      %dma_wait3A_188 = arith.constant 0 : i32
      %dma_wait3A_189 = arith.constant 0 : i32
      %dma_wait3A_190 = tpu.memref_slice %arg9[%scan3A_85, %dma_wait3A_188, %dma_wait3A_189] : memref<2x125x128xf32, #tpu.memory_space<vmem>> -> memref<1x125x128xf32, #tpu.memory_space<vmem>>
      %dma_wait3A_191 = tpu.memref_squeeze %dma_wait3A_190 : memref<1x125x128xf32, #tpu.memory_space<vmem>> -> memref<125x128xf32, #tpu.memory_space<vmem>>
      %dma_wait3A_192 = arith.constant 0 : i32
      %dma_wait3A_193 = tpu.memref_slice %arg5[%dma_wait3A_187, %dma_wait3A_192] : memref<10x125xi32, #tpu.memory_space<vmem>> -> memref<1x125xi32, #tpu.memory_space<vmem>>
      %dma_wait3A_194 = tpu.memref_squeeze %dma_wait3A_193 : memref<1x125xi32, #tpu.memory_space<vmem>> -> memref<125xi32, #tpu.memory_space<vmem>>
      %dma_wait3A_195 = arith.constant 0 : i32
      %dma_wait3A_196 = arith.constant 0 : i32
      %dma_wait3A_197 = tpu.memref_slice %arg2[%dma_wait3A_195, %dma_wait3A_196] : memref<10000x128xf32, #tpu.memory_space<hbm>> -> memref<10000x128xf32, #tpu.memory_space<hbm>>
      tpu.wait_indirect_dma semaphore(%arg14 : memref<!tpu.dma_semaphore, #tpu.memory_space<semaphore_mem>>) src(%dma_wait3A_197 : memref<10000x128xf32, #tpu.memory_space<hbm>>) dst(%dma_wait3A_191 : memref<125x128xf32, #tpu.memory_space<vmem>>)
      %run_scoped3A_198 = arith.constant 1 : i32
      %run_scoped3A_199 = arith.constant 3 : i32
      "tpu.region"() ({
        %run_scoped3A_604 = tpu.sem_alloc : memref<!tpu.dma_semaphore, #tpu.memory_space<semaphore_mem>>
        %dma_start3A_605 = arith.constant 0 : i32
        %dma_start3A_606 = arith.constant 0 : i32
        %dma_start3A_607 = tpu.memref_slice %arg9[%run_scoped3A_198, %dma_start3A_605, %dma_start3A_606] : memref<2x125x128xf32, #tpu.memory_space<vmem>> -> memref<1x125x128xf32, #tpu.memory_space<vmem>>
        %dma_start3A_608 = tpu.memref_squeeze %dma_start3A_607 : memref<1x125x128xf32, #tpu.memory_space<vmem>> -> memref<125x128xf32, #tpu.memory_space<vmem>>
        %dma_start3A_609 = arith.constant 0 : i32
        %dma_start3A_610 = tpu.memref_slice %arg6[%run_scoped3A_199, %dma_start3A_609] : memref<10x125xi32, #tpu.memory_space<vmem>> -> memref<1x125xi32, #tpu.memory_space<vmem>>
        %dma_start3A_611 = tpu.memref_squeeze %dma_start3A_610 : memref<1x125xi32, #tpu.memory_space<vmem>> -> memref<125xi32, #tpu.memory_space<vmem>>
        %dma_start3A_612 = arith.constant 0 : i32
        %dma_start3A_613 = arith.constant 0 : i32
        %dma_start3A_614 = tpu.memref_slice %arg10[%dma_start3A_612, %dma_start3A_613] : memref<10000x128xf32, #tpu.memory_space<vmem_shared>> -> memref<10000x128xf32, #tpu.memory_space<vmem_shared>>
        tpu.enqueue_indirect_dma source(%dma_start3A_608 : memref<125x128xf32, #tpu.memory_space<vmem>>) target(%dma_start3A_614 : memref<10000x128xf32, #tpu.memory_space<vmem_shared>>) offsets(%dma_start3A_611 : memref<125xi32, #tpu.memory_space<vmem>>) semaphore(%run_scoped3A_604 : memref<!tpu.dma_semaphore, #tpu.memory_space<semaphore_mem>>) {add = true}
        %dma_wait3A_615 = arith.constant 0 : i32
        %dma_wait3A_616 = arith.constant 0 : i32
        %dma_wait3A_617 = tpu.memref_slice %arg9[%run_scoped3A_198, %dma_wait3A_615, %dma_wait3A_616] : memref<2x125x128xf32, #tpu.memory_space<vmem>> -> memref<1x125x128xf32, #tpu.memory_space<vmem>>
        %dma_wait3A_618 = tpu.memref_squeeze %dma_wait3A_617 : memref<1x125x128xf32, #tpu.memory_space<vmem>> -> memref<125x128xf32, #tpu.memory_space<vmem>>
        %dma_wait3A_619 = arith.constant 0 : i32
        %dma_wait3A_620 = tpu.memref_slice %arg6[%run_scoped3A_199, %dma_wait3A_619] : memref<10x125xi32, #tpu.memory_space<vmem>> -> memref<1x125xi32, #tpu.memory_space<vmem>>
        %dma_wait3A_621 = tpu.memref_squeeze %dma_wait3A_620 : memref<1x125xi32, #tpu.memory_space<vmem>> -> memref<125xi32, #tpu.memory_space<vmem>>
        %dma_wait3A_622 = arith.constant 0 : i32
        %dma_wait3A_623 = arith.constant 0 : i32
        %dma_wait3A_624 = tpu.memref_slice %arg10[%dma_wait3A_622, %dma_wait3A_623] : memref<10000x128xf32, #tpu.memory_space<vmem_shared>> -> memref<10000x128xf32, #tpu.memory_space<vmem_shared>>
        tpu.wait_indirect_dma semaphore(%run_scoped3A_604 : memref<!tpu.dma_semaphore, #tpu.memory_space<semaphore_mem>>) src(%dma_wait3A_618 : memref<125x128xf32, #tpu.memory_space<vmem>>) dst(%dma_wait3A_624 : memref<10000x128xf32, #tpu.memory_space<vmem_shared>>)
        tpu.yield
      }) : () -> ()
      %dma_start3A_200 = arith.constant 5 : i32
      %dma_start3A_201 = arith.constant 0 : i32
      %dma_start3A_202 = arith.constant 0 : i32
      %dma_start3A_203 = tpu.memref_slice %arg9[%scan3A_85, %dma_start3A_201, %dma_start3A_202] : memref<2x125x128xf32, #tpu.memory_space<vmem>> -> memref<1x125x128xf32, #tpu.memory_space<vmem>>
      %dma_start3A_204 = tpu.memref_squeeze %dma_start3A_203 : memref<1x125x128xf32, #tpu.memory_space<vmem>> -> memref<125x128xf32, #tpu.memory_space<vmem>>
      %dma_start3A_205 = arith.constant 0 : i32
      %dma_start3A_206 = tpu.memref_slice %arg5[%dma_start3A_200, %dma_start3A_205] : memref<10x125xi32, #tpu.memory_space<vmem>> -> memref<1x125xi32, #tpu.memory_space<vmem>>
      %dma_start3A_207 = tpu.memref_squeeze %dma_start3A_206 : memref<1x125xi32, #tpu.memory_space<vmem>> -> memref<125xi32, #tpu.memory_space<vmem>>
      %dma_start3A_208 = arith.constant 0 : i32
      %dma_start3A_209 = arith.constant 0 : i32
      %dma_start3A_210 = tpu.memref_slice %arg2[%dma_start3A_208, %dma_start3A_209] : memref<10000x128xf32, #tpu.memory_space<hbm>> -> memref<10000x128xf32, #tpu.memory_space<hbm>>
      tpu.enqueue_indirect_dma source(%dma_start3A_210 : memref<10000x128xf32, #tpu.memory_space<hbm>>) target(%dma_start3A_204 : memref<125x128xf32, #tpu.memory_space<vmem>>) offsets(%dma_start3A_207 : memref<125xi32, #tpu.memory_space<vmem>>) semaphore(%arg14 : memref<!tpu.dma_semaphore, #tpu.memory_space<semaphore_mem>>)
      %dma_wait3A_211 = arith.constant 4 : i32
      %dma_wait3A_212 = arith.constant 0 : i32
      %dma_wait3A_213 = arith.constant 0 : i32
      %dma_wait3A_214 = tpu.memref_slice %arg9[%scan3A_86, %dma_wait3A_212, %dma_wait3A_213] : memref<2x125x128xf32, #tpu.memory_space<vmem>> -> memref<1x125x128xf32, #tpu.memory_space<vmem>>
      %dma_wait3A_215 = tpu.memref_squeeze %dma_wait3A_214 : memref<1x125x128xf32, #tpu.memory_space<vmem>> -> memref<125x128xf32, #tpu.memory_space<vmem>>
      %dma_wait3A_216 = arith.constant 0 : i32
      %dma_wait3A_217 = tpu.memref_slice %arg5[%dma_wait3A_211, %dma_wait3A_216] : memref<10x125xi32, #tpu.memory_space<vmem>> -> memref<1x125xi32, #tpu.memory_space<vmem>>
      %dma_wait3A_218 = tpu.memref_squeeze %dma_wait3A_217 : memref<1x125xi32, #tpu.memory_space<vmem>> -> memref<125xi32, #tpu.memory_space<vmem>>
      %dma_wait3A_219 = arith.constant 0 : i32
      %dma_wait3A_220 = arith.constant 0 : i32
      %dma_wait3A_221 = tpu.memref_slice %arg2[%dma_wait3A_219, %dma_wait3A_220] : memref<10000x128xf32, #tpu.memory_space<hbm>> -> memref<10000x128xf32, #tpu.memory_space<hbm>>
      tpu.wait_indirect_dma semaphore(%arg13 : memref<!tpu.dma_semaphore, #tpu.memory_space<semaphore_mem>>) src(%dma_wait3A_221 : memref<10000x128xf32, #tpu.memory_space<hbm>>) dst(%dma_wait3A_215 : memref<125x128xf32, #tpu.memory_space<vmem>>)
      %run_scoped3A_222 = arith.constant 0 : i32
      %run_scoped3A_223 = arith.constant 4 : i32
      "tpu.region"() ({
        %run_scoped3A_604 = tpu.sem_alloc : memref<!tpu.dma_semaphore, #tpu.memory_space<semaphore_mem>>
        %dma_start3A_605 = arith.constant 0 : i32
        %dma_start3A_606 = arith.constant 0 : i32
        %dma_start3A_607 = tpu.memref_slice %arg9[%run_scoped3A_222, %dma_start3A_605, %dma_start3A_606] : memref<2x125x128xf32, #tpu.memory_space<vmem>> -> memref<1x125x128xf32, #tpu.memory_space<vmem>>
        %dma_start3A_608 = tpu.memref_squeeze %dma_start3A_607 : memref<1x125x128xf32, #tpu.memory_space<vmem>> -> memref<125x128xf32, #tpu.memory_space<vmem>>
        %dma_start3A_609 = arith.constant 0 : i32
        %dma_start3A_610 = tpu.memref_slice %arg6[%run_scoped3A_223, %dma_start3A_609] : memref<10x125xi32, #tpu.memory_space<vmem>> -> memref<1x125xi32, #tpu.memory_space<vmem>>
        %dma_start3A_611 = tpu.memref_squeeze %dma_start3A_610 : memref<1x125xi32, #tpu.memory_space<vmem>> -> memref<125xi32, #tpu.memory_space<vmem>>
        %dma_start3A_612 = arith.constant 0 : i32
        %dma_start3A_613 = arith.constant 0 : i32
        %dma_start3A_614 = tpu.memref_slice %arg10[%dma_start3A_612, %dma_start3A_613] : memref<10000x128xf32, #tpu.memory_space<vmem_shared>> -> memref<10000x128xf32, #tpu.memory_space<vmem_shared>>
        tpu.enqueue_indirect_dma source(%dma_start3A_608 : memref<125x128xf32, #tpu.memory_space<vmem>>) target(%dma_start3A_614 : memref<10000x128xf32, #tpu.memory_space<vmem_shared>>) offsets(%dma_start3A_611 : memref<125xi32, #tpu.memory_space<vmem>>) semaphore(%run_scoped3A_604 : memref<!tpu.dma_semaphore, #tpu.memory_space<semaphore_mem>>) {add = true}
        %dma_wait3A_615 = arith.constant 0 : i32
        %dma_wait3A_616 = arith.constant 0 : i32
        %dma_wait3A_617 = tpu.memref_slice %arg9[%run_scoped3A_222, %dma_wait3A_615, %dma_wait3A_616] : memref<2x125x128xf32, #tpu.memory_space<vmem>> -> memref<1x125x128xf32, #tpu.memory_space<vmem>>
        %dma_wait3A_618 = tpu.memref_squeeze %dma_wait3A_617 : memref<1x125x128xf32, #tpu.memory_space<vmem>> -> memref<125x128xf32, #tpu.memory_space<vmem>>
        %dma_wait3A_619 = arith.constant 0 : i32
        %dma_wait3A_620 = tpu.memref_slice %arg6[%run_scoped3A_223, %dma_wait3A_619] : memref<10x125xi32, #tpu.memory_space<vmem>> -> memref<1x125xi32, #tpu.memory_space<vmem>>
        %dma_wait3A_621 = tpu.memref_squeeze %dma_wait3A_620 : memref<1x125xi32, #tpu.memory_space<vmem>> -> memref<125xi32, #tpu.memory_space<vmem>>
        %dma_wait3A_622 = arith.constant 0 : i32
        %dma_wait3A_623 = arith.constant 0 : i32
        %dma_wait3A_624 = tpu.memref_slice %arg10[%dma_wait3A_622, %dma_wait3A_623] : memref<10000x128xf32, #tpu.memory_space<vmem_shared>> -> memref<10000x128xf32, #tpu.memory_space<vmem_shared>>
        tpu.wait_indirect_dma semaphore(%run_scoped3A_604 : memref<!tpu.dma_semaphore, #tpu.memory_space<semaphore_mem>>) src(%dma_wait3A_618 : memref<125x128xf32, #tpu.memory_space<vmem>>) dst(%dma_wait3A_624 : memref<10000x128xf32, #tpu.memory_space<vmem_shared>>)
        tpu.yield
      }) : () -> ()
      %dma_start3A_224 = arith.constant 6 : i32
      %dma_start3A_225 = arith.constant 0 : i32
      %dma_start3A_226 = arith.constant 0 : i32
      %dma_start3A_227 = tpu.memref_slice %arg9[%scan3A_86, %dma_start3A_225, %dma_start3A_226] : memref<2x125x128xf32, #tpu.memory_space<vmem>> -> memref<1x125x128xf32, #tpu.memory_space<vmem>>
      %dma_start3A_228 = tpu.memref_squeeze %dma_start3A_227 : memref<1x125x128xf32, #tpu.memory_space<vmem>> -> memref<125x128xf32, #tpu.memory_space<vmem>>
      %dma_start3A_229 = arith.constant 0 : i32
      %dma_start3A_230 = tpu.memref_slice %arg5[%dma_start3A_224, %dma_start3A_229] : memref<10x125xi32, #tpu.memory_space<vmem>> -> memref<1x125xi32, #tpu.memory_space<vmem>>
      %dma_start3A_231 = tpu.memref_squeeze %dma_start3A_230 : memref<1x125xi32, #tpu.memory_space<vmem>> -> memref<125xi32, #tpu.memory_space<vmem>>
      %dma_start3A_232 = arith.constant 0 : i32
      %dma_start3A_233 = arith.constant 0 : i32
      %dma_start3A_234 = tpu.memref_slice %arg2[%dma_start3A_232, %dma_start3A_233] : memref<10000x128xf32, #tpu.memory_space<hbm>> -> memref<10000x128xf32, #tpu.memory_space<hbm>>
      tpu.enqueue_indirect_dma source(%dma_start3A_234 : memref<10000x128xf32, #tpu.memory_space<hbm>>) target(%dma_start3A_228 : memref<125x128xf32, #tpu.memory_space<vmem>>) offsets(%dma_start3A_231 : memref<125xi32, #tpu.memory_space<vmem>>) semaphore(%arg13 : memref<!tpu.dma_semaphore, #tpu.memory_space<semaphore_mem>>)
      %dma_wait3A_235 = arith.constant 5 : i32
      %dma_wait3A_236 = arith.constant 0 : i32
      %dma_wait3A_237 = arith.constant 0 : i32
      %dma_wait3A_238 = tpu.memref_slice %arg9[%scan3A_85, %dma_wait3A_236, %dma_wait3A_237] : memref<2x125x128xf32, #tpu.memory_space<vmem>> -> memref<1x125x128xf32, #tpu.memory_space<vmem>>
      %dma_wait3A_239 = tpu.memref_squeeze %dma_wait3A_238 : memref<1x125x128xf32, #tpu.memory_space<vmem>> -> memref<125x128xf32, #tpu.memory_space<vmem>>
      %dma_wait3A_240 = arith.constant 0 : i32
      %dma_wait3A_241 = tpu.memref_slice %arg5[%dma_wait3A_235, %dma_wait3A_240] : memref<10x125xi32, #tpu.memory_space<vmem>> -> memref<1x125xi32, #tpu.memory_space<vmem>>
      %dma_wait3A_242 = tpu.memref_squeeze %dma_wait3A_241 : memref<1x125xi32, #tpu.memory_space<vmem>> -> memref<125xi32, #tpu.memory_space<vmem>>
      %dma_wait3A_243 = arith.constant 0 : i32
      %dma_wait3A_244 = arith.constant 0 : i32
      %dma_wait3A_245 = tpu.memref_slice %arg2[%dma_wait3A_243, %dma_wait3A_244] : memref<10000x128xf32, #tpu.memory_space<hbm>> -> memref<10000x128xf32, #tpu.memory_space<hbm>>
      tpu.wait_indirect_dma semaphore(%arg14 : memref<!tpu.dma_semaphore, #tpu.memory_space<semaphore_mem>>) src(%dma_wait3A_245 : memref<10000x128xf32, #tpu.memory_space<hbm>>) dst(%dma_wait3A_239 : memref<125x128xf32, #tpu.memory_space<vmem>>)
      %run_scoped3A_246 = arith.constant 1 : i32
      %run_scoped3A_247 = arith.constant 5 : i32
      "tpu.region"() ({
        %run_scoped3A_604 = tpu.sem_alloc : memref<!tpu.dma_semaphore, #tpu.memory_space<semaphore_mem>>
        %dma_start3A_605 = arith.constant 0 : i32
        %dma_start3A_606 = arith.constant 0 : i32
        %dma_start3A_607 = tpu.memref_slice %arg9[%run_scoped3A_246, %dma_start3A_605, %dma_start3A_606] : memref<2x125x128xf32, #tpu.memory_space<vmem>> -> memref<1x125x128xf32, #tpu.memory_space<vmem>>
        %dma_start3A_608 = tpu.memref_squeeze %dma_start3A_607 : memref<1x125x128xf32, #tpu.memory_space<vmem>> -> memref<125x128xf32, #tpu.memory_space<vmem>>
        %dma_start3A_609 = arith.constant 0 : i32
        %dma_start3A_610 = tpu.memref_slice %arg6[%run_scoped3A_247, %dma_start3A_609] : memref<10x125xi32, #tpu.memory_space<vmem>> -> memref<1x125xi32, #tpu.memory_space<vmem>>
        %dma_start3A_611 = tpu.memref_squeeze %dma_start3A_610 : memref<1x125xi32, #tpu.memory_space<vmem>> -> memref<125xi32, #tpu.memory_space<vmem>>
        %dma_start3A_612 = arith.constant 0 : i32
        %dma_start3A_613 = arith.constant 0 : i32
        %dma_start3A_614 = tpu.memref_slice %arg10[%dma_start3A_612, %dma_start3A_613] : memref<10000x128xf32, #tpu.memory_space<vmem_shared>> -> memref<10000x128xf32, #tpu.memory_space<vmem_shared>>
        tpu.enqueue_indirect_dma source(%dma_start3A_608 : memref<125x128xf32, #tpu.memory_space<vmem>>) target(%dma_start3A_614 : memref<10000x128xf32, #tpu.memory_space<vmem_shared>>) offsets(%dma_start3A_611 : memref<125xi32, #tpu.memory_space<vmem>>) semaphore(%run_scoped3A_604 : memref<!tpu.dma_semaphore, #tpu.memory_space<semaphore_mem>>) {add = true}
        %dma_wait3A_615 = arith.constant 0 : i32
        %dma_wait3A_616 = arith.constant 0 : i32
        %dma_wait3A_617 = tpu.memref_slice %arg9[%run_scoped3A_246, %dma_wait3A_615, %dma_wait3A_616] : memref<2x125x128xf32, #tpu.memory_space<vmem>> -> memref<1x125x128xf32, #tpu.memory_space<vmem>>
        %dma_wait3A_618 = tpu.memref_squeeze %dma_wait3A_617 : memref<1x125x128xf32, #tpu.memory_space<vmem>> -> memref<125x128xf32, #tpu.memory_space<vmem>>
        %dma_wait3A_619 = arith.constant 0 : i32
        %dma_wait3A_620 = tpu.memref_slice %arg6[%run_scoped3A_247, %dma_wait3A_619] : memref<10x125xi32, #tpu.memory_space<vmem>> -> memref<1x125xi32, #tpu.memory_space<vmem>>
        %dma_wait3A_621 = tpu.memref_squeeze %dma_wait3A_620 : memref<1x125xi32, #tpu.memory_space<vmem>> -> memref<125xi32, #tpu.memory_space<vmem>>
        %dma_wait3A_622 = arith.constant 0 : i32
        %dma_wait3A_623 = arith.constant 0 : i32
        %dma_wait3A_624 = tpu.memref_slice %arg10[%dma_wait3A_622, %dma_wait3A_623] : memref<10000x128xf32, #tpu.memory_space<vmem_shared>> -> memref<10000x128xf32, #tpu.memory_space<vmem_shared>>
        tpu.wait_indirect_dma semaphore(%run_scoped3A_604 : memref<!tpu.dma_semaphore, #tpu.memory_space<semaphore_mem>>) src(%dma_wait3A_618 : memref<125x128xf32, #tpu.memory_space<vmem>>) dst(%dma_wait3A_624 : memref<10000x128xf32, #tpu.memory_space<vmem_shared>>)
        tpu.yield
      }) : () -> ()
      %dma_start3A_248 = arith.constant 7 : i32
      %dma_start3A_249 = arith.constant 0 : i32
      %dma_start3A_250 = arith.constant 0 : i32
      %dma_start3A_251 = tpu.memref_slice %arg9[%scan3A_85, %dma_start3A_249, %dma_start3A_250] : memref<2x125x128xf32, #tpu.memory_space<vmem>> -> memref<1x125x128xf32, #tpu.memory_space<vmem>>
      %dma_start3A_252 = tpu.memref_squeeze %dma_start3A_251 : memref<1x125x128xf32, #tpu.memory_space<vmem>> -> memref<125x128xf32, #tpu.memory_space<vmem>>
      %dma_start3A_253 = arith.constant 0 : i32
      %dma_start3A_254 = tpu.memref_slice %arg5[%dma_start3A_248, %dma_start3A_253] : memref<10x125xi32, #tpu.memory_space<vmem>> -> memref<1x125xi32, #tpu.memory_space<vmem>>
      %dma_start3A_255 = tpu.memref_squeeze %dma_start3A_254 : memref<1x125xi32, #tpu.memory_space<vmem>> -> memref<125xi32, #tpu.memory_space<vmem>>
      %dma_start3A_256 = arith.constant 0 : i32
      %dma_start3A_257 = arith.constant 0 : i32
      %dma_start3A_258 = tpu.memref_slice %arg2[%dma_start3A_256, %dma_start3A_257] : memref<10000x128xf32, #tpu.memory_space<hbm>> -> memref<10000x128xf32, #tpu.memory_space<hbm>>
      tpu.enqueue_indirect_dma source(%dma_start3A_258 : memref<10000x128xf32, #tpu.memory_space<hbm>>) target(%dma_start3A_252 : memref<125x128xf32, #tpu.memory_space<vmem>>) offsets(%dma_start3A_255 : memref<125xi32, #tpu.memory_space<vmem>>) semaphore(%arg14 : memref<!tpu.dma_semaphore, #tpu.memory_space<semaphore_mem>>)
      %dma_wait3A_259 = arith.constant 6 : i32
      %dma_wait3A_260 = arith.constant 0 : i32
      %dma_wait3A_261 = arith.constant 0 : i32
      %dma_wait3A_262 = tpu.memref_slice %arg9[%scan3A_86, %dma_wait3A_260, %dma_wait3A_261] : memref<2x125x128xf32, #tpu.memory_space<vmem>> -> memref<1x125x128xf32, #tpu.memory_space<vmem>>
      %dma_wait3A_263 = tpu.memref_squeeze %dma_wait3A_262 : memref<1x125x128xf32, #tpu.memory_space<vmem>> -> memref<125x128xf32, #tpu.memory_space<vmem>>
      %dma_wait3A_264 = arith.constant 0 : i32
      %dma_wait3A_265 = tpu.memref_slice %arg5[%dma_wait3A_259, %dma_wait3A_264] : memref<10x125xi32, #tpu.memory_space<vmem>> -> memref<1x125xi32, #tpu.memory_space<vmem>>
      %dma_wait3A_266 = tpu.memref_squeeze %dma_wait3A_265 : memref<1x125xi32, #tpu.memory_space<vmem>> -> memref<125xi32, #tpu.memory_space<vmem>>
      %dma_wait3A_267 = arith.constant 0 : i32
      %dma_wait3A_268 = arith.constant 0 : i32
      %dma_wait3A_269 = tpu.memref_slice %arg2[%dma_wait3A_267, %dma_wait3A_268] : memref<10000x128xf32, #tpu.memory_space<hbm>> -> memref<10000x128xf32, #tpu.memory_space<hbm>>
      tpu.wait_indirect_dma semaphore(%arg13 : memref<!tpu.dma_semaphore, #tpu.memory_space<semaphore_mem>>) src(%dma_wait3A_269 : memref<10000x128xf32, #tpu.memory_space<hbm>>) dst(%dma_wait3A_263 : memref<125x128xf32, #tpu.memory_space<vmem>>)
      %run_scoped3A_270 = arith.constant 0 : i32
      %run_scoped3A_271 = arith.constant 6 : i32
      "tpu.region"() ({
        %run_scoped3A_604 = tpu.sem_alloc : memref<!tpu.dma_semaphore, #tpu.memory_space<semaphore_mem>>
        %dma_start3A_605 = arith.constant 0 : i32
        %dma_start3A_606 = arith.constant 0 : i32
        %dma_start3A_607 = tpu.memref_slice %arg9[%run_scoped3A_270, %dma_start3A_605, %dma_start3A_606] : memref<2x125x128xf32, #tpu.memory_space<vmem>> -> memref<1x125x128xf32, #tpu.memory_space<vmem>>
        %dma_start3A_608 = tpu.memref_squeeze %dma_start3A_607 : memref<1x125x128xf32, #tpu.memory_space<vmem>> -> memref<125x128xf32, #tpu.memory_space<vmem>>
        %dma_start3A_609 = arith.constant 0 : i32
        %dma_start3A_610 = tpu.memref_slice %arg6[%run_scoped3A_271, %dma_start3A_609] : memref<10x125xi32, #tpu.memory_space<vmem>> -> memref<1x125xi32, #tpu.memory_space<vmem>>
        %dma_start3A_611 = tpu.memref_squeeze %dma_start3A_610 : memref<1x125xi32, #tpu.memory_space<vmem>> -> memref<125xi32, #tpu.memory_space<vmem>>
        %dma_start3A_612 = arith.constant 0 : i32
        %dma_start3A_613 = arith.constant 0 : i32
        %dma_start3A_614 = tpu.memref_slice %arg10[%dma_start3A_612, %dma_start3A_613] : memref<10000x128xf32, #tpu.memory_space<vmem_shared>> -> memref<10000x128xf32, #tpu.memory_space<vmem_shared>>
        tpu.enqueue_indirect_dma source(%dma_start3A_608 : memref<125x128xf32, #tpu.memory_space<vmem>>) target(%dma_start3A_614 : memref<10000x128xf32, #tpu.memory_space<vmem_shared>>) offsets(%dma_start3A_611 : memref<125xi32, #tpu.memory_space<vmem>>) semaphore(%run_scoped3A_604 : memref<!tpu.dma_semaphore, #tpu.memory_space<semaphore_mem>>) {add = true}
        %dma_wait3A_615 = arith.constant 0 : i32
        %dma_wait3A_616 = arith.constant 0 : i32
        %dma_wait3A_617 = tpu.memref_slice %arg9[%run_scoped3A_270, %dma_wait3A_615, %dma_wait3A_616] : memref<2x125x128xf32, #tpu.memory_space<vmem>> -> memref<1x125x128xf32, #tpu.memory_space<vmem>>
        %dma_wait3A_618 = tpu.memref_squeeze %dma_wait3A_617 : memref<1x125x128xf32, #tpu.memory_space<vmem>> -> memref<125x128xf32, #tpu.memory_space<vmem>>
        %dma_wait3A_619 = arith.constant 0 : i32
        %dma_wait3A_620 = tpu.memref_slice %arg6[%run_scoped3A_271, %dma_wait3A_619] : memref<10x125xi32, #tpu.memory_space<vmem>> -> memref<1x125xi32, #tpu.memory_space<vmem>>
        %dma_wait3A_621 = tpu.memref_squeeze %dma_wait3A_620 : memref<1x125xi32, #tpu.memory_space<vmem>> -> memref<125xi32, #tpu.memory_space<vmem>>
        %dma_wait3A_622 = arith.constant 0 : i32
        %dma_wait3A_623 = arith.constant 0 : i32
        %dma_wait3A_624 = tpu.memref_slice %arg10[%dma_wait3A_622, %dma_wait3A_623] : memref<10000x128xf32, #tpu.memory_space<vmem_shared>> -> memref<10000x128xf32, #tpu.memory_space<vmem_shared>>
        tpu.wait_indirect_dma semaphore(%run_scoped3A_604 : memref<!tpu.dma_semaphore, #tpu.memory_space<semaphore_mem>>) src(%dma_wait3A_618 : memref<125x128xf32, #tpu.memory_space<vmem>>) dst(%dma_wait3A_624 : memref<10000x128xf32, #tpu.memory_space<vmem_shared>>)
        tpu.yield
      }) : () -> ()
      %dma_start3A_272 = arith.constant 8 : i32
      %dma_start3A_273 = arith.constant 0 : i32
      %dma_start3A_274 = arith.constant 0 : i32
      %dma_start3A_275 = tpu.memref_slice %arg9[%scan3A_86, %dma_start3A_273, %dma_start3A_274] : memref<2x125x128xf32, #tpu.memory_space<vmem>> -> memref<1x125x128xf32, #tpu.memory_space<vmem>>
      %dma_start3A_276 = tpu.memref_squeeze %dma_start3A_275 : memref<1x125x128xf32, #tpu.memory_space<vmem>> -> memref<125x128xf32, #tpu.memory_space<vmem>>
      %dma_start3A_277 = arith.constant 0 : i32
      %dma_start3A_278 = tpu.memref_slice %arg5[%dma_start3A_272, %dma_start3A_277] : memref<10x125xi32, #tpu.memory_space<vmem>> -> memref<1x125xi32, #tpu.memory_space<vmem>>
      %dma_start3A_279 = tpu.memref_squeeze %dma_start3A_278 : memref<1x125xi32, #tpu.memory_space<vmem>> -> memref<125xi32, #tpu.memory_space<vmem>>
      %dma_start3A_280 = arith.constant 0 : i32
      %dma_start3A_281 = arith.constant 0 : i32
      %dma_start3A_282 = tpu.memref_slice %arg2[%dma_start3A_280, %dma_start3A_281] : memref<10000x128xf32, #tpu.memory_space<hbm>> -> memref<10000x128xf32, #tpu.memory_space<hbm>>
      tpu.enqueue_indirect_dma source(%dma_start3A_282 : memref<10000x128xf32, #tpu.memory_space<hbm>>) target(%dma_start3A_276 : memref<125x128xf32, #tpu.memory_space<vmem>>) offsets(%dma_start3A_279 : memref<125xi32, #tpu.memory_space<vmem>>) semaphore(%arg13 : memref<!tpu.dma_semaphore, #tpu.memory_space<semaphore_mem>>)
      %dma_wait3A_283 = arith.constant 7 : i32
      %dma_wait3A_284 = arith.constant 0 : i32
      %dma_wait3A_285 = arith.constant 0 : i32
      %dma_wait3A_286 = tpu.memref_slice %arg9[%scan3A_85, %dma_wait3A_284, %dma_wait3A_285] : memref<2x125x128xf32, #tpu.memory_space<vmem>> -> memref<1x125x128xf32, #tpu.memory_space<vmem>>
      %dma_wait3A_287 = tpu.memref_squeeze %dma_wait3A_286 : memref<1x125x128xf32, #tpu.memory_space<vmem>> -> memref<125x128xf32, #tpu.memory_space<vmem>>
      %dma_wait3A_288 = arith.constant 0 : i32
      %dma_wait3A_289 = tpu.memref_slice %arg5[%dma_wait3A_283, %dma_wait3A_288] : memref<10x125xi32, #tpu.memory_space<vmem>> -> memref<1x125xi32, #tpu.memory_space<vmem>>
      %dma_wait3A_290 = tpu.memref_squeeze %dma_wait3A_289 : memref<1x125xi32, #tpu.memory_space<vmem>> -> memref<125xi32, #tpu.memory_space<vmem>>
      %dma_wait3A_291 = arith.constant 0 : i32
      %dma_wait3A_292 = arith.constant 0 : i32
      %dma_wait3A_293 = tpu.memref_slice %arg2[%dma_wait3A_291, %dma_wait3A_292] : memref<10000x128xf32, #tpu.memory_space<hbm>> -> memref<10000x128xf32, #tpu.memory_space<hbm>>
      tpu.wait_indirect_dma semaphore(%arg14 : memref<!tpu.dma_semaphore, #tpu.memory_space<semaphore_mem>>) src(%dma_wait3A_293 : memref<10000x128xf32, #tpu.memory_space<hbm>>) dst(%dma_wait3A_287 : memref<125x128xf32, #tpu.memory_space<vmem>>)
      %run_scoped3A_294 = arith.constant 1 : i32
      %run_scoped3A_295 = arith.constant 7 : i32
      "tpu.region"() ({
        %run_scoped3A_604 = tpu.sem_alloc : memref<!tpu.dma_semaphore, #tpu.memory_space<semaphore_mem>>
        %dma_start3A_605 = arith.constant 0 : i32
        %dma_start3A_606 = arith.constant 0 : i32
        %dma_start3A_607 = tpu.memref_slice %arg9[%run_scoped3A_294, %dma_start3A_605, %dma_start3A_606] : memref<2x125x128xf32, #tpu.memory_space<vmem>> -> memref<1x125x128xf32, #tpu.memory_space<vmem>>
        %dma_start3A_608 = tpu.memref_squeeze %dma_start3A_607 : memref<1x125x128xf32, #tpu.memory_space<vmem>> -> memref<125x128xf32, #tpu.memory_space<vmem>>
        %dma_start3A_609 = arith.constant 0 : i32
        %dma_start3A_610 = tpu.memref_slice %arg6[%run_scoped3A_295, %dma_start3A_609] : memref<10x125xi32, #tpu.memory_space<vmem>> -> memref<1x125xi32, #tpu.memory_space<vmem>>
        %dma_start3A_611 = tpu.memref_squeeze %dma_start3A_610 : memref<1x125xi32, #tpu.memory_space<vmem>> -> memref<125xi32, #tpu.memory_space<vmem>>
        %dma_start3A_612 = arith.constant 0 : i32
        %dma_start3A_613 = arith.constant 0 : i32
        %dma_start3A_614 = tpu.memref_slice %arg10[%dma_start3A_612, %dma_start3A_613] : memref<10000x128xf32, #tpu.memory_space<vmem_shared>> -> memref<10000x128xf32, #tpu.memory_space<vmem_shared>>
        tpu.enqueue_indirect_dma source(%dma_start3A_608 : memref<125x128xf32, #tpu.memory_space<vmem>>) target(%dma_start3A_614 : memref<10000x128xf32, #tpu.memory_space<vmem_shared>>) offsets(%dma_start3A_611 : memref<125xi32, #tpu.memory_space<vmem>>) semaphore(%run_scoped3A_604 : memref<!tpu.dma_semaphore, #tpu.memory_space<semaphore_mem>>) {add = true}
        %dma_wait3A_615 = arith.constant 0 : i32
        %dma_wait3A_616 = arith.constant 0 : i32
        %dma_wait3A_617 = tpu.memref_slice %arg9[%run_scoped3A_294, %dma_wait3A_615, %dma_wait3A_616] : memref<2x125x128xf32, #tpu.memory_space<vmem>> -> memref<1x125x128xf32, #tpu.memory_space<vmem>>
        %dma_wait3A_618 = tpu.memref_squeeze %dma_wait3A_617 : memref<1x125x128xf32, #tpu.memory_space<vmem>> -> memref<125x128xf32, #tpu.memory_space<vmem>>
        %dma_wait3A_619 = arith.constant 0 : i32
        %dma_wait3A_620 = tpu.memref_slice %arg6[%run_scoped3A_295, %dma_wait3A_619] : memref<10x125xi32, #tpu.memory_space<vmem>> -> memref<1x125xi32, #tpu.memory_space<vmem>>
        %dma_wait3A_621 = tpu.memref_squeeze %dma_wait3A_620 : memref<1x125xi32, #tpu.memory_space<vmem>> -> memref<125xi32, #tpu.memory_space<vmem>>
        %dma_wait3A_622 = arith.constant 0 : i32
        %dma_wait3A_623 = arith.constant 0 : i32
        %dma_wait3A_624 = tpu.memref_slice %arg10[%dma_wait3A_622, %dma_wait3A_623] : memref<10000x128xf32, #tpu.memory_space<vmem_shared>> -> memref<10000x128xf32, #tpu.memory_space<vmem_shared>>
        tpu.wait_indirect_dma semaphore(%run_scoped3A_604 : memref<!tpu.dma_semaphore, #tpu.memory_space<semaphore_mem>>) src(%dma_wait3A_618 : memref<125x128xf32, #tpu.memory_space<vmem>>) dst(%dma_wait3A_624 : memref<10000x128xf32, #tpu.memory_space<vmem_shared>>)
        tpu.yield
      }) : () -> ()
      %dma_start3A_296 = arith.constant 9 : i32
      %dma_start3A_297 = arith.constant 0 : i32
      %dma_start3A_298 = arith.constant 0 : i32
      %dma_start3A_299 = tpu.memref_slice %arg9[%scan3A_85, %dma_start3A_297, %dma_start3A_298] : memref<2x125x128xf32, #tpu.memory_space<vmem>> -> memref<1x125x128xf32, #tpu.memory_space<vmem>>
      %dma_start3A_300 = tpu.memref_squeeze %dma_start3A_299 : memref<1x125x128xf32, #tpu.memory_space<vmem>> -> memref<125x128xf32, #tpu.memory_space<vmem>>
      %dma_start3A_301 = arith.constant 0 : i32
      %dma_start3A_302 = tpu.memref_slice %arg5[%dma_start3A_296, %dma_start3A_301] : memref<10x125xi32, #tpu.memory_space<vmem>> -> memref<1x125xi32, #tpu.memory_space<vmem>>
      %dma_start3A_303 = tpu.memref_squeeze %dma_start3A_302 : memref<1x125xi32, #tpu.memory_space<vmem>> -> memref<125xi32, #tpu.memory_space<vmem>>
      %dma_start3A_304 = arith.constant 0 : i32
      %dma_start3A_305 = arith.constant 0 : i32
      %dma_start3A_306 = tpu.memref_slice %arg2[%dma_start3A_304, %dma_start3A_305] : memref<10000x128xf32, #tpu.memory_space<hbm>> -> memref<10000x128xf32, #tpu.memory_space<hbm>>
      tpu.enqueue_indirect_dma source(%dma_start3A_306 : memref<10000x128xf32, #tpu.memory_space<hbm>>) target(%dma_start3A_300 : memref<125x128xf32, #tpu.memory_space<vmem>>) offsets(%dma_start3A_303 : memref<125xi32, #tpu.memory_space<vmem>>) semaphore(%arg14 : memref<!tpu.dma_semaphore, #tpu.memory_space<semaphore_mem>>)
      %dma_wait3A_307 = arith.constant 8 : i32
      %dma_wait3A_308 = arith.constant 0 : i32
      %dma_wait3A_309 = arith.constant 0 : i32
      %dma_wait3A_310 = tpu.memref_slice %arg9[%scan3A_86, %dma_wait3A_308, %dma_wait3A_309] : memref<2x125x128xf32, #tpu.memory_space<vmem>> -> memref<1x125x128xf32, #tpu.memory_space<vmem>>
      %dma_wait3A_311 = tpu.memref_squeeze %dma_wait3A_310 : memref<1x125x128xf32, #tpu.memory_space<vmem>> -> memref<125x128xf32, #tpu.memory_space<vmem>>
      %dma_wait3A_312 = arith.constant 0 : i32
      %dma_wait3A_313 = tpu.memref_slice %arg5[%dma_wait3A_307, %dma_wait3A_312] : memref<10x125xi32, #tpu.memory_space<vmem>> -> memref<1x125xi32, #tpu.memory_space<vmem>>
      %dma_wait3A_314 = tpu.memref_squeeze %dma_wait3A_313 : memref<1x125xi32, #tpu.memory_space<vmem>> -> memref<125xi32, #tpu.memory_space<vmem>>
      %dma_wait3A_315 = arith.constant 0 : i32
      %dma_wait3A_316 = arith.constant 0 : i32
      %dma_wait3A_317 = tpu.memref_slice %arg2[%dma_wait3A_315, %dma_wait3A_316] : memref<10000x128xf32, #tpu.memory_space<hbm>> -> memref<10000x128xf32, #tpu.memory_space<hbm>>
      tpu.wait_indirect_dma semaphore(%arg13 : memref<!tpu.dma_semaphore, #tpu.memory_space<semaphore_mem>>) src(%dma_wait3A_317 : memref<10000x128xf32, #tpu.memory_space<hbm>>) dst(%dma_wait3A_311 : memref<125x128xf32, #tpu.memory_space<vmem>>)
      %run_scoped3A_318 = arith.constant 0 : i32
      %run_scoped3A_319 = arith.constant 8 : i32
      "tpu.region"() ({
        %run_scoped3A_604 = tpu.sem_alloc : memref<!tpu.dma_semaphore, #tpu.memory_space<semaphore_mem>>
        %dma_start3A_605 = arith.constant 0 : i32
        %dma_start3A_606 = arith.constant 0 : i32
        %dma_start3A_607 = tpu.memref_slice %arg9[%run_scoped3A_318, %dma_start3A_605, %dma_start3A_606] : memref<2x125x128xf32, #tpu.memory_space<vmem>> -> memref<1x125x128xf32, #tpu.memory_space<vmem>>
        %dma_start3A_608 = tpu.memref_squeeze %dma_start3A_607 : memref<1x125x128xf32, #tpu.memory_space<vmem>> -> memref<125x128xf32, #tpu.memory_space<vmem>>
        %dma_start3A_609 = arith.constant 0 : i32
        %dma_start3A_610 = tpu.memref_slice %arg6[%run_scoped3A_319, %dma_start3A_609] : memref<10x125xi32, #tpu.memory_space<vmem>> -> memref<1x125xi32, #tpu.memory_space<vmem>>
        %dma_start3A_611 = tpu.memref_squeeze %dma_start3A_610 : memref<1x125xi32, #tpu.memory_space<vmem>> -> memref<125xi32, #tpu.memory_space<vmem>>
        %dma_start3A_612 = arith.constant 0 : i32
        %dma_start3A_613 = arith.constant 0 : i32
        %dma_start3A_614 = tpu.memref_slice %arg10[%dma_start3A_612, %dma_start3A_613] : memref<10000x128xf32, #tpu.memory_space<vmem_shared>> -> memref<10000x128xf32, #tpu.memory_space<vmem_shared>>
        tpu.enqueue_indirect_dma source(%dma_start3A_608 : memref<125x128xf32, #tpu.memory_space<vmem>>) target(%dma_start3A_614 : memref<10000x128xf32, #tpu.memory_space<vmem_shared>>) offsets(%dma_start3A_611 : memref<125xi32, #tpu.memory_space<vmem>>) semaphore(%run_scoped3A_604 : memref<!tpu.dma_semaphore, #tpu.memory_space<semaphore_mem>>) {add = true}
        %dma_wait3A_615 = arith.constant 0 : i32
        %dma_wait3A_616 = arith.constant 0 : i32
        %dma_wait3A_617 = tpu.memref_slice %arg9[%run_scoped3A_318, %dma_wait3A_615, %dma_wait3A_616] : memref<2x125x128xf32, #tpu.memory_space<vmem>> -> memref<1x125x128xf32, #tpu.memory_space<vmem>>
        %dma_wait3A_618 = tpu.memref_squeeze %dma_wait3A_617 : memref<1x125x128xf32, #tpu.memory_space<vmem>> -> memref<125x128xf32, #tpu.memory_space<vmem>>
        %dma_wait3A_619 = arith.constant 0 : i32
        %dma_wait3A_620 = tpu.memref_slice %arg6[%run_scoped3A_319, %dma_wait3A_619] : memref<10x125xi32, #tpu.memory_space<vmem>> -> memref<1x125xi32, #tpu.memory_space<vmem>>
        %dma_wait3A_621 = tpu.memref_squeeze %dma_wait3A_620 : memref<1x125xi32, #tpu.memory_space<vmem>> -> memref<125xi32, #tpu.memory_space<vmem>>
        %dma_wait3A_622 = arith.constant 0 : i32
        %dma_wait3A_623 = arith.constant 0 : i32
        %dma_wait3A_624 = tpu.memref_slice %arg10[%dma_wait3A_622, %dma_wait3A_623] : memref<10000x128xf32, #tpu.memory_space<vmem_shared>> -> memref<10000x128xf32, #tpu.memory_space<vmem_shared>>
        tpu.wait_indirect_dma semaphore(%run_scoped3A_604 : memref<!tpu.dma_semaphore, #tpu.memory_space<semaphore_mem>>) src(%dma_wait3A_618 : memref<125x128xf32, #tpu.memory_space<vmem>>) dst(%dma_wait3A_624 : memref<10000x128xf32, #tpu.memory_space<vmem_shared>>)
        tpu.yield
      }) : () -> ()
      %dma_wait3A_320 = arith.constant 0 : i32
      %dma_wait3A_321 = arith.constant 0 : i32
      %dma_wait3A_322 = arith.constant 0 : i32
      %dma_wait3A_323 = tpu.memref_slice %arg3[%dma_wait3A_320, %arg0, %arg1, %add3A_101, %dma_wait3A_321, %dma_wait3A_322] : memref<2x2x16x8x10x125xi32, #tpu.memory_space<hbm>> -> memref<1x1x1x1x10x125xi32, #tpu.memory_space<hbm>>
      %dma_wait3A_324 = tpu.memref_squeeze %dma_wait3A_323 : memref<1x1x1x1x10x125xi32, #tpu.memory_space<hbm>> -> memref<10x125xi32, #tpu.memory_space<hbm>>
      %dma_wait3A_325 = arith.constant 0 : i32
      %dma_wait3A_326 = arith.constant 0 : i32
      %dma_wait3A_327 = tpu.memref_slice %arg3[%dma_wait3A_320, %arg0, %arg1, %add3A_101, %dma_wait3A_325, %dma_wait3A_326] : memref<2x2x16x8x10x125xi32, #tpu.memory_space<hbm>> -> memref<1x1x1x1x10x125xi32, #tpu.memory_space<hbm>>
      %dma_wait3A_328 = tpu.memref_squeeze %dma_wait3A_327 : memref<1x1x1x1x10x125xi32, #tpu.memory_space<hbm>> -> memref<10x125xi32, #tpu.memory_space<hbm>>
      tpu.wait_dma2 semaphore(%arg12 : memref<!tpu.dma_semaphore, #tpu.memory_space<semaphore_mem>>) src(%dma_wait3A_328 : memref<10x125xi32, #tpu.memory_space<hbm>>) dst(%arg7 : memref<10x125xi32, #tpu.memory_space<vmem>>)
      %dma_wait3A_329 = arith.constant 1 : i32
      %dma_wait3A_330 = arith.constant 0 : i32
      %dma_wait3A_331 = arith.constant 0 : i32
      %dma_wait3A_332 = tpu.memref_slice %arg3[%dma_wait3A_329, %arg0, %arg1, %add3A_101, %dma_wait3A_330, %dma_wait3A_331] : memref<2x2x16x8x10x125xi32, #tpu.memory_space<hbm>> -> memref<1x1x1x1x10x125xi32, #tpu.memory_space<hbm>>
      %dma_wait3A_333 = tpu.memref_squeeze %dma_wait3A_332 : memref<1x1x1x1x10x125xi32, #tpu.memory_space<hbm>> -> memref<10x125xi32, #tpu.memory_space<hbm>>
      %dma_wait3A_334 = arith.constant 0 : i32
      %dma_wait3A_335 = arith.constant 0 : i32
      %dma_wait3A_336 = tpu.memref_slice %arg3[%dma_wait3A_329, %arg0, %arg1, %add3A_101, %dma_wait3A_334, %dma_wait3A_335] : memref<2x2x16x8x10x125xi32, #tpu.memory_space<hbm>> -> memref<1x1x1x1x10x125xi32, #tpu.memory_space<hbm>>
      %dma_wait3A_337 = tpu.memref_squeeze %dma_wait3A_336 : memref<1x1x1x1x10x125xi32, #tpu.memory_space<hbm>> -> memref<10x125xi32, #tpu.memory_space<hbm>>
      tpu.wait_dma2 semaphore(%arg12 : memref<!tpu.dma_semaphore, #tpu.memory_space<semaphore_mem>>) src(%dma_wait3A_337 : memref<10x125xi32, #tpu.memory_space<hbm>>) dst(%arg8 : memref<10x125xi32, #tpu.memory_space<vmem>>)
      %dma_start3A_338 = arith.constant 0 : i32
      %dma_start3A_339 = arith.constant 0 : i32
      %dma_start3A_340 = arith.constant 0 : i32
      %dma_start3A_341 = tpu.memref_slice %arg9[%scan3A_86, %dma_start3A_339, %dma_start3A_340] : memref<2x125x128xf32, #tpu.memory_space<vmem>> -> memref<1x125x128xf32, #tpu.memory_space<vmem>>
      %dma_start3A_342 = tpu.memref_squeeze %dma_start3A_341 : memref<1x125x128xf32, #tpu.memory_space<vmem>> -> memref<125x128xf32, #tpu.memory_space<vmem>>
      %dma_start3A_343 = arith.constant 0 : i32
      %dma_start3A_344 = tpu.memref_slice %arg7[%dma_start3A_338, %dma_start3A_343] : memref<10x125xi32, #tpu.memory_space<vmem>> -> memref<1x125xi32, #tpu.memory_space<vmem>>
      %dma_start3A_345 = tpu.memref_squeeze %dma_start3A_344 : memref<1x125xi32, #tpu.memory_space<vmem>> -> memref<125xi32, #tpu.memory_space<vmem>>
      %dma_start3A_346 = arith.constant 0 : i32
      %dma_start3A_347 = arith.constant 0 : i32
      %dma_start3A_348 = tpu.memref_slice %arg2[%dma_start3A_346, %dma_start3A_347] : memref<10000x128xf32, #tpu.memory_space<hbm>> -> memref<10000x128xf32, #tpu.memory_space<hbm>>
      tpu.enqueue_indirect_dma source(%dma_start3A_348 : memref<10000x128xf32, #tpu.memory_space<hbm>>) target(%dma_start3A_342 : memref<125x128xf32, #tpu.memory_space<vmem>>) offsets(%dma_start3A_345 : memref<125xi32, #tpu.memory_space<vmem>>) semaphore(%arg13 : memref<!tpu.dma_semaphore, #tpu.memory_space<semaphore_mem>>)
      %dma_wait3A_349 = arith.constant 9 : i32
      %dma_wait3A_350 = arith.constant 0 : i32
      %dma_wait3A_351 = arith.constant 0 : i32
      %dma_wait3A_352 = tpu.memref_slice %arg9[%scan3A_85, %dma_wait3A_350, %dma_wait3A_351] : memref<2x125x128xf32, #tpu.memory_space<vmem>> -> memref<1x125x128xf32, #tpu.memory_space<vmem>>
      %dma_wait3A_353 = tpu.memref_squeeze %dma_wait3A_352 : memref<1x125x128xf32, #tpu.memory_space<vmem>> -> memref<125x128xf32, #tpu.memory_space<vmem>>
      %dma_wait3A_354 = arith.constant 0 : i32
      %dma_wait3A_355 = tpu.memref_slice %arg5[%dma_wait3A_349, %dma_wait3A_354] : memref<10x125xi32, #tpu.memory_space<vmem>> -> memref<1x125xi32, #tpu.memory_space<vmem>>
      %dma_wait3A_356 = tpu.memref_squeeze %dma_wait3A_355 : memref<1x125xi32, #tpu.memory_space<vmem>> -> memref<125xi32, #tpu.memory_space<vmem>>
      %dma_wait3A_357 = arith.constant 0 : i32
      %dma_wait3A_358 = arith.constant 0 : i32
      %dma_wait3A_359 = tpu.memref_slice %arg2[%dma_wait3A_357, %dma_wait3A_358] : memref<10000x128xf32, #tpu.memory_space<hbm>> -> memref<10000x128xf32, #tpu.memory_space<hbm>>
      tpu.wait_indirect_dma semaphore(%arg14 : memref<!tpu.dma_semaphore, #tpu.memory_space<semaphore_mem>>) src(%dma_wait3A_359 : memref<10000x128xf32, #tpu.memory_space<hbm>>) dst(%dma_wait3A_353 : memref<125x128xf32, #tpu.memory_space<vmem>>)
      %run_scoped3A_360 = arith.constant 1 : i32
      %run_scoped3A_361 = arith.constant 9 : i32
      "tpu.region"() ({
        %run_scoped3A_604 = tpu.sem_alloc : memref<!tpu.dma_semaphore, #tpu.memory_space<semaphore_mem>>
        %dma_start3A_605 = arith.constant 0 : i32
        %dma_start3A_606 = arith.constant 0 : i32
        %dma_start3A_607 = tpu.memref_slice %arg9[%run_scoped3A_360, %dma_start3A_605, %dma_start3A_606] : memref<2x125x128xf32, #tpu.memory_space<vmem>> -> memref<1x125x128xf32, #tpu.memory_space<vmem>>
        %dma_start3A_608 = tpu.memref_squeeze %dma_start3A_607 : memref<1x125x128xf32, #tpu.memory_space<vmem>> -> memref<125x128xf32, #tpu.memory_space<vmem>>
        %dma_start3A_609 = arith.constant 0 : i32
        %dma_start3A_610 = tpu.memref_slice %arg6[%run_scoped3A_361, %dma_start3A_609] : memref<10x125xi32, #tpu.memory_space<vmem>> -> memref<1x125xi32, #tpu.memory_space<vmem>>
        %dma_start3A_611 = tpu.memref_squeeze %dma_start3A_610 : memref<1x125xi32, #tpu.memory_space<vmem>> -> memref<125xi32, #tpu.memory_space<vmem>>
        %dma_start3A_612 = arith.constant 0 : i32
        %dma_start3A_613 = arith.constant 0 : i32
        %dma_start3A_614 = tpu.memref_slice %arg10[%dma_start3A_612, %dma_start3A_613] : memref<10000x128xf32, #tpu.memory_space<vmem_shared>> -> memref<10000x128xf32, #tpu.memory_space<vmem_shared>>
        tpu.enqueue_indirect_dma source(%dma_start3A_608 : memref<125x128xf32, #tpu.memory_space<vmem>>) target(%dma_start3A_614 : memref<10000x128xf32, #tpu.memory_space<vmem_shared>>) offsets(%dma_start3A_611 : memref<125xi32, #tpu.memory_space<vmem>>) semaphore(%run_scoped3A_604 : memref<!tpu.dma_semaphore, #tpu.memory_space<semaphore_mem>>) {add = true}
        %dma_wait3A_615 = arith.constant 0 : i32
        %dma_wait3A_616 = arith.constant 0 : i32
        %dma_wait3A_617 = tpu.memref_slice %arg9[%run_scoped3A_360, %dma_wait3A_615, %dma_wait3A_616] : memref<2x125x128xf32, #tpu.memory_space<vmem>> -> memref<1x125x128xf32, #tpu.memory_space<vmem>>
        %dma_wait3A_618 = tpu.memref_squeeze %dma_wait3A_617 : memref<1x125x128xf32, #tpu.memory_space<vmem>> -> memref<125x128xf32, #tpu.memory_space<vmem>>
        %dma_wait3A_619 = arith.constant 0 : i32
        %dma_wait3A_620 = tpu.memref_slice %arg6[%run_scoped3A_361, %dma_wait3A_619] : memref<10x125xi32, #tpu.memory_space<vmem>> -> memref<1x125xi32, #tpu.memory_space<vmem>>
        %dma_wait3A_621 = tpu.memref_squeeze %dma_wait3A_620 : memref<1x125xi32, #tpu.memory_space<vmem>> -> memref<125xi32, #tpu.memory_space<vmem>>
        %dma_wait3A_622 = arith.constant 0 : i32
        %dma_wait3A_623 = arith.constant 0 : i32
        %dma_wait3A_624 = tpu.memref_slice %arg10[%dma_wait3A_622, %dma_wait3A_623] : memref<10000x128xf32, #tpu.memory_space<vmem_shared>> -> memref<10000x128xf32, #tpu.memory_space<vmem_shared>>
        tpu.wait_indirect_dma semaphore(%run_scoped3A_604 : memref<!tpu.dma_semaphore, #tpu.memory_space<semaphore_mem>>) src(%dma_wait3A_618 : memref<125x128xf32, #tpu.memory_space<vmem>>) dst(%dma_wait3A_624 : memref<10000x128xf32, #tpu.memory_space<vmem_shared>>)
        tpu.yield
      }) : () -> ()
      %add3A_362 = arith.constant 2 : i32
      %add3A_363 = arith.addi %mul3A_99, %add3A_362 : i32
      %lt3A = arith.constant 8 : i32
      %lt3A_364 = arith.cmpi slt, %add3A_363, %lt3A : i32
      %convert_element_type3A_365 = arith.extui %lt3A_364 : i1 to i32
      %cond3A_366 = arith.constant 0 : i32
      %cond3A_367 = arith.cmpi ne, %convert_element_type3A_365, %cond3A_366 : i32
      scf.if %cond3A_367 {
        %add3A_604 = arith.constant 2 : i32
        %add3A_605 = arith.addi %mul3A_99, %add3A_604 : i32
        %dma_start3A_606 = arith.constant 0 : i32
        %dma_start3A_607 = arith.constant 0 : i32
        %dma_start3A_608 = arith.constant 0 : i32
        %dma_start3A_609 = tpu.memref_slice %arg3[%dma_start3A_606, %arg0, %arg1, %add3A_605, %dma_start3A_607, %dma_start3A_608] : memref<2x2x16x8x10x125xi32, #tpu.memory_space<hbm>> -> memref<1x1x1x1x10x125xi32, #tpu.memory_space<hbm>>
        %dma_start3A_610 = tpu.memref_squeeze %dma_start3A_609 : memref<1x1x1x1x10x125xi32, #tpu.memory_space<hbm>> -> memref<10x125xi32, #tpu.memory_space<hbm>>
        %dma_start3A_611 = arith.constant 0 : i32
        %dma_start3A_612 = arith.constant 0 : i32
        %dma_start3A_613 = tpu.memref_slice %arg3[%dma_start3A_606, %arg0, %arg1, %add3A_605, %dma_start3A_611, %dma_start3A_612] : memref<2x2x16x8x10x125xi32, #tpu.memory_space<hbm>> -> memref<1x1x1x1x10x125xi32, #tpu.memory_space<hbm>>
        %dma_start3A_614 = tpu.memref_squeeze %dma_start3A_613 : memref<1x1x1x1x10x125xi32, #tpu.memory_space<hbm>> -> memref<10x125xi32, #tpu.memory_space<hbm>>
        tpu.enqueue_dma source(%dma_start3A_614 : memref<10x125xi32, #tpu.memory_space<hbm>>) target(%arg5 : memref<10x125xi32, #tpu.memory_space<vmem>>) target_semaphore(%arg11 : memref<!tpu.dma_semaphore, #tpu.memory_space<semaphore_mem>>)
        %dma_start3A_615 = arith.constant 1 : i32
        %dma_start3A_616 = arith.constant 0 : i32
        %dma_start3A_617 = arith.constant 0 : i32
        %dma_start3A_618 = tpu.memref_slice %arg3[%dma_start3A_615, %arg0, %arg1, %add3A_605, %dma_start3A_616, %dma_start3A_617] : memref<2x2x16x8x10x125xi32, #tpu.memory_space<hbm>> -> memref<1x1x1x1x10x125xi32, #tpu.memory_space<hbm>>
        %dma_start3A_619 = tpu.memref_squeeze %dma_start3A_618 : memref<1x1x1x1x10x125xi32, #tpu.memory_space<hbm>> -> memref<10x125xi32, #tpu.memory_space<hbm>>
        %dma_start3A_620 = arith.constant 0 : i32
        %dma_start3A_621 = arith.constant 0 : i32
        %dma_start3A_622 = tpu.memref_slice %arg3[%dma_start3A_615, %arg0, %arg1, %add3A_605, %dma_start3A_620, %dma_start3A_621] : memref<2x2x16x8x10x125xi32, #tpu.memory_space<hbm>> -> memref<1x1x1x1x10x125xi32, #tpu.memory_space<hbm>>
        %dma_start3A_623 = tpu.memref_squeeze %dma_start3A_622 : memref<1x1x1x1x10x125xi32, #tpu.memory_space<hbm>> -> memref<10x125xi32, #tpu.memory_space<hbm>>
        tpu.enqueue_dma source(%dma_start3A_623 : memref<10x125xi32, #tpu.memory_space<hbm>>) target(%arg6 : memref<10x125xi32, #tpu.memory_space<vmem>>) target_semaphore(%arg11 : memref<!tpu.dma_semaphore, #tpu.memory_space<semaphore_mem>>)
      } else {
      }
      %dma_start3A_368 = arith.constant 1 : i32
      %dma_start3A_369 = arith.constant 0 : i32
      %dma_start3A_370 = arith.constant 0 : i32
      %dma_start3A_371 = tpu.memref_slice %arg9[%scan3A_85, %dma_start3A_369, %dma_start3A_370] : memref<2x125x128xf32, #tpu.memory_space<vmem>> -> memref<1x125x128xf32, #tpu.memory_space<vmem>>
      %dma_start3A_372 = tpu.memref_squeeze %dma_start3A_371 : memref<1x125x128xf32, #tpu.memory_space<vmem>> -> memref<125x128xf32, #tpu.memory_space<vmem>>
      %dma_start3A_373 = arith.constant 0 : i32
      %dma_start3A_374 = tpu.memref_slice %arg7[%dma_start3A_368, %dma_start3A_373] : memref<10x125xi32, #tpu.memory_space<vmem>> -> memref<1x125xi32, #tpu.memory_space<vmem>>
      %dma_start3A_375 = tpu.memref_squeeze %dma_start3A_374 : memref<1x125xi32, #tpu.memory_space<vmem>> -> memref<125xi32, #tpu.memory_space<vmem>>
      %dma_start3A_376 = arith.constant 0 : i32
      %dma_start3A_377 = arith.constant 0 : i32
      %dma_start3A_378 = tpu.memref_slice %arg2[%dma_start3A_376, %dma_start3A_377] : memref<10000x128xf32, #tpu.memory_space<hbm>> -> memref<10000x128xf32, #tpu.memory_space<hbm>>
      tpu.enqueue_indirect_dma source(%dma_start3A_378 : memref<10000x128xf32, #tpu.memory_space<hbm>>) target(%dma_start3A_372 : memref<125x128xf32, #tpu.memory_space<vmem>>) offsets(%dma_start3A_375 : memref<125xi32, #tpu.memory_space<vmem>>) semaphore(%arg14 : memref<!tpu.dma_semaphore, #tpu.memory_space<semaphore_mem>>)
      %dma_wait3A_379 = arith.constant 0 : i32
      %dma_wait3A_380 = arith.constant 0 : i32
      %dma_wait3A_381 = arith.constant 0 : i32
      %dma_wait3A_382 = tpu.memref_slice %arg9[%scan3A_86, %dma_wait3A_380, %dma_wait3A_381] : memref<2x125x128xf32, #tpu.memory_space<vmem>> -> memref<1x125x128xf32, #tpu.memory_space<vmem>>
      %dma_wait3A_383 = tpu.memref_squeeze %dma_wait3A_382 : memref<1x125x128xf32, #tpu.memory_space<vmem>> -> memref<125x128xf32, #tpu.memory_space<vmem>>
      %dma_wait3A_384 = arith.constant 0 : i32
      %dma_wait3A_385 = tpu.memref_slice %arg7[%dma_wait3A_379, %dma_wait3A_384] : memref<10x125xi32, #tpu.memory_space<vmem>> -> memref<1x125xi32, #tpu.memory_space<vmem>>
      %dma_wait3A_386 = tpu.memref_squeeze %dma_wait3A_385 : memref<1x125xi32, #tpu.memory_space<vmem>> -> memref<125xi32, #tpu.memory_space<vmem>>
      %dma_wait3A_387 = arith.constant 0 : i32
      %dma_wait3A_388 = arith.constant 0 : i32
      %dma_wait3A_389 = tpu.memref_slice %arg2[%dma_wait3A_387, %dma_wait3A_388] : memref<10000x128xf32, #tpu.memory_space<hbm>> -> memref<10000x128xf32, #tpu.memory_space<hbm>>
      tpu.wait_indirect_dma semaphore(%arg13 : memref<!tpu.dma_semaphore, #tpu.memory_space<semaphore_mem>>) src(%dma_wait3A_389 : memref<10000x128xf32, #tpu.memory_space<hbm>>) dst(%dma_wait3A_383 : memref<125x128xf32, #tpu.memory_space<vmem>>)
      %run_scoped3A_390 = arith.constant 0 : i32
      %run_scoped3A_391 = arith.constant 0 : i32
      "tpu.region"() ({
        %run_scoped3A_604 = tpu.sem_alloc : memref<!tpu.dma_semaphore, #tpu.memory_space<semaphore_mem>>
        %dma_start3A_605 = arith.constant 0 : i32
        %dma_start3A_606 = arith.constant 0 : i32
        %dma_start3A_607 = tpu.memref_slice %arg9[%run_scoped3A_390, %dma_start3A_605, %dma_start3A_606] : memref<2x125x128xf32, #tpu.memory_space<vmem>> -> memref<1x125x128xf32, #tpu.memory_space<vmem>>
        %dma_start3A_608 = tpu.memref_squeeze %dma_start3A_607 : memref<1x125x128xf32, #tpu.memory_space<vmem>> -> memref<125x128xf32, #tpu.memory_space<vmem>>
        %dma_start3A_609 = arith.constant 0 : i32
        %dma_start3A_610 = tpu.memref_slice %arg8[%run_scoped3A_391, %dma_start3A_609] : memref<10x125xi32, #tpu.memory_space<vmem>> -> memref<1x125xi32, #tpu.memory_space<vmem>>
        %dma_start3A_611 = tpu.memref_squeeze %dma_start3A_610 : memref<1x125xi32, #tpu.memory_space<vmem>> -> memref<125xi32, #tpu.memory_space<vmem>>
        %dma_start3A_612 = arith.constant 0 : i32
        %dma_start3A_613 = arith.constant 0 : i32
        %dma_start3A_614 = tpu.memref_slice %arg10[%dma_start3A_612, %dma_start3A_613] : memref<10000x128xf32, #tpu.memory_space<vmem_shared>> -> memref<10000x128xf32, #tpu.memory_space<vmem_shared>>
        tpu.enqueue_indirect_dma source(%dma_start3A_608 : memref<125x128xf32, #tpu.memory_space<vmem>>) target(%dma_start3A_614 : memref<10000x128xf32, #tpu.memory_space<vmem_shared>>) offsets(%dma_start3A_611 : memref<125xi32, #tpu.memory_space<vmem>>) semaphore(%run_scoped3A_604 : memref<!tpu.dma_semaphore, #tpu.memory_space<semaphore_mem>>) {add = true}
        %dma_wait3A_615 = arith.constant 0 : i32
        %dma_wait3A_616 = arith.constant 0 : i32
        %dma_wait3A_617 = tpu.memref_slice %arg9[%run_scoped3A_390, %dma_wait3A_615, %dma_wait3A_616] : memref<2x125x128xf32, #tpu.memory_space<vmem>> -> memref<1x125x128xf32, #tpu.memory_space<vmem>>
        %dma_wait3A_618 = tpu.memref_squeeze %dma_wait3A_617 : memref<1x125x128xf32, #tpu.memory_space<vmem>> -> memref<125x128xf32, #tpu.memory_space<vmem>>
        %dma_wait3A_619 = arith.constant 0 : i32
        %dma_wait3A_620 = tpu.memref_slice %arg8[%run_scoped3A_391, %dma_wait3A_619] : memref<10x125xi32, #tpu.memory_space<vmem>> -> memref<1x125xi32, #tpu.memory_space<vmem>>
        %dma_wait3A_621 = tpu.memref_squeeze %dma_wait3A_620 : memref<1x125xi32, #tpu.memory_space<vmem>> -> memref<125xi32, #tpu.memory_space<vmem>>
        %dma_wait3A_622 = arith.constant 0 : i32
        %dma_wait3A_623 = arith.constant 0 : i32
        %dma_wait3A_624 = tpu.memref_slice %arg10[%dma_wait3A_622, %dma_wait3A_623] : memref<10000x128xf32, #tpu.memory_space<vmem_shared>> -> memref<10000x128xf32, #tpu.memory_space<vmem_shared>>
        tpu.wait_indirect_dma semaphore(%run_scoped3A_604 : memref<!tpu.dma_semaphore, #tpu.memory_space<semaphore_mem>>) src(%dma_wait3A_618 : memref<125x128xf32, #tpu.memory_space<vmem>>) dst(%dma_wait3A_624 : memref<10000x128xf32, #tpu.memory_space<vmem_shared>>)
        tpu.yield
      }) : () -> ()
      %dma_start3A_392 = arith.constant 2 : i32
      %dma_start3A_393 = arith.constant 0 : i32
      %dma_start3A_394 = arith.constant 0 : i32
      %dma_start3A_395 = tpu.memref_slice %arg9[%scan3A_86, %dma_start3A_393, %dma_start3A_394] : memref<2x125x128xf32, #tpu.memory_space<vmem>> -> memref<1x125x128xf32, #tpu.memory_space<vmem>>
      %dma_start3A_396 = tpu.memref_squeeze %dma_start3A_395 : memref<1x125x128xf32, #tpu.memory_space<vmem>> -> memref<125x128xf32, #tpu.memory_space<vmem>>
      %dma_start3A_397 = arith.constant 0 : i32
      %dma_start3A_398 = tpu.memref_slice %arg7[%dma_start3A_392, %dma_start3A_397] : memref<10x125xi32, #tpu.memory_space<vmem>> -> memref<1x125xi32, #tpu.memory_space<vmem>>
      %dma_start3A_399 = tpu.memref_squeeze %dma_start3A_398 : memref<1x125xi32, #tpu.memory_space<vmem>> -> memref<125xi32, #tpu.memory_space<vmem>>
      %dma_start3A_400 = arith.constant 0 : i32
      %dma_start3A_401 = arith.constant 0 : i32
      %dma_start3A_402 = tpu.memref_slice %arg2[%dma_start3A_400, %dma_start3A_401] : memref<10000x128xf32, #tpu.memory_space<hbm>> -> memref<10000x128xf32, #tpu.memory_space<hbm>>
      tpu.enqueue_indirect_dma source(%dma_start3A_402 : memref<10000x128xf32, #tpu.memory_space<hbm>>) target(%dma_start3A_396 : memref<125x128xf32, #tpu.memory_space<vmem>>) offsets(%dma_start3A_399 : memref<125xi32, #tpu.memory_space<vmem>>) semaphore(%arg13 : memref<!tpu.dma_semaphore, #tpu.memory_space<semaphore_mem>>)
      %dma_wait3A_403 = arith.constant 1 : i32
      %dma_wait3A_404 = arith.constant 0 : i32
      %dma_wait3A_405 = arith.constant 0 : i32
      %dma_wait3A_406 = tpu.memref_slice %arg9[%scan3A_85, %dma_wait3A_404, %dma_wait3A_405] : memref<2x125x128xf32, #tpu.memory_space<vmem>> -> memref<1x125x128xf32, #tpu.memory_space<vmem>>
      %dma_wait3A_407 = tpu.memref_squeeze %dma_wait3A_406 : memref<1x125x128xf32, #tpu.memory_space<vmem>> -> memref<125x128xf32, #tpu.memory_space<vmem>>
      %dma_wait3A_408 = arith.constant 0 : i32
      %dma_wait3A_409 = tpu.memref_slice %arg7[%dma_wait3A_403, %dma_wait3A_408] : memref<10x125xi32, #tpu.memory_space<vmem>> -> memref<1x125xi32, #tpu.memory_space<vmem>>
      %dma_wait3A_410 = tpu.memref_squeeze %dma_wait3A_409 : memref<1x125xi32, #tpu.memory_space<vmem>> -> memref<125xi32, #tpu.memory_space<vmem>>
      %dma_wait3A_411 = arith.constant 0 : i32
      %dma_wait3A_412 = arith.constant 0 : i32
      %dma_wait3A_413 = tpu.memref_slice %arg2[%dma_wait3A_411, %dma_wait3A_412] : memref<10000x128xf32, #tpu.memory_space<hbm>> -> memref<10000x128xf32, #tpu.memory_space<hbm>>
      tpu.wait_indirect_dma semaphore(%arg14 : memref<!tpu.dma_semaphore, #tpu.memory_space<semaphore_mem>>) src(%dma_wait3A_413 : memref<10000x128xf32, #tpu.memory_space<hbm>>) dst(%dma_wait3A_407 : memref<125x128xf32, #tpu.memory_space<vmem>>)
      %run_scoped3A_414 = arith.constant 1 : i32
      %run_scoped3A_415 = arith.constant 1 : i32
      "tpu.region"() ({
        %run_scoped3A_604 = tpu.sem_alloc : memref<!tpu.dma_semaphore, #tpu.memory_space<semaphore_mem>>
        %dma_start3A_605 = arith.constant 0 : i32
        %dma_start3A_606 = arith.constant 0 : i32
        %dma_start3A_607 = tpu.memref_slice %arg9[%run_scoped3A_414, %dma_start3A_605, %dma_start3A_606] : memref<2x125x128xf32, #tpu.memory_space<vmem>> -> memref<1x125x128xf32, #tpu.memory_space<vmem>>
        %dma_start3A_608 = tpu.memref_squeeze %dma_start3A_607 : memref<1x125x128xf32, #tpu.memory_space<vmem>> -> memref<125x128xf32, #tpu.memory_space<vmem>>
        %dma_start3A_609 = arith.constant 0 : i32
        %dma_start3A_610 = tpu.memref_slice %arg8[%run_scoped3A_415, %dma_start3A_609] : memref<10x125xi32, #tpu.memory_space<vmem>> -> memref<1x125xi32, #tpu.memory_space<vmem>>
        %dma_start3A_611 = tpu.memref_squeeze %dma_start3A_610 : memref<1x125xi32, #tpu.memory_space<vmem>> -> memref<125xi32, #tpu.memory_space<vmem>>
        %dma_start3A_612 = arith.constant 0 : i32
        %dma_start3A_613 = arith.constant 0 : i32
        %dma_start3A_614 = tpu.memref_slice %arg10[%dma_start3A_612, %dma_start3A_613] : memref<10000x128xf32, #tpu.memory_space<vmem_shared>> -> memref<10000x128xf32, #tpu.memory_space<vmem_shared>>
        tpu.enqueue_indirect_dma source(%dma_start3A_608 : memref<125x128xf32, #tpu.memory_space<vmem>>) target(%dma_start3A_614 : memref<10000x128xf32, #tpu.memory_space<vmem_shared>>) offsets(%dma_start3A_611 : memref<125xi32, #tpu.memory_space<vmem>>) semaphore(%run_scoped3A_604 : memref<!tpu.dma_semaphore, #tpu.memory_space<semaphore_mem>>) {add = true}
        %dma_wait3A_615 = arith.constant 0 : i32
        %dma_wait3A_616 = arith.constant 0 : i32
        %dma_wait3A_617 = tpu.memref_slice %arg9[%run_scoped3A_414, %dma_wait3A_615, %dma_wait3A_616] : memref<2x125x128xf32, #tpu.memory_space<vmem>> -> memref<1x125x128xf32, #tpu.memory_space<vmem>>
        %dma_wait3A_618 = tpu.memref_squeeze %dma_wait3A_617 : memref<1x125x128xf32, #tpu.memory_space<vmem>> -> memref<125x128xf32, #tpu.memory_space<vmem>>
        %dma_wait3A_619 = arith.constant 0 : i32
        %dma_wait3A_620 = tpu.memref_slice %arg8[%run_scoped3A_415, %dma_wait3A_619] : memref<10x125xi32, #tpu.memory_space<vmem>> -> memref<1x125xi32, #tpu.memory_space<vmem>>
        %dma_wait3A_621 = tpu.memref_squeeze %dma_wait3A_620 : memref<1x125xi32, #tpu.memory_space<vmem>> -> memref<125xi32, #tpu.memory_space<vmem>>
        %dma_wait3A_622 = arith.constant 0 : i32
        %dma_wait3A_623 = arith.constant 0 : i32
        %dma_wait3A_624 = tpu.memref_slice %arg10[%dma_wait3A_622, %dma_wait3A_623] : memref<10000x128xf32, #tpu.memory_space<vmem_shared>> -> memref<10000x128xf32, #tpu.memory_space<vmem_shared>>
        tpu.wait_indirect_dma semaphore(%run_scoped3A_604 : memref<!tpu.dma_semaphore, #tpu.memory_space<semaphore_mem>>) src(%dma_wait3A_618 : memref<125x128xf32, #tpu.memory_space<vmem>>) dst(%dma_wait3A_624 : memref<10000x128xf32, #tpu.memory_space<vmem_shared>>)
        tpu.yield
      }) : () -> ()
      %dma_start3A_416 = arith.constant 3 : i32
      %dma_start3A_417 = arith.constant 0 : i32
      %dma_start3A_418 = arith.constant 0 : i32
      %dma_start3A_419 = tpu.memref_slice %arg9[%scan3A_85, %dma_start3A_417, %dma_start3A_418] : memref<2x125x128xf32, #tpu.memory_space<vmem>> -> memref<1x125x128xf32, #tpu.memory_space<vmem>>
      %dma_start3A_420 = tpu.memref_squeeze %dma_start3A_419 : memref<1x125x128xf32, #tpu.memory_space<vmem>> -> memref<125x128xf32, #tpu.memory_space<vmem>>
      %dma_start3A_421 = arith.constant 0 : i32
      %dma_start3A_422 = tpu.memref_slice %arg7[%dma_start3A_416, %dma_start3A_421] : memref<10x125xi32, #tpu.memory_space<vmem>> -> memref<1x125xi32, #tpu.memory_space<vmem>>
      %dma_start3A_423 = tpu.memref_squeeze %dma_start3A_422 : memref<1x125xi32, #tpu.memory_space<vmem>> -> memref<125xi32, #tpu.memory_space<vmem>>
      %dma_start3A_424 = arith.constant 0 : i32
      %dma_start3A_425 = arith.constant 0 : i32
      %dma_start3A_426 = tpu.memref_slice %arg2[%dma_start3A_424, %dma_start3A_425] : memref<10000x128xf32, #tpu.memory_space<hbm>> -> memref<10000x128xf32, #tpu.memory_space<hbm>>
      tpu.enqueue_indirect_dma source(%dma_start3A_426 : memref<10000x128xf32, #tpu.memory_space<hbm>>) target(%dma_start3A_420 : memref<125x128xf32, #tpu.memory_space<vmem>>) offsets(%dma_start3A_423 : memref<125xi32, #tpu.memory_space<vmem>>) semaphore(%arg14 : memref<!tpu.dma_semaphore, #tpu.memory_space<semaphore_mem>>)
      %dma_wait3A_427 = arith.constant 2 : i32
      %dma_wait3A_428 = arith.constant 0 : i32
      %dma_wait3A_429 = arith.constant 0 : i32
      %dma_wait3A_430 = tpu.memref_slice %arg9[%scan3A_86, %dma_wait3A_428, %dma_wait3A_429] : memref<2x125x128xf32, #tpu.memory_space<vmem>> -> memref<1x125x128xf32, #tpu.memory_space<vmem>>
      %dma_wait3A_431 = tpu.memref_squeeze %dma_wait3A_430 : memref<1x125x128xf32, #tpu.memory_space<vmem>> -> memref<125x128xf32, #tpu.memory_space<vmem>>
      %dma_wait3A_432 = arith.constant 0 : i32
      %dma_wait3A_433 = tpu.memref_slice %arg7[%dma_wait3A_427, %dma_wait3A_432] : memref<10x125xi32, #tpu.memory_space<vmem>> -> memref<1x125xi32, #tpu.memory_space<vmem>>
      %dma_wait3A_434 = tpu.memref_squeeze %dma_wait3A_433 : memref<1x125xi32, #tpu.memory_space<vmem>> -> memref<125xi32, #tpu.memory_space<vmem>>
      %dma_wait3A_435 = arith.constant 0 : i32
      %dma_wait3A_436 = arith.constant 0 : i32
      %dma_wait3A_437 = tpu.memref_slice %arg2[%dma_wait3A_435, %dma_wait3A_436] : memref<10000x128xf32, #tpu.memory_space<hbm>> -> memref<10000x128xf32, #tpu.memory_space<hbm>>
      tpu.wait_indirect_dma semaphore(%arg13 : memref<!tpu.dma_semaphore, #tpu.memory_space<semaphore_mem>>) src(%dma_wait3A_437 : memref<10000x128xf32, #tpu.memory_space<hbm>>) dst(%dma_wait3A_431 : memref<125x128xf32, #tpu.memory_space<vmem>>)
      %run_scoped3A_438 = arith.constant 0 : i32
      %run_scoped3A_439 = arith.constant 2 : i32
      "tpu.region"() ({
        %run_scoped3A_604 = tpu.sem_alloc : memref<!tpu.dma_semaphore, #tpu.memory_space<semaphore_mem>>
        %dma_start3A_605 = arith.constant 0 : i32
        %dma_start3A_606 = arith.constant 0 : i32
        %dma_start3A_607 = tpu.memref_slice %arg9[%run_scoped3A_438, %dma_start3A_605, %dma_start3A_606] : memref<2x125x128xf32, #tpu.memory_space<vmem>> -> memref<1x125x128xf32, #tpu.memory_space<vmem>>
        %dma_start3A_608 = tpu.memref_squeeze %dma_start3A_607 : memref<1x125x128xf32, #tpu.memory_space<vmem>> -> memref<125x128xf32, #tpu.memory_space<vmem>>
        %dma_start3A_609 = arith.constant 0 : i32
        %dma_start3A_610 = tpu.memref_slice %arg8[%run_scoped3A_439, %dma_start3A_609] : memref<10x125xi32, #tpu.memory_space<vmem>> -> memref<1x125xi32, #tpu.memory_space<vmem>>
        %dma_start3A_611 = tpu.memref_squeeze %dma_start3A_610 : memref<1x125xi32, #tpu.memory_space<vmem>> -> memref<125xi32, #tpu.memory_space<vmem>>
        %dma_start3A_612 = arith.constant 0 : i32
        %dma_start3A_613 = arith.constant 0 : i32
        %dma_start3A_614 = tpu.memref_slice %arg10[%dma_start3A_612, %dma_start3A_613] : memref<10000x128xf32, #tpu.memory_space<vmem_shared>> -> memref<10000x128xf32, #tpu.memory_space<vmem_shared>>
        tpu.enqueue_indirect_dma source(%dma_start3A_608 : memref<125x128xf32, #tpu.memory_space<vmem>>) target(%dma_start3A_614 : memref<10000x128xf32, #tpu.memory_space<vmem_shared>>) offsets(%dma_start3A_611 : memref<125xi32, #tpu.memory_space<vmem>>) semaphore(%run_scoped3A_604 : memref<!tpu.dma_semaphore, #tpu.memory_space<semaphore_mem>>) {add = true}
        %dma_wait3A_615 = arith.constant 0 : i32
        %dma_wait3A_616 = arith.constant 0 : i32
        %dma_wait3A_617 = tpu.memref_slice %arg9[%run_scoped3A_438, %dma_wait3A_615, %dma_wait3A_616] : memref<2x125x128xf32, #tpu.memory_space<vmem>> -> memref<1x125x128xf32, #tpu.memory_space<vmem>>
        %dma_wait3A_618 = tpu.memref_squeeze %dma_wait3A_617 : memref<1x125x128xf32, #tpu.memory_space<vmem>> -> memref<125x128xf32, #tpu.memory_space<vmem>>
        %dma_wait3A_619 = arith.constant 0 : i32
        %dma_wait3A_620 = tpu.memref_slice %arg8[%run_scoped3A_439, %dma_wait3A_619] : memref<10x125xi32, #tpu.memory_space<vmem>> -> memref<1x125xi32, #tpu.memory_space<vmem>>
        %dma_wait3A_621 = tpu.memref_squeeze %dma_wait3A_620 : memref<1x125xi32, #tpu.memory_space<vmem>> -> memref<125xi32, #tpu.memory_space<vmem>>
        %dma_wait3A_622 = arith.constant 0 : i32
        %dma_wait3A_623 = arith.constant 0 : i32
        %dma_wait3A_624 = tpu.memref_slice %arg10[%dma_wait3A_622, %dma_wait3A_623] : memref<10000x128xf32, #tpu.memory_space<vmem_shared>> -> memref<10000x128xf32, #tpu.memory_space<vmem_shared>>
        tpu.wait_indirect_dma semaphore(%run_scoped3A_604 : memref<!tpu.dma_semaphore, #tpu.memory_space<semaphore_mem>>) src(%dma_wait3A_618 : memref<125x128xf32, #tpu.memory_space<vmem>>) dst(%dma_wait3A_624 : memref<10000x128xf32, #tpu.memory_space<vmem_shared>>)
        tpu.yield
      }) : () -> ()
      %dma_start3A_440 = arith.constant 4 : i32
      %dma_start3A_441 = arith.constant 0 : i32
      %dma_start3A_442 = arith.constant 0 : i32
      %dma_start3A_443 = tpu.memref_slice %arg9[%scan3A_86, %dma_start3A_441, %dma_start3A_442] : memref<2x125x128xf32, #tpu.memory_space<vmem>> -> memref<1x125x128xf32, #tpu.memory_space<vmem>>
      %dma_start3A_444 = tpu.memref_squeeze %dma_start3A_443 : memref<1x125x128xf32, #tpu.memory_space<vmem>> -> memref<125x128xf32, #tpu.memory_space<vmem>>
      %dma_start3A_445 = arith.constant 0 : i32
      %dma_start3A_446 = tpu.memref_slice %arg7[%dma_start3A_440, %dma_start3A_445] : memref<10x125xi32, #tpu.memory_space<vmem>> -> memref<1x125xi32, #tpu.memory_space<vmem>>
      %dma_start3A_447 = tpu.memref_squeeze %dma_start3A_446 : memref<1x125xi32, #tpu.memory_space<vmem>> -> memref<125xi32, #tpu.memory_space<vmem>>
      %dma_start3A_448 = arith.constant 0 : i32
      %dma_start3A_449 = arith.constant 0 : i32
      %dma_start3A_450 = tpu.memref_slice %arg2[%dma_start3A_448, %dma_start3A_449] : memref<10000x128xf32, #tpu.memory_space<hbm>> -> memref<10000x128xf32, #tpu.memory_space<hbm>>
      tpu.enqueue_indirect_dma source(%dma_start3A_450 : memref<10000x128xf32, #tpu.memory_space<hbm>>) target(%dma_start3A_444 : memref<125x128xf32, #tpu.memory_space<vmem>>) offsets(%dma_start3A_447 : memref<125xi32, #tpu.memory_space<vmem>>) semaphore(%arg13 : memref<!tpu.dma_semaphore, #tpu.memory_space<semaphore_mem>>)
      %dma_wait3A_451 = arith.constant 3 : i32
      %dma_wait3A_452 = arith.constant 0 : i32
      %dma_wait3A_453 = arith.constant 0 : i32
      %dma_wait3A_454 = tpu.memref_slice %arg9[%scan3A_85, %dma_wait3A_452, %dma_wait3A_453] : memref<2x125x128xf32, #tpu.memory_space<vmem>> -> memref<1x125x128xf32, #tpu.memory_space<vmem>>
      %dma_wait3A_455 = tpu.memref_squeeze %dma_wait3A_454 : memref<1x125x128xf32, #tpu.memory_space<vmem>> -> memref<125x128xf32, #tpu.memory_space<vmem>>
      %dma_wait3A_456 = arith.constant 0 : i32
      %dma_wait3A_457 = tpu.memref_slice %arg7[%dma_wait3A_451, %dma_wait3A_456] : memref<10x125xi32, #tpu.memory_space<vmem>> -> memref<1x125xi32, #tpu.memory_space<vmem>>
      %dma_wait3A_458 = tpu.memref_squeeze %dma_wait3A_457 : memref<1x125xi32, #tpu.memory_space<vmem>> -> memref<125xi32, #tpu.memory_space<vmem>>
      %dma_wait3A_459 = arith.constant 0 : i32
      %dma_wait3A_460 = arith.constant 0 : i32
      %dma_wait3A_461 = tpu.memref_slice %arg2[%dma_wait3A_459, %dma_wait3A_460] : memref<10000x128xf32, #tpu.memory_space<hbm>> -> memref<10000x128xf32, #tpu.memory_space<hbm>>
      tpu.wait_indirect_dma semaphore(%arg14 : memref<!tpu.dma_semaphore, #tpu.memory_space<semaphore_mem>>) src(%dma_wait3A_461 : memref<10000x128xf32, #tpu.memory_space<hbm>>) dst(%dma_wait3A_455 : memref<125x128xf32, #tpu.memory_space<vmem>>)
      %run_scoped3A_462 = arith.constant 1 : i32
      %run_scoped3A_463 = arith.constant 3 : i32
      "tpu.region"() ({
        %run_scoped3A_604 = tpu.sem_alloc : memref<!tpu.dma_semaphore, #tpu.memory_space<semaphore_mem>>
        %dma_start3A_605 = arith.constant 0 : i32
        %dma_start3A_606 = arith.constant 0 : i32
        %dma_start3A_607 = tpu.memref_slice %arg9[%run_scoped3A_462, %dma_start3A_605, %dma_start3A_606] : memref<2x125x128xf32, #tpu.memory_space<vmem>> -> memref<1x125x128xf32, #tpu.memory_space<vmem>>
        %dma_start3A_608 = tpu.memref_squeeze %dma_start3A_607 : memref<1x125x128xf32, #tpu.memory_space<vmem>> -> memref<125x128xf32, #tpu.memory_space<vmem>>
        %dma_start3A_609 = arith.constant 0 : i32
        %dma_start3A_610 = tpu.memref_slice %arg8[%run_scoped3A_463, %dma_start3A_609] : memref<10x125xi32, #tpu.memory_space<vmem>> -> memref<1x125xi32, #tpu.memory_space<vmem>>
        %dma_start3A_611 = tpu.memref_squeeze %dma_start3A_610 : memref<1x125xi32, #tpu.memory_space<vmem>> -> memref<125xi32, #tpu.memory_space<vmem>>
        %dma_start3A_612 = arith.constant 0 : i32
        %dma_start3A_613 = arith.constant 0 : i32
        %dma_start3A_614 = tpu.memref_slice %arg10[%dma_start3A_612, %dma_start3A_613] : memref<10000x128xf32, #tpu.memory_space<vmem_shared>> -> memref<10000x128xf32, #tpu.memory_space<vmem_shared>>
        tpu.enqueue_indirect_dma source(%dma_start3A_608 : memref<125x128xf32, #tpu.memory_space<vmem>>) target(%dma_start3A_614 : memref<10000x128xf32, #tpu.memory_space<vmem_shared>>) offsets(%dma_start3A_611 : memref<125xi32, #tpu.memory_space<vmem>>) semaphore(%run_scoped3A_604 : memref<!tpu.dma_semaphore, #tpu.memory_space<semaphore_mem>>) {add = true}
        %dma_wait3A_615 = arith.constant 0 : i32
        %dma_wait3A_616 = arith.constant 0 : i32
        %dma_wait3A_617 = tpu.memref_slice %arg9[%run_scoped3A_462, %dma_wait3A_615, %dma_wait3A_616] : memref<2x125x128xf32, #tpu.memory_space<vmem>> -> memref<1x125x128xf32, #tpu.memory_space<vmem>>
        %dma_wait3A_618 = tpu.memref_squeeze %dma_wait3A_617 : memref<1x125x128xf32, #tpu.memory_space<vmem>> -> memref<125x128xf32, #tpu.memory_space<vmem>>
        %dma_wait3A_619 = arith.constant 0 : i32
        %dma_wait3A_620 = tpu.memref_slice %arg8[%run_scoped3A_463, %dma_wait3A_619] : memref<10x125xi32, #tpu.memory_space<vmem>> -> memref<1x125xi32, #tpu.memory_space<vmem>>
        %dma_wait3A_621 = tpu.memref_squeeze %dma_wait3A_620 : memref<1x125xi32, #tpu.memory_space<vmem>> -> memref<125xi32, #tpu.memory_space<vmem>>
        %dma_wait3A_622 = arith.constant 0 : i32
        %dma_wait3A_623 = arith.constant 0 : i32
        %dma_wait3A_624 = tpu.memref_slice %arg10[%dma_wait3A_622, %dma_wait3A_623] : memref<10000x128xf32, #tpu.memory_space<vmem_shared>> -> memref<10000x128xf32, #tpu.memory_space<vmem_shared>>
        tpu.wait_indirect_dma semaphore(%run_scoped3A_604 : memref<!tpu.dma_semaphore, #tpu.memory_space<semaphore_mem>>) src(%dma_wait3A_618 : memref<125x128xf32, #tpu.memory_space<vmem>>) dst(%dma_wait3A_624 : memref<10000x128xf32, #tpu.memory_space<vmem_shared>>)
        tpu.yield
      }) : () -> ()
      %dma_start3A_464 = arith.constant 5 : i32
      %dma_start3A_465 = arith.constant 0 : i32
      %dma_start3A_466 = arith.constant 0 : i32
      %dma_start3A_467 = tpu.memref_slice %arg9[%scan3A_85, %dma_start3A_465, %dma_start3A_466] : memref<2x125x128xf32, #tpu.memory_space<vmem>> -> memref<1x125x128xf32, #tpu.memory_space<vmem>>
      %dma_start3A_468 = tpu.memref_squeeze %dma_start3A_467 : memref<1x125x128xf32, #tpu.memory_space<vmem>> -> memref<125x128xf32, #tpu.memory_space<vmem>>
      %dma_start3A_469 = arith.constant 0 : i32
      %dma_start3A_470 = tpu.memref_slice %arg7[%dma_start3A_464, %dma_start3A_469] : memref<10x125xi32, #tpu.memory_space<vmem>> -> memref<1x125xi32, #tpu.memory_space<vmem>>
      %dma_start3A_471 = tpu.memref_squeeze %dma_start3A_470 : memref<1x125xi32, #tpu.memory_space<vmem>> -> memref<125xi32, #tpu.memory_space<vmem>>
      %dma_start3A_472 = arith.constant 0 : i32
      %dma_start3A_473 = arith.constant 0 : i32
      %dma_start3A_474 = tpu.memref_slice %arg2[%dma_start3A_472, %dma_start3A_473] : memref<10000x128xf32, #tpu.memory_space<hbm>> -> memref<10000x128xf32, #tpu.memory_space<hbm>>
      tpu.enqueue_indirect_dma source(%dma_start3A_474 : memref<10000x128xf32, #tpu.memory_space<hbm>>) target(%dma_start3A_468 : memref<125x128xf32, #tpu.memory_space<vmem>>) offsets(%dma_start3A_471 : memref<125xi32, #tpu.memory_space<vmem>>) semaphore(%arg14 : memref<!tpu.dma_semaphore, #tpu.memory_space<semaphore_mem>>)
      %dma_wait3A_475 = arith.constant 4 : i32
      %dma_wait3A_476 = arith.constant 0 : i32
      %dma_wait3A_477 = arith.constant 0 : i32
      %dma_wait3A_478 = tpu.memref_slice %arg9[%scan3A_86, %dma_wait3A_476, %dma_wait3A_477] : memref<2x125x128xf32, #tpu.memory_space<vmem>> -> memref<1x125x128xf32, #tpu.memory_space<vmem>>
      %dma_wait3A_479 = tpu.memref_squeeze %dma_wait3A_478 : memref<1x125x128xf32, #tpu.memory_space<vmem>> -> memref<125x128xf32, #tpu.memory_space<vmem>>
      %dma_wait3A_480 = arith.constant 0 : i32
      %dma_wait3A_481 = tpu.memref_slice %arg7[%dma_wait3A_475, %dma_wait3A_480] : memref<10x125xi32, #tpu.memory_space<vmem>> -> memref<1x125xi32, #tpu.memory_space<vmem>>
      %dma_wait3A_482 = tpu.memref_squeeze %dma_wait3A_481 : memref<1x125xi32, #tpu.memory_space<vmem>> -> memref<125xi32, #tpu.memory_space<vmem>>
      %dma_wait3A_483 = arith.constant 0 : i32
      %dma_wait3A_484 = arith.constant 0 : i32
      %dma_wait3A_485 = tpu.memref_slice %arg2[%dma_wait3A_483, %dma_wait3A_484] : memref<10000x128xf32, #tpu.memory_space<hbm>> -> memref<10000x128xf32, #tpu.memory_space<hbm>>
      tpu.wait_indirect_dma semaphore(%arg13 : memref<!tpu.dma_semaphore, #tpu.memory_space<semaphore_mem>>) src(%dma_wait3A_485 : memref<10000x128xf32, #tpu.memory_space<hbm>>) dst(%dma_wait3A_479 : memref<125x128xf32, #tpu.memory_space<vmem>>)
      %run_scoped3A_486 = arith.constant 0 : i32
      %run_scoped3A_487 = arith.constant 4 : i32
      "tpu.region"() ({
        %run_scoped3A_604 = tpu.sem_alloc : memref<!tpu.dma_semaphore, #tpu.memory_space<semaphore_mem>>
        %dma_start3A_605 = arith.constant 0 : i32
        %dma_start3A_606 = arith.constant 0 : i32
        %dma_start3A_607 = tpu.memref_slice %arg9[%run_scoped3A_486, %dma_start3A_605, %dma_start3A_606] : memref<2x125x128xf32, #tpu.memory_space<vmem>> -> memref<1x125x128xf32, #tpu.memory_space<vmem>>
        %dma_start3A_608 = tpu.memref_squeeze %dma_start3A_607 : memref<1x125x128xf32, #tpu.memory_space<vmem>> -> memref<125x128xf32, #tpu.memory_space<vmem>>
        %dma_start3A_609 = arith.constant 0 : i32
        %dma_start3A_610 = tpu.memref_slice %arg8[%run_scoped3A_487, %dma_start3A_609] : memref<10x125xi32, #tpu.memory_space<vmem>> -> memref<1x125xi32, #tpu.memory_space<vmem>>
        %dma_start3A_611 = tpu.memref_squeeze %dma_start3A_610 : memref<1x125xi32, #tpu.memory_space<vmem>> -> memref<125xi32, #tpu.memory_space<vmem>>
        %dma_start3A_612 = arith.constant 0 : i32
        %dma_start3A_613 = arith.constant 0 : i32
        %dma_start3A_614 = tpu.memref_slice %arg10[%dma_start3A_612, %dma_start3A_613] : memref<10000x128xf32, #tpu.memory_space<vmem_shared>> -> memref<10000x128xf32, #tpu.memory_space<vmem_shared>>
        tpu.enqueue_indirect_dma source(%dma_start3A_608 : memref<125x128xf32, #tpu.memory_space<vmem>>) target(%dma_start3A_614 : memref<10000x128xf32, #tpu.memory_space<vmem_shared>>) offsets(%dma_start3A_611 : memref<125xi32, #tpu.memory_space<vmem>>) semaphore(%run_scoped3A_604 : memref<!tpu.dma_semaphore, #tpu.memory_space<semaphore_mem>>) {add = true}
        %dma_wait3A_615 = arith.constant 0 : i32
        %dma_wait3A_616 = arith.constant 0 : i32
        %dma_wait3A_617 = tpu.memref_slice %arg9[%run_scoped3A_486, %dma_wait3A_615, %dma_wait3A_616] : memref<2x125x128xf32, #tpu.memory_space<vmem>> -> memref<1x125x128xf32, #tpu.memory_space<vmem>>
        %dma_wait3A_618 = tpu.memref_squeeze %dma_wait3A_617 : memref<1x125x128xf32, #tpu.memory_space<vmem>> -> memref<125x128xf32, #tpu.memory_space<vmem>>
        %dma_wait3A_619 = arith.constant 0 : i32
        %dma_wait3A_620 = tpu.memref_slice %arg8[%run_scoped3A_487, %dma_wait3A_619] : memref<10x125xi32, #tpu.memory_space<vmem>> -> memref<1x125xi32, #tpu.memory_space<vmem>>
        %dma_wait3A_621 = tpu.memref_squeeze %dma_wait3A_620 : memref<1x125xi32, #tpu.memory_space<vmem>> -> memref<125xi32, #tpu.memory_space<vmem>>
        %dma_wait3A_622 = arith.constant 0 : i32
        %dma_wait3A_623 = arith.constant 0 : i32
        %dma_wait3A_624 = tpu.memref_slice %arg10[%dma_wait3A_622, %dma_wait3A_623] : memref<10000x128xf32, #tpu.memory_space<vmem_shared>> -> memref<10000x128xf32, #tpu.memory_space<vmem_shared>>
        tpu.wait_indirect_dma semaphore(%run_scoped3A_604 : memref<!tpu.dma_semaphore, #tpu.memory_space<semaphore_mem>>) src(%dma_wait3A_618 : memref<125x128xf32, #tpu.memory_space<vmem>>) dst(%dma_wait3A_624 : memref<10000x128xf32, #tpu.memory_space<vmem_shared>>)
        tpu.yield
      }) : () -> ()
      %dma_start3A_488 = arith.constant 6 : i32
      %dma_start3A_489 = arith.constant 0 : i32
      %dma_start3A_490 = arith.constant 0 : i32
      %dma_start3A_491 = tpu.memref_slice %arg9[%scan3A_86, %dma_start3A_489, %dma_start3A_490] : memref<2x125x128xf32, #tpu.memory_space<vmem>> -> memref<1x125x128xf32, #tpu.memory_space<vmem>>
      %dma_start3A_492 = tpu.memref_squeeze %dma_start3A_491 : memref<1x125x128xf32, #tpu.memory_space<vmem>> -> memref<125x128xf32, #tpu.memory_space<vmem>>
      %dma_start3A_493 = arith.constant 0 : i32
      %dma_start3A_494 = tpu.memref_slice %arg7[%dma_start3A_488, %dma_start3A_493] : memref<10x125xi32, #tpu.memory_space<vmem>> -> memref<1x125xi32, #tpu.memory_space<vmem>>
      %dma_start3A_495 = tpu.memref_squeeze %dma_start3A_494 : memref<1x125xi32, #tpu.memory_space<vmem>> -> memref<125xi32, #tpu.memory_space<vmem>>
      %dma_start3A_496 = arith.constant 0 : i32
      %dma_start3A_497 = arith.constant 0 : i32
      %dma_start3A_498 = tpu.memref_slice %arg2[%dma_start3A_496, %dma_start3A_497] : memref<10000x128xf32, #tpu.memory_space<hbm>> -> memref<10000x128xf32, #tpu.memory_space<hbm>>
      tpu.enqueue_indirect_dma source(%dma_start3A_498 : memref<10000x128xf32, #tpu.memory_space<hbm>>) target(%dma_start3A_492 : memref<125x128xf32, #tpu.memory_space<vmem>>) offsets(%dma_start3A_495 : memref<125xi32, #tpu.memory_space<vmem>>) semaphore(%arg13 : memref<!tpu.dma_semaphore, #tpu.memory_space<semaphore_mem>>)
      %dma_wait3A_499 = arith.constant 5 : i32
      %dma_wait3A_500 = arith.constant 0 : i32
      %dma_wait3A_501 = arith.constant 0 : i32
      %dma_wait3A_502 = tpu.memref_slice %arg9[%scan3A_85, %dma_wait3A_500, %dma_wait3A_501] : memref<2x125x128xf32, #tpu.memory_space<vmem>> -> memref<1x125x128xf32, #tpu.memory_space<vmem>>
      %dma_wait3A_503 = tpu.memref_squeeze %dma_wait3A_502 : memref<1x125x128xf32, #tpu.memory_space<vmem>> -> memref<125x128xf32, #tpu.memory_space<vmem>>
      %dma_wait3A_504 = arith.constant 0 : i32
      %dma_wait3A_505 = tpu.memref_slice %arg7[%dma_wait3A_499, %dma_wait3A_504] : memref<10x125xi32, #tpu.memory_space<vmem>> -> memref<1x125xi32, #tpu.memory_space<vmem>>
      %dma_wait3A_506 = tpu.memref_squeeze %dma_wait3A_505 : memref<1x125xi32, #tpu.memory_space<vmem>> -> memref<125xi32, #tpu.memory_space<vmem>>
      %dma_wait3A_507 = arith.constant 0 : i32
      %dma_wait3A_508 = arith.constant 0 : i32
      %dma_wait3A_509 = tpu.memref_slice %arg2[%dma_wait3A_507, %dma_wait3A_508] : memref<10000x128xf32, #tpu.memory_space<hbm>> -> memref<10000x128xf32, #tpu.memory_space<hbm>>
      tpu.wait_indirect_dma semaphore(%arg14 : memref<!tpu.dma_semaphore, #tpu.memory_space<semaphore_mem>>) src(%dma_wait3A_509 : memref<10000x128xf32, #tpu.memory_space<hbm>>) dst(%dma_wait3A_503 : memref<125x128xf32, #tpu.memory_space<vmem>>)
      %run_scoped3A_510 = arith.constant 1 : i32
      %run_scoped3A_511 = arith.constant 5 : i32
      "tpu.region"() ({
        %run_scoped3A_604 = tpu.sem_alloc : memref<!tpu.dma_semaphore, #tpu.memory_space<semaphore_mem>>
        %dma_start3A_605 = arith.constant 0 : i32
        %dma_start3A_606 = arith.constant 0 : i32
        %dma_start3A_607 = tpu.memref_slice %arg9[%run_scoped3A_510, %dma_start3A_605, %dma_start3A_606] : memref<2x125x128xf32, #tpu.memory_space<vmem>> -> memref<1x125x128xf32, #tpu.memory_space<vmem>>
        %dma_start3A_608 = tpu.memref_squeeze %dma_start3A_607 : memref<1x125x128xf32, #tpu.memory_space<vmem>> -> memref<125x128xf32, #tpu.memory_space<vmem>>
        %dma_start3A_609 = arith.constant 0 : i32
        %dma_start3A_610 = tpu.memref_slice %arg8[%run_scoped3A_511, %dma_start3A_609] : memref<10x125xi32, #tpu.memory_space<vmem>> -> memref<1x125xi32, #tpu.memory_space<vmem>>
        %dma_start3A_611 = tpu.memref_squeeze %dma_start3A_610 : memref<1x125xi32, #tpu.memory_space<vmem>> -> memref<125xi32, #tpu.memory_space<vmem>>
        %dma_start3A_612 = arith.constant 0 : i32
        %dma_start3A_613 = arith.constant 0 : i32
        %dma_start3A_614 = tpu.memref_slice %arg10[%dma_start3A_612, %dma_start3A_613] : memref<10000x128xf32, #tpu.memory_space<vmem_shared>> -> memref<10000x128xf32, #tpu.memory_space<vmem_shared>>
        tpu.enqueue_indirect_dma source(%dma_start3A_608 : memref<125x128xf32, #tpu.memory_space<vmem>>) target(%dma_start3A_614 : memref<10000x128xf32, #tpu.memory_space<vmem_shared>>) offsets(%dma_start3A_611 : memref<125xi32, #tpu.memory_space<vmem>>) semaphore(%run_scoped3A_604 : memref<!tpu.dma_semaphore, #tpu.memory_space<semaphore_mem>>) {add = true}
        %dma_wait3A_615 = arith.constant 0 : i32
        %dma_wait3A_616 = arith.constant 0 : i32
        %dma_wait3A_617 = tpu.memref_slice %arg9[%run_scoped3A_510, %dma_wait3A_615, %dma_wait3A_616] : memref<2x125x128xf32, #tpu.memory_space<vmem>> -> memref<1x125x128xf32, #tpu.memory_space<vmem>>
        %dma_wait3A_618 = tpu.memref_squeeze %dma_wait3A_617 : memref<1x125x128xf32, #tpu.memory_space<vmem>> -> memref<125x128xf32, #tpu.memory_space<vmem>>
        %dma_wait3A_619 = arith.constant 0 : i32
        %dma_wait3A_620 = tpu.memref_slice %arg8[%run_scoped3A_511, %dma_wait3A_619] : memref<10x125xi32, #tpu.memory_space<vmem>> -> memref<1x125xi32, #tpu.memory_space<vmem>>
        %dma_wait3A_621 = tpu.memref_squeeze %dma_wait3A_620 : memref<1x125xi32, #tpu.memory_space<vmem>> -> memref<125xi32, #tpu.memory_space<vmem>>
        %dma_wait3A_622 = arith.constant 0 : i32
        %dma_wait3A_623 = arith.constant 0 : i32
        %dma_wait3A_624 = tpu.memref_slice %arg10[%dma_wait3A_622, %dma_wait3A_623] : memref<10000x128xf32, #tpu.memory_space<vmem_shared>> -> memref<10000x128xf32, #tpu.memory_space<vmem_shared>>
        tpu.wait_indirect_dma semaphore(%run_scoped3A_604 : memref<!tpu.dma_semaphore, #tpu.memory_space<semaphore_mem>>) src(%dma_wait3A_618 : memref<125x128xf32, #tpu.memory_space<vmem>>) dst(%dma_wait3A_624 : memref<10000x128xf32, #tpu.memory_space<vmem_shared>>)
        tpu.yield
      }) : () -> ()
      %dma_start3A_512 = arith.constant 7 : i32
      %dma_start3A_513 = arith.constant 0 : i32
      %dma_start3A_514 = arith.constant 0 : i32
      %dma_start3A_515 = tpu.memref_slice %arg9[%scan3A_85, %dma_start3A_513, %dma_start3A_514] : memref<2x125x128xf32, #tpu.memory_space<vmem>> -> memref<1x125x128xf32, #tpu.memory_space<vmem>>
      %dma_start3A_516 = tpu.memref_squeeze %dma_start3A_515 : memref<1x125x128xf32, #tpu.memory_space<vmem>> -> memref<125x128xf32, #tpu.memory_space<vmem>>
      %dma_start3A_517 = arith.constant 0 : i32
      %dma_start3A_518 = tpu.memref_slice %arg7[%dma_start3A_512, %dma_start3A_517] : memref<10x125xi32, #tpu.memory_space<vmem>> -> memref<1x125xi32, #tpu.memory_space<vmem>>
      %dma_start3A_519 = tpu.memref_squeeze %dma_start3A_518 : memref<1x125xi32, #tpu.memory_space<vmem>> -> memref<125xi32, #tpu.memory_space<vmem>>
      %dma_start3A_520 = arith.constant 0 : i32
      %dma_start3A_521 = arith.constant 0 : i32
      %dma_start3A_522 = tpu.memref_slice %arg2[%dma_start3A_520, %dma_start3A_521] : memref<10000x128xf32, #tpu.memory_space<hbm>> -> memref<10000x128xf32, #tpu.memory_space<hbm>>
      tpu.enqueue_indirect_dma source(%dma_start3A_522 : memref<10000x128xf32, #tpu.memory_space<hbm>>) target(%dma_start3A_516 : memref<125x128xf32, #tpu.memory_space<vmem>>) offsets(%dma_start3A_519 : memref<125xi32, #tpu.memory_space<vmem>>) semaphore(%arg14 : memref<!tpu.dma_semaphore, #tpu.memory_space<semaphore_mem>>)
      %dma_wait3A_523 = arith.constant 6 : i32
      %dma_wait3A_524 = arith.constant 0 : i32
      %dma_wait3A_525 = arith.constant 0 : i32
      %dma_wait3A_526 = tpu.memref_slice %arg9[%scan3A_86, %dma_wait3A_524, %dma_wait3A_525] : memref<2x125x128xf32, #tpu.memory_space<vmem>> -> memref<1x125x128xf32, #tpu.memory_space<vmem>>
      %dma_wait3A_527 = tpu.memref_squeeze %dma_wait3A_526 : memref<1x125x128xf32, #tpu.memory_space<vmem>> -> memref<125x128xf32, #tpu.memory_space<vmem>>
      %dma_wait3A_528 = arith.constant 0 : i32
      %dma_wait3A_529 = tpu.memref_slice %arg7[%dma_wait3A_523, %dma_wait3A_528] : memref<10x125xi32, #tpu.memory_space<vmem>> -> memref<1x125xi32, #tpu.memory_space<vmem>>
      %dma_wait3A_530 = tpu.memref_squeeze %dma_wait3A_529 : memref<1x125xi32, #tpu.memory_space<vmem>> -> memref<125xi32, #tpu.memory_space<vmem>>
      %dma_wait3A_531 = arith.constant 0 : i32
      %dma_wait3A_532 = arith.constant 0 : i32
      %dma_wait3A_533 = tpu.memref_slice %arg2[%dma_wait3A_531, %dma_wait3A_532] : memref<10000x128xf32, #tpu.memory_space<hbm>> -> memref<10000x128xf32, #tpu.memory_space<hbm>>
      tpu.wait_indirect_dma semaphore(%arg13 : memref<!tpu.dma_semaphore, #tpu.memory_space<semaphore_mem>>) src(%dma_wait3A_533 : memref<10000x128xf32, #tpu.memory_space<hbm>>) dst(%dma_wait3A_527 : memref<125x128xf32, #tpu.memory_space<vmem>>)
      %run_scoped3A_534 = arith.constant 0 : i32
      %run_scoped3A_535 = arith.constant 6 : i32
      "tpu.region"() ({
        %run_scoped3A_604 = tpu.sem_alloc : memref<!tpu.dma_semaphore, #tpu.memory_space<semaphore_mem>>
        %dma_start3A_605 = arith.constant 0 : i32
        %dma_start3A_606 = arith.constant 0 : i32
        %dma_start3A_607 = tpu.memref_slice %arg9[%run_scoped3A_534, %dma_start3A_605, %dma_start3A_606] : memref<2x125x128xf32, #tpu.memory_space<vmem>> -> memref<1x125x128xf32, #tpu.memory_space<vmem>>
        %dma_start3A_608 = tpu.memref_squeeze %dma_start3A_607 : memref<1x125x128xf32, #tpu.memory_space<vmem>> -> memref<125x128xf32, #tpu.memory_space<vmem>>
        %dma_start3A_609 = arith.constant 0 : i32
        %dma_start3A_610 = tpu.memref_slice %arg8[%run_scoped3A_535, %dma_start3A_609] : memref<10x125xi32, #tpu.memory_space<vmem>> -> memref<1x125xi32, #tpu.memory_space<vmem>>
        %dma_start3A_611 = tpu.memref_squeeze %dma_start3A_610 : memref<1x125xi32, #tpu.memory_space<vmem>> -> memref<125xi32, #tpu.memory_space<vmem>>
        %dma_start3A_612 = arith.constant 0 : i32
        %dma_start3A_613 = arith.constant 0 : i32
        %dma_start3A_614 = tpu.memref_slice %arg10[%dma_start3A_612, %dma_start3A_613] : memref<10000x128xf32, #tpu.memory_space<vmem_shared>> -> memref<10000x128xf32, #tpu.memory_space<vmem_shared>>
        tpu.enqueue_indirect_dma source(%dma_start3A_608 : memref<125x128xf32, #tpu.memory_space<vmem>>) target(%dma_start3A_614 : memref<10000x128xf32, #tpu.memory_space<vmem_shared>>) offsets(%dma_start3A_611 : memref<125xi32, #tpu.memory_space<vmem>>) semaphore(%run_scoped3A_604 : memref<!tpu.dma_semaphore, #tpu.memory_space<semaphore_mem>>) {add = true}
        %dma_wait3A_615 = arith.constant 0 : i32
        %dma_wait3A_616 = arith.constant 0 : i32
        %dma_wait3A_617 = tpu.memref_slice %arg9[%run_scoped3A_534, %dma_wait3A_615, %dma_wait3A_616] : memref<2x125x128xf32, #tpu.memory_space<vmem>> -> memref<1x125x128xf32, #tpu.memory_space<vmem>>
        %dma_wait3A_618 = tpu.memref_squeeze %dma_wait3A_617 : memref<1x125x128xf32, #tpu.memory_space<vmem>> -> memref<125x128xf32, #tpu.memory_space<vmem>>
        %dma_wait3A_619 = arith.constant 0 : i32
        %dma_wait3A_620 = tpu.memref_slice %arg8[%run_scoped3A_535, %dma_wait3A_619] : memref<10x125xi32, #tpu.memory_space<vmem>> -> memref<1x125xi32, #tpu.memory_space<vmem>>
        %dma_wait3A_621 = tpu.memref_squeeze %dma_wait3A_620 : memref<1x125xi32, #tpu.memory_space<vmem>> -> memref<125xi32, #tpu.memory_space<vmem>>
        %dma_wait3A_622 = arith.constant 0 : i32
        %dma_wait3A_623 = arith.constant 0 : i32
        %dma_wait3A_624 = tpu.memref_slice %arg10[%dma_wait3A_622, %dma_wait3A_623] : memref<10000x128xf32, #tpu.memory_space<vmem_shared>> -> memref<10000x128xf32, #tpu.memory_space<vmem_shared>>
        tpu.wait_indirect_dma semaphore(%run_scoped3A_604 : memref<!tpu.dma_semaphore, #tpu.memory_space<semaphore_mem>>) src(%dma_wait3A_618 : memref<125x128xf32, #tpu.memory_space<vmem>>) dst(%dma_wait3A_624 : memref<10000x128xf32, #tpu.memory_space<vmem_shared>>)
        tpu.yield
      }) : () -> ()
      %dma_start3A_536 = arith.constant 8 : i32
      %dma_start3A_537 = arith.constant 0 : i32
      %dma_start3A_538 = arith.constant 0 : i32
      %dma_start3A_539 = tpu.memref_slice %arg9[%scan3A_86, %dma_start3A_537, %dma_start3A_538] : memref<2x125x128xf32, #tpu.memory_space<vmem>> -> memref<1x125x128xf32, #tpu.memory_space<vmem>>
      %dma_start3A_540 = tpu.memref_squeeze %dma_start3A_539 : memref<1x125x128xf32, #tpu.memory_space<vmem>> -> memref<125x128xf32, #tpu.memory_space<vmem>>
      %dma_start3A_541 = arith.constant 0 : i32
      %dma_start3A_542 = tpu.memref_slice %arg7[%dma_start3A_536, %dma_start3A_541] : memref<10x125xi32, #tpu.memory_space<vmem>> -> memref<1x125xi32, #tpu.memory_space<vmem>>
      %dma_start3A_543 = tpu.memref_squeeze %dma_start3A_542 : memref<1x125xi32, #tpu.memory_space<vmem>> -> memref<125xi32, #tpu.memory_space<vmem>>
      %dma_start3A_544 = arith.constant 0 : i32
      %dma_start3A_545 = arith.constant 0 : i32
      %dma_start3A_546 = tpu.memref_slice %arg2[%dma_start3A_544, %dma_start3A_545] : memref<10000x128xf32, #tpu.memory_space<hbm>> -> memref<10000x128xf32, #tpu.memory_space<hbm>>
      tpu.enqueue_indirect_dma source(%dma_start3A_546 : memref<10000x128xf32, #tpu.memory_space<hbm>>) target(%dma_start3A_540 : memref<125x128xf32, #tpu.memory_space<vmem>>) offsets(%dma_start3A_543 : memref<125xi32, #tpu.memory_space<vmem>>) semaphore(%arg13 : memref<!tpu.dma_semaphore, #tpu.memory_space<semaphore_mem>>)
      %dma_wait3A_547 = arith.constant 7 : i32
      %dma_wait3A_548 = arith.constant 0 : i32
      %dma_wait3A_549 = arith.constant 0 : i32
      %dma_wait3A_550 = tpu.memref_slice %arg9[%scan3A_85, %dma_wait3A_548, %dma_wait3A_549] : memref<2x125x128xf32, #tpu.memory_space<vmem>> -> memref<1x125x128xf32, #tpu.memory_space<vmem>>
      %dma_wait3A_551 = tpu.memref_squeeze %dma_wait3A_550 : memref<1x125x128xf32, #tpu.memory_space<vmem>> -> memref<125x128xf32, #tpu.memory_space<vmem>>
      %dma_wait3A_552 = arith.constant 0 : i32
      %dma_wait3A_553 = tpu.memref_slice %arg7[%dma_wait3A_547, %dma_wait3A_552] : memref<10x125xi32, #tpu.memory_space<vmem>> -> memref<1x125xi32, #tpu.memory_space<vmem>>
      %dma_wait3A_554 = tpu.memref_squeeze %dma_wait3A_553 : memref<1x125xi32, #tpu.memory_space<vmem>> -> memref<125xi32, #tpu.memory_space<vmem>>
      %dma_wait3A_555 = arith.constant 0 : i32
      %dma_wait3A_556 = arith.constant 0 : i32
      %dma_wait3A_557 = tpu.memref_slice %arg2[%dma_wait3A_555, %dma_wait3A_556] : memref<10000x128xf32, #tpu.memory_space<hbm>> -> memref<10000x128xf32, #tpu.memory_space<hbm>>
      tpu.wait_indirect_dma semaphore(%arg14 : memref<!tpu.dma_semaphore, #tpu.memory_space<semaphore_mem>>) src(%dma_wait3A_557 : memref<10000x128xf32, #tpu.memory_space<hbm>>) dst(%dma_wait3A_551 : memref<125x128xf32, #tpu.memory_space<vmem>>)
      %run_scoped3A_558 = arith.constant 1 : i32
      %run_scoped3A_559 = arith.constant 7 : i32
      "tpu.region"() ({
        %run_scoped3A_604 = tpu.sem_alloc : memref<!tpu.dma_semaphore, #tpu.memory_space<semaphore_mem>>
        %dma_start3A_605 = arith.constant 0 : i32
        %dma_start3A_606 = arith.constant 0 : i32
        %dma_start3A_607 = tpu.memref_slice %arg9[%run_scoped3A_558, %dma_start3A_605, %dma_start3A_606] : memref<2x125x128xf32, #tpu.memory_space<vmem>> -> memref<1x125x128xf32, #tpu.memory_space<vmem>>
        %dma_start3A_608 = tpu.memref_squeeze %dma_start3A_607 : memref<1x125x128xf32, #tpu.memory_space<vmem>> -> memref<125x128xf32, #tpu.memory_space<vmem>>
        %dma_start3A_609 = arith.constant 0 : i32
        %dma_start3A_610 = tpu.memref_slice %arg8[%run_scoped3A_559, %dma_start3A_609] : memref<10x125xi32, #tpu.memory_space<vmem>> -> memref<1x125xi32, #tpu.memory_space<vmem>>
        %dma_start3A_611 = tpu.memref_squeeze %dma_start3A_610 : memref<1x125xi32, #tpu.memory_space<vmem>> -> memref<125xi32, #tpu.memory_space<vmem>>
        %dma_start3A_612 = arith.constant 0 : i32
        %dma_start3A_613 = arith.constant 0 : i32
        %dma_start3A_614 = tpu.memref_slice %arg10[%dma_start3A_612, %dma_start3A_613] : memref<10000x128xf32, #tpu.memory_space<vmem_shared>> -> memref<10000x128xf32, #tpu.memory_space<vmem_shared>>
        tpu.enqueue_indirect_dma source(%dma_start3A_608 : memref<125x128xf32, #tpu.memory_space<vmem>>) target(%dma_start3A_614 : memref<10000x128xf32, #tpu.memory_space<vmem_shared>>) offsets(%dma_start3A_611 : memref<125xi32, #tpu.memory_space<vmem>>) semaphore(%run_scoped3A_604 : memref<!tpu.dma_semaphore, #tpu.memory_space<semaphore_mem>>) {add = true}
        %dma_wait3A_615 = arith.constant 0 : i32
        %dma_wait3A_616 = arith.constant 0 : i32
        %dma_wait3A_617 = tpu.memref_slice %arg9[%run_scoped3A_558, %dma_wait3A_615, %dma_wait3A_616] : memref<2x125x128xf32, #tpu.memory_space<vmem>> -> memref<1x125x128xf32, #tpu.memory_space<vmem>>
        %dma_wait3A_618 = tpu.memref_squeeze %dma_wait3A_617 : memref<1x125x128xf32, #tpu.memory_space<vmem>> -> memref<125x128xf32, #tpu.memory_space<vmem>>
        %dma_wait3A_619 = arith.constant 0 : i32
        %dma_wait3A_620 = tpu.memref_slice %arg8[%run_scoped3A_559, %dma_wait3A_619] : memref<10x125xi32, #tpu.memory_space<vmem>> -> memref<1x125xi32, #tpu.memory_space<vmem>>
        %dma_wait3A_621 = tpu.memref_squeeze %dma_wait3A_620 : memref<1x125xi32, #tpu.memory_space<vmem>> -> memref<125xi32, #tpu.memory_space<vmem>>
        %dma_wait3A_622 = arith.constant 0 : i32
        %dma_wait3A_623 = arith.constant 0 : i32
        %dma_wait3A_624 = tpu.memref_slice %arg10[%dma_wait3A_622, %dma_wait3A_623] : memref<10000x128xf32, #tpu.memory_space<vmem_shared>> -> memref<10000x128xf32, #tpu.memory_space<vmem_shared>>
        tpu.wait_indirect_dma semaphore(%run_scoped3A_604 : memref<!tpu.dma_semaphore, #tpu.memory_space<semaphore_mem>>) src(%dma_wait3A_618 : memref<125x128xf32, #tpu.memory_space<vmem>>) dst(%dma_wait3A_624 : memref<10000x128xf32, #tpu.memory_space<vmem_shared>>)
        tpu.yield
      }) : () -> ()
      %dma_start3A_560 = arith.constant 9 : i32
      %dma_start3A_561 = arith.constant 0 : i32
      %dma_start3A_562 = arith.constant 0 : i32
      %dma_start3A_563 = tpu.memref_slice %arg9[%scan3A_85, %dma_start3A_561, %dma_start3A_562] : memref<2x125x128xf32, #tpu.memory_space<vmem>> -> memref<1x125x128xf32, #tpu.memory_space<vmem>>
      %dma_start3A_564 = tpu.memref_squeeze %dma_start3A_563 : memref<1x125x128xf32, #tpu.memory_space<vmem>> -> memref<125x128xf32, #tpu.memory_space<vmem>>
      %dma_start3A_565 = arith.constant 0 : i32
      %dma_start3A_566 = tpu.memref_slice %arg7[%dma_start3A_560, %dma_start3A_565] : memref<10x125xi32, #tpu.memory_space<vmem>> -> memref<1x125xi32, #tpu.memory_space<vmem>>
      %dma_start3A_567 = tpu.memref_squeeze %dma_start3A_566 : memref<1x125xi32, #tpu.memory_space<vmem>> -> memref<125xi32, #tpu.memory_space<vmem>>
      %dma_start3A_568 = arith.constant 0 : i32
      %dma_start3A_569 = arith.constant 0 : i32
      %dma_start3A_570 = tpu.memref_slice %arg2[%dma_start3A_568, %dma_start3A_569] : memref<10000x128xf32, #tpu.memory_space<hbm>> -> memref<10000x128xf32, #tpu.memory_space<hbm>>
      tpu.enqueue_indirect_dma source(%dma_start3A_570 : memref<10000x128xf32, #tpu.memory_space<hbm>>) target(%dma_start3A_564 : memref<125x128xf32, #tpu.memory_space<vmem>>) offsets(%dma_start3A_567 : memref<125xi32, #tpu.memory_space<vmem>>) semaphore(%arg14 : memref<!tpu.dma_semaphore, #tpu.memory_space<semaphore_mem>>)
      %dma_wait3A_571 = arith.constant 8 : i32
      %dma_wait3A_572 = arith.constant 0 : i32
      %dma_wait3A_573 = arith.constant 0 : i32
      %dma_wait3A_574 = tpu.memref_slice %arg9[%scan3A_86, %dma_wait3A_572, %dma_wait3A_573] : memref<2x125x128xf32, #tpu.memory_space<vmem>> -> memref<1x125x128xf32, #tpu.memory_space<vmem>>
      %dma_wait3A_575 = tpu.memref_squeeze %dma_wait3A_574 : memref<1x125x128xf32, #tpu.memory_space<vmem>> -> memref<125x128xf32, #tpu.memory_space<vmem>>
      %dma_wait3A_576 = arith.constant 0 : i32
      %dma_wait3A_577 = tpu.memref_slice %arg7[%dma_wait3A_571, %dma_wait3A_576] : memref<10x125xi32, #tpu.memory_space<vmem>> -> memref<1x125xi32, #tpu.memory_space<vmem>>
      %dma_wait3A_578 = tpu.memref_squeeze %dma_wait3A_577 : memref<1x125xi32, #tpu.memory_space<vmem>> -> memref<125xi32, #tpu.memory_space<vmem>>
      %dma_wait3A_579 = arith.constant 0 : i32
      %dma_wait3A_580 = arith.constant 0 : i32
      %dma_wait3A_581 = tpu.memref_slice %arg2[%dma_wait3A_579, %dma_wait3A_580] : memref<10000x128xf32, #tpu.memory_space<hbm>> -> memref<10000x128xf32, #tpu.memory_space<hbm>>
      tpu.wait_indirect_dma semaphore(%arg13 : memref<!tpu.dma_semaphore, #tpu.memory_space<semaphore_mem>>) src(%dma_wait3A_581 : memref<10000x128xf32, #tpu.memory_space<hbm>>) dst(%dma_wait3A_575 : memref<125x128xf32, #tpu.memory_space<vmem>>)
      %run_scoped3A_582 = arith.constant 0 : i32
      %run_scoped3A_583 = arith.constant 8 : i32
      "tpu.region"() ({
        %run_scoped3A_604 = tpu.sem_alloc : memref<!tpu.dma_semaphore, #tpu.memory_space<semaphore_mem>>
        %dma_start3A_605 = arith.constant 0 : i32
        %dma_start3A_606 = arith.constant 0 : i32
        %dma_start3A_607 = tpu.memref_slice %arg9[%run_scoped3A_582, %dma_start3A_605, %dma_start3A_606] : memref<2x125x128xf32, #tpu.memory_space<vmem>> -> memref<1x125x128xf32, #tpu.memory_space<vmem>>
        %dma_start3A_608 = tpu.memref_squeeze %dma_start3A_607 : memref<1x125x128xf32, #tpu.memory_space<vmem>> -> memref<125x128xf32, #tpu.memory_space<vmem>>
        %dma_start3A_609 = arith.constant 0 : i32
        %dma_start3A_610 = tpu.memref_slice %arg8[%run_scoped3A_583, %dma_start3A_609] : memref<10x125xi32, #tpu.memory_space<vmem>> -> memref<1x125xi32, #tpu.memory_space<vmem>>
        %dma_start3A_611 = tpu.memref_squeeze %dma_start3A_610 : memref<1x125xi32, #tpu.memory_space<vmem>> -> memref<125xi32, #tpu.memory_space<vmem>>
        %dma_start3A_612 = arith.constant 0 : i32
        %dma_start3A_613 = arith.constant 0 : i32
        %dma_start3A_614 = tpu.memref_slice %arg10[%dma_start3A_612, %dma_start3A_613] : memref<10000x128xf32, #tpu.memory_space<vmem_shared>> -> memref<10000x128xf32, #tpu.memory_space<vmem_shared>>
        tpu.enqueue_indirect_dma source(%dma_start3A_608 : memref<125x128xf32, #tpu.memory_space<vmem>>) target(%dma_start3A_614 : memref<10000x128xf32, #tpu.memory_space<vmem_shared>>) offsets(%dma_start3A_611 : memref<125xi32, #tpu.memory_space<vmem>>) semaphore(%run_scoped3A_604 : memref<!tpu.dma_semaphore, #tpu.memory_space<semaphore_mem>>) {add = true}
        %dma_wait3A_615 = arith.constant 0 : i32
        %dma_wait3A_616 = arith.constant 0 : i32
        %dma_wait3A_617 = tpu.memref_slice %arg9[%run_scoped3A_582, %dma_wait3A_615, %dma_wait3A_616] : memref<2x125x128xf32, #tpu.memory_space<vmem>> -> memref<1x125x128xf32, #tpu.memory_space<vmem>>
        %dma_wait3A_618 = tpu.memref_squeeze %dma_wait3A_617 : memref<1x125x128xf32, #tpu.memory_space<vmem>> -> memref<125x128xf32, #tpu.memory_space<vmem>>
        %dma_wait3A_619 = arith.constant 0 : i32
        %dma_wait3A_620 = tpu.memref_slice %arg8[%run_scoped3A_583, %dma_wait3A_619] : memref<10x125xi32, #tpu.memory_space<vmem>> -> memref<1x125xi32, #tpu.memory_space<vmem>>
        %dma_wait3A_621 = tpu.memref_squeeze %dma_wait3A_620 : memref<1x125xi32, #tpu.memory_space<vmem>> -> memref<125xi32, #tpu.memory_space<vmem>>
        %dma_wait3A_622 = arith.constant 0 : i32
        %dma_wait3A_623 = arith.constant 0 : i32
        %dma_wait3A_624 = tpu.memref_slice %arg10[%dma_wait3A_622, %dma_wait3A_623] : memref<10000x128xf32, #tpu.memory_space<vmem_shared>> -> memref<10000x128xf32, #tpu.memory_space<vmem_shared>>
        tpu.wait_indirect_dma semaphore(%run_scoped3A_604 : memref<!tpu.dma_semaphore, #tpu.memory_space<semaphore_mem>>) src(%dma_wait3A_618 : memref<125x128xf32, #tpu.memory_space<vmem>>) dst(%dma_wait3A_624 : memref<10000x128xf32, #tpu.memory_space<vmem_shared>>)
        tpu.yield
      }) : () -> ()
      %add3A_584 = arith.constant 2 : i32
      %add3A_585 = arith.addi %mul3A_99, %add3A_584 : i32
      %lt3A_586 = arith.constant 8 : i32
      %lt3A_587 = arith.cmpi slt, %add3A_585, %lt3A_586 : i32
      %convert_element_type3A_588 = arith.extui %lt3A_587 : i1 to i32
      %cond3A_589 = arith.constant 0 : i32
      %cond3A_590 = arith.cmpi ne, %convert_element_type3A_588, %cond3A_589 : i32
      scf.if %cond3A_590 {
        %add3A_604 = arith.constant 2 : i32
        %add3A_605 = arith.addi %mul3A_99, %add3A_604 : i32
        %dma_wait3A_606 = arith.constant 0 : i32
        %dma_wait3A_607 = arith.constant 0 : i32
        %dma_wait3A_608 = arith.constant 0 : i32
        %dma_wait3A_609 = tpu.memref_slice %arg3[%dma_wait3A_606, %arg0, %arg1, %add3A_605, %dma_wait3A_607, %dma_wait3A_608] : memref<2x2x16x8x10x125xi32, #tpu.memory_space<hbm>> -> memref<1x1x1x1x10x125xi32, #tpu.memory_space<hbm>>
        %dma_wait3A_610 = tpu.memref_squeeze %dma_wait3A_609 : memref<1x1x1x1x10x125xi32, #tpu.memory_space<hbm>> -> memref<10x125xi32, #tpu.memory_space<hbm>>
        %dma_wait3A_611 = arith.constant 0 : i32
        %dma_wait3A_612 = arith.constant 0 : i32
        %dma_wait3A_613 = tpu.memref_slice %arg3[%dma_wait3A_606, %arg0, %arg1, %add3A_605, %dma_wait3A_611, %dma_wait3A_612] : memref<2x2x16x8x10x125xi32, #tpu.memory_space<hbm>> -> memref<1x1x1x1x10x125xi32, #tpu.memory_space<hbm>>
        %dma_wait3A_614 = tpu.memref_squeeze %dma_wait3A_613 : memref<1x1x1x1x10x125xi32, #tpu.memory_space<hbm>> -> memref<10x125xi32, #tpu.memory_space<hbm>>
        tpu.wait_dma2 semaphore(%arg11 : memref<!tpu.dma_semaphore, #tpu.memory_space<semaphore_mem>>) src(%dma_wait3A_614 : memref<10x125xi32, #tpu.memory_space<hbm>>) dst(%arg5 : memref<10x125xi32, #tpu.memory_space<vmem>>)
        %dma_wait3A_615 = arith.constant 1 : i32
        %dma_wait3A_616 = arith.constant 0 : i32
        %dma_wait3A_617 = arith.constant 0 : i32
        %dma_wait3A_618 = tpu.memref_slice %arg3[%dma_wait3A_615, %arg0, %arg1, %add3A_605, %dma_wait3A_616, %dma_wait3A_617] : memref<2x2x16x8x10x125xi32, #tpu.memory_space<hbm>> -> memref<1x1x1x1x10x125xi32, #tpu.memory_space<hbm>>
        %dma_wait3A_619 = tpu.memref_squeeze %dma_wait3A_618 : memref<1x1x1x1x10x125xi32, #tpu.memory_space<hbm>> -> memref<10x125xi32, #tpu.memory_space<hbm>>
        %dma_wait3A_620 = arith.constant 0 : i32
        %dma_wait3A_621 = arith.constant 0 : i32
        %dma_wait3A_622 = tpu.memref_slice %arg3[%dma_wait3A_615, %arg0, %arg1, %add3A_605, %dma_wait3A_620, %dma_wait3A_621] : memref<2x2x16x8x10x125xi32, #tpu.memory_space<hbm>> -> memref<1x1x1x1x10x125xi32, #tpu.memory_space<hbm>>
        %dma_wait3A_623 = tpu.memref_squeeze %dma_wait3A_622 : memref<1x1x1x1x10x125xi32, #tpu.memory_space<hbm>> -> memref<10x125xi32, #tpu.memory_space<hbm>>
        tpu.wait_dma2 semaphore(%arg11 : memref<!tpu.dma_semaphore, #tpu.memory_space<semaphore_mem>>) src(%dma_wait3A_623 : memref<10x125xi32, #tpu.memory_space<hbm>>) dst(%arg6 : memref<10x125xi32, #tpu.memory_space<vmem>>)
        %dma_start3A_624 = arith.constant 0 : i32
        %dma_start3A_625 = arith.constant 0 : i32
        %dma_start3A_626 = arith.constant 0 : i32
        %dma_start3A_627 = tpu.memref_slice %arg9[%scan3A_86, %dma_start3A_625, %dma_start3A_626] : memref<2x125x128xf32, #tpu.memory_space<vmem>> -> memref<1x125x128xf32, #tpu.memory_space<vmem>>
        %dma_start3A_628 = tpu.memref_squeeze %dma_start3A_627 : memref<1x125x128xf32, #tpu.memory_space<vmem>> -> memref<125x128xf32, #tpu.memory_space<vmem>>
        %dma_start3A_629 = arith.constant 0 : i32
        %dma_start3A_630 = tpu.memref_slice %arg5[%dma_start3A_624, %dma_start3A_629] : memref<10x125xi32, #tpu.memory_space<vmem>> -> memref<1x125xi32, #tpu.memory_space<vmem>>
        %dma_start3A_631 = tpu.memref_squeeze %dma_start3A_630 : memref<1x125xi32, #tpu.memory_space<vmem>> -> memref<125xi32, #tpu.memory_space<vmem>>
        %dma_start3A_632 = arith.constant 0 : i32
        %dma_start3A_633 = arith.constant 0 : i32
        %dma_start3A_634 = tpu.memref_slice %arg2[%dma_start3A_632, %dma_start3A_633] : memref<10000x128xf32, #tpu.memory_space<hbm>> -> memref<10000x128xf32, #tpu.memory_space<hbm>>
        tpu.enqueue_indirect_dma source(%dma_start3A_634 : memref<10000x128xf32, #tpu.memory_space<hbm>>) target(%dma_start3A_628 : memref<125x128xf32, #tpu.memory_space<vmem>>) offsets(%dma_start3A_631 : memref<125xi32, #tpu.memory_space<vmem>>) semaphore(%arg13 : memref<!tpu.dma_semaphore, #tpu.memory_space<semaphore_mem>>)
      } else {
      }
      %dma_wait3A_591 = arith.constant 9 : i32
      %dma_wait3A_592 = arith.constant 0 : i32
      %dma_wait3A_593 = arith.constant 0 : i32
      %dma_wait3A_594 = tpu.memref_slice %arg9[%scan3A_85, %dma_wait3A_592, %dma_wait3A_593] : memref<2x125x128xf32, #tpu.memory_space<vmem>> -> memref<1x125x128xf32, #tpu.memory_space<vmem>>
      %dma_wait3A_595 = tpu.memref_squeeze %dma_wait3A_594 : memref<1x125x128xf32, #tpu.memory_space<vmem>> -> memref<125x128xf32, #tpu.memory_space<vmem>>
      %dma_wait3A_596 = arith.constant 0 : i32
      %dma_wait3A_597 = tpu.memref_slice %arg7[%dma_wait3A_591, %dma_wait3A_596] : memref<10x125xi32, #tpu.memory_space<vmem>> -> memref<1x125xi32, #tpu.memory_space<vmem>>
      %dma_wait3A_598 = tpu.memref_squeeze %dma_wait3A_597 : memref<1x125xi32, #tpu.memory_space<vmem>> -> memref<125xi32, #tpu.memory_space<vmem>>
      %dma_wait3A_599 = arith.constant 0 : i32
      %dma_wait3A_600 = arith.constant 0 : i32
      %dma_wait3A_601 = tpu.memref_slice %arg2[%dma_wait3A_599, %dma_wait3A_600] : memref<10000x128xf32, #tpu.memory_space<hbm>> -> memref<10000x128xf32, #tpu.memory_space<hbm>>
      tpu.wait_indirect_dma semaphore(%arg14 : memref<!tpu.dma_semaphore, #tpu.memory_space<semaphore_mem>>) src(%dma_wait3A_601 : memref<10000x128xf32, #tpu.memory_space<hbm>>) dst(%dma_wait3A_595 : memref<125x128xf32, #tpu.memory_space<vmem>>)
      %run_scoped3A_602 = arith.constant 1 : i32
      %run_scoped3A_603 = arith.constant 9 : i32
      "tpu.region"() ({
        %run_scoped3A_604 = tpu.sem_alloc : memref<!tpu.dma_semaphore, #tpu.memory_space<semaphore_mem>>
        %dma_start3A_605 = arith.constant 0 : i32
        %dma_start3A_606 = arith.constant 0 : i32
        %dma_start3A_607 = tpu.memref_slice %arg9[%run_scoped3A_602, %dma_start3A_605, %dma_start3A_606] : memref<2x125x128xf32, #tpu.memory_space<vmem>> -> memref<1x125x128xf32, #tpu.memory_space<vmem>>
        %dma_start3A_608 = tpu.memref_squeeze %dma_start3A_607 : memref<1x125x128xf32, #tpu.memory_space<vmem>> -> memref<125x128xf32, #tpu.memory_space<vmem>>
        %dma_start3A_609 = arith.constant 0 : i32
        %dma_start3A_610 = tpu.memref_slice %arg8[%run_scoped3A_603, %dma_start3A_609] : memref<10x125xi32, #tpu.memory_space<vmem>> -> memref<1x125xi32, #tpu.memory_space<vmem>>
        %dma_start3A_611 = tpu.memref_squeeze %dma_start3A_610 : memref<1x125xi32, #tpu.memory_space<vmem>> -> memref<125xi32, #tpu.memory_space<vmem>>
        %dma_start3A_612 = arith.constant 0 : i32
        %dma_start3A_613 = arith.constant 0 : i32
        %dma_start3A_614 = tpu.memref_slice %arg10[%dma_start3A_612, %dma_start3A_613] : memref<10000x128xf32, #tpu.memory_space<vmem_shared>> -> memref<10000x128xf32, #tpu.memory_space<vmem_shared>>
        tpu.enqueue_indirect_dma source(%dma_start3A_608 : memref<125x128xf32, #tpu.memory_space<vmem>>) target(%dma_start3A_614 : memref<10000x128xf32, #tpu.memory_space<vmem_shared>>) offsets(%dma_start3A_611 : memref<125xi32, #tpu.memory_space<vmem>>) semaphore(%run_scoped3A_604 : memref<!tpu.dma_semaphore, #tpu.memory_space<semaphore_mem>>) {add = true}
        %dma_wait3A_615 = arith.constant 0 : i32
        %dma_wait3A_616 = arith.constant 0 : i32
        %dma_wait3A_617 = tpu.memref_slice %arg9[%run_scoped3A_602, %dma_wait3A_615, %dma_wait3A_616] : memref<2x125x128xf32, #tpu.memory_space<vmem>> -> memref<1x125x128xf32, #tpu.memory_space<vmem>>
        %dma_wait3A_618 = tpu.memref_squeeze %dma_wait3A_617 : memref<1x125x128xf32, #tpu.memory_space<vmem>> -> memref<125x128xf32, #tpu.memory_space<vmem>>
        %dma_wait3A_619 = arith.constant 0 : i32
        %dma_wait3A_620 = tpu.memref_slice %arg8[%run_scoped3A_603, %dma_wait3A_619] : memref<10x125xi32, #tpu.memory_space<vmem>> -> memref<1x125xi32, #tpu.memory_space<vmem>>
        %dma_wait3A_621 = tpu.memref_squeeze %dma_wait3A_620 : memref<1x125xi32, #tpu.memory_space<vmem>> -> memref<125xi32, #tpu.memory_space<vmem>>
        %dma_wait3A_622 = arith.constant 0 : i32
        %dma_wait3A_623 = arith.constant 0 : i32
        %dma_wait3A_624 = tpu.memref_slice %arg10[%dma_wait3A_622, %dma_wait3A_623] : memref<10000x128xf32, #tpu.memory_space<vmem_shared>> -> memref<10000x128xf32, #tpu.memory_space<vmem_shared>>
        tpu.wait_indirect_dma semaphore(%run_scoped3A_604 : memref<!tpu.dma_semaphore, #tpu.memory_space<semaphore_mem>>) src(%dma_wait3A_618 : memref<125x128xf32, #tpu.memory_space<vmem>>) dst(%dma_wait3A_624 : memref<10000x128xf32, #tpu.memory_space<vmem_shared>>)
        tpu.yield
      }) : () -> ()
    }
    %scan3A_91 = arith.constant 4 : i32
    %barrier3A_92 = arith.constant 0 : index
    tpu.barrier barrier_id(%barrier3A_92)
    "tpu.region"() ({
      %run_scoped3A_93 = tpu.sem_alloc : memref<!tpu.dma_semaphore, #tpu.memory_space<semaphore_mem>>
      %dma_start3A_94 = arith.constant 0 : i32
      %dma_start3A_95 = tpu.memref_slice %arg4[%arg0, %multiple_of3A, %dma_start3A_94] : memref<2x10000x128xf32, #tpu.memory_space<hbm>> -> memref<1x632x128xf32, #tpu.memory_space<hbm>>
      %dma_start3A_96 = tpu.memref_squeeze %dma_start3A_95 : memref<1x632x128xf32, #tpu.memory_space<hbm>> -> memref<632x128xf32, #tpu.memory_space<hbm>>
      %dma_start3A_97 = arith.constant 0 : i32
      %dma_start3A_98 = tpu.memref_slice %arg10[%multiple_of3A, %dma_start3A_97] : memref<10000x128xf32, #tpu.memory_space<vmem_shared>> -> memref<632x128xf32, #tpu.memory_space<vmem_shared>>
      tpu.enqueue_dma source(%dma_start3A_98 : memref<632x128xf32, #tpu.memory_space<vmem_shared>>) target(%dma_start3A_96 : memref<632x128xf32, #tpu.memory_space<hbm>>) target_semaphore(%run_scoped3A_93 : memref<!tpu.dma_semaphore, #tpu.memory_space<semaphore_mem>>)
      %dma_wait3A_99 = arith.constant 0 : i32
      %dma_wait3A_100 = tpu.memref_slice %arg4[%arg0, %multiple_of3A, %dma_wait3A_99] : memref<2x10000x128xf32, #tpu.memory_space<hbm>> -> memref<1x632x128xf32, #tpu.memory_space<hbm>>
      %dma_wait3A_101 = tpu.memref_squeeze %dma_wait3A_100 : memref<1x632x128xf32, #tpu.memory_space<hbm>> -> memref<632x128xf32, #tpu.memory_space<hbm>>
      %dma_wait3A_102 = arith.constant 0 : i32
      %dma_wait3A_103 = tpu.memref_slice %arg10[%multiple_of3A, %dma_wait3A_102] : memref<10000x128xf32, #tpu.memory_space<vmem_shared>> -> memref<632x128xf32, #tpu.memory_space<vmem_shared>>
      tpu.wait_dma2 semaphore(%run_scoped3A_93 : memref<!tpu.dma_semaphore, #tpu.memory_space<semaphore_mem>>) src(%dma_wait3A_103 : memref<632x128xf32, #tpu.memory_space<vmem_shared>>) dst(%dma_wait3A_101 : memref<632x128xf32, #tpu.memory_space<hbm>>)
      tpu.yield
    }) : () -> ()
    return
  }
}

</mosaic_0001>

<sc_bundles>
// kernel: _propagate.3.cloned.1.call-start
scs
__scs_entry_jumppad:
0x0: {  	(pc) =	sbr.rel $0x88, $3  }
0x1: {  	(tag) =	ssettag $0x0;
	lr =	simm.s32 $0x1  }
0x2: {  	[smem:$0x3F9F] =	sst lr;
	_ =	strace $0xD0000000  }
0x3: {  	_ = 	snop  }
0x4: {  	_ = 	snop  }
0x5: {  	_ = 	snop  }
0x6: {  	_ = 	snop  }
0x7: {  	_ = 	snop  }
__scs_overlays_trampoline_lowered:
0x8: {  	[smem:$0x3FAE] =	sst s0  }
0x9: {  	[smem:$0x3FAF] =	sst s1  }
0xa: {  	[smem:$0x3FB0] =	sst s2  }
0xb: {  	[smem:$0x3FB1] =	sst s3  }
0xc: {  	[smem:$0x3FB2] =	sst s4  }
0xd: {  	[smem:$0x3FB3] =	sst s5  }
0xe: {  	[smem:$0x3FB4] =	sst s6  }
0xf: {  	[smem:$0x3FB5] =	sst s7  }
0x10: {  	[smem:$0x3FB6] =	sst s8  }
0x11: {  	[smem:$0x3FB7] =	sst s9;
	s0 =	simm.s32 @!p0 $0x0  }
0x12: {  	s1 =	sld [smem:$0x3F9D];
	s0 =	simm.s32 @p0 $0x1  }
0x13: {  	[smem:$0x3FB8] =	sst s0;
	s0 =	simm.s32 @!p1 $0x0  }
0x14: {  	s2 =	sld [smem:$0x3F9C];
	s0 =	simm.s32 @p1 $0x1  }
0x15: {  	[smem:$0x3FB9] =	sst s0;
	s0 =	simm.s32 @!p2 $0x0  }
0x16: {  	s3 =	sld [smem:$0x3FDB];
	s0 =	simm.s32 @p2 $0x1  }
0x17: {  	s4 =	simm.s32 $0x1BF5;
	[smem:$0x3FBB] =	sst s0  }
0x18: {  	s0 =	sld [smem:$0x3F9E];
	_ =	swait.ge [sflag:s4], $0x0  }
0x19: {  	s7 =	sld [smem:$0x3F9F]  }
0x1a: {  	s8 =	sadd.s32 $0xFFFFE003, lr  }
0x1b: {  	s9 =	sadd.s32 $0xFFFFFEF7, lr;
	s5 =	simm.s32 $0xFFFFFFFF;
	p2 =	slt.u32 s8, $0xFFFFF086  }
0x1c: {  	p1 =	slt.u32 s9, $0xF7A;
	s5 =	simm.s32 @!p2 $0x0  }
0x1d: {  	s5 =	simm.s32 @p1 $0x1;
	p0 =	seq.s32 s7, s2  }
0x1e: {  	s7 =	smul.u32 @!p0 $0xF7A, s2;
	p2 =	seq.s32 @!p0 s5, $0x0  }
0x1f: {  	s9 =	smul.u32 $0xF7A, s1;
	s8 =	simm.s32 @!p0 $0x1BF5;
	p2 =	por !p2, p0  }
0x20: {  	[sflag:s8] =	ssyncset.s32 @!p0 $0xFFFFF086;
	s6 =	sadd.s32 @!p0 s3, s7;
	s7 =	simm.s32 @!p0 $0x108  }
0x21: {  	s3 =	sadd.s32 s3, s9;
	s6 =	sadd.s32 @!p0 $0x88, s6;
	s7 =	simm.s32 @p2 $0x1082  }
0x22: {  	[simem:s7], [sflag:s8] =	dma.local @!p0 [hbm:s6], $0xF7A  }
0x23: {  	s9 =	sor.u32 $0xD0000000, s2;
	s6 =	simm.s32 $0x108;
	_ =	swait.ge @!p0 [sflag:s8], $0x0  }
0x24: {  	s3 =	sadd.s32 $0x88, s3;
	s6 =	simm.s32 @!p1 $0x1082;
	[sflag:s4] =	ssyncset.s32 $0xFFFFF086  }
0x25: {  	[simem:s6], [sflag:s4] =	dma.local [hbm:s3], $0xF7A  }
0x26: {  	[smem:$0x3F9F] =	sst s1;
	(tag) =	ssettag s2;
	_ =	strace s9  }
0x27: {  	s1 =	sld [smem:$0x3FAF]  }
0x28: {  	s2 =	sld [smem:$0x3FB0]  }
0x29: {  	s4 =	sld [smem:$0x3FB2]  }
0x2a: {  	p0 =	seq.s32 s5, $0x0;
	s5 =	sld [smem:$0x3FB3]  }
0x2b: {  	s6 =	sld [smem:$0x3FB4]  }
0x2c: {  	s7 =	sld [smem:$0x3FB5]  }
0x2d: {  	s3 =	simm.s32 $0x108;
	s8 =	sld [smem:$0x3FB6]  }
0x2e: {  	s3 =	simm.s32 @!p0 $0x1082;
	s9 =	sld [smem:$0x3FB7]  }
0x2f: {  	lr =	sadd.s32 s0, s3;
	s0 =	sld [smem:$0x3FAE]  }
0x30: {  	s3 =	sld [smem:$0x3FB1]  }
0x31: {  	[smem:$0x3FBA] =	sst s10  }
0x32: {  	s10 =	sld [smem:$0x3FB8];
	_ =	sdelay $0x3  }
0x33: {  	p0 =	seq.s32 s10, $0x1;
	s10 =	sld [smem:$0x3FBA];
	_ =	sdelay $0x3  }
0x34: {  	[smem:$0x3FBA] =	sst s10  }
0x35: {  	s10 =	sld [smem:$0x3FB9];
	_ =	sdelay $0x3  }
0x36: {  	p1 =	seq.s32 s10, $0x1;
	s10 =	sld [smem:$0x3FBA];
	_ =	sdelay $0x3  }
0x37: {  	[smem:$0x3FBA] =	sst s10  }
0x38: {  	s10 =	sld [smem:$0x3FBB]  }
0x39: {  	_ = 	snop;
	(pc) =	sbr.ind lr, $3  }
0x3a: {  	_ = 	snop  }
0x3b: {  	_ = 	snop  }
0x3c: {  	p2 =	seq.s32 s10, $0x1;
	s10 =	sld [smem:$0x3FBA]  }
0x3d: {  	_ =	shalt  }
0x3e: {  	_ =	shalt  }
0x3f: {  	_ =	shalt  }
0x40: {  	_ =	shalt  }
0x41: {  	_ =	shalt  }
0x42: {  	_ =	shalt  }
0x43: {  	_ =	shalt  }
0x44: {  	_ =	shalt  }
0x45: {  	_ =	shalt  }
0x46: {  	_ =	shalt  }
0x47: {  	_ =	shalt  }
0x48: {  	_ =	shalt  }
0x49: {  	_ =	shalt  }
0x4a: {  	_ =	shalt  }
0x4b: {  	_ =	shalt  }
0x4c: {  	_ =	shalt  }
0x4d: {  	_ =	shalt  }
0x4e: {  	_ =	shalt  }
0x4f: {  	_ =	shalt  }
0x50: {  	_ =	shalt  }
0x51: {  	_ =	shalt  }
0x52: {  	_ =	shalt  }
0x53: {  	_ =	shalt  }
0x54: {  	_ =	shalt  }
0x55: {  	_ =	shalt  }
0x56: {  	_ =	shalt  }
0x57: {  	_ =	shalt  }
0x58: {  	_ =	shalt  }
0x59: {  	_ =	shalt  }
0x5a: {  	_ =	shalt  }
0x5b: {  	_ =	shalt  }
0x5c: {  	_ =	shalt  }
0x5d: {  	_ =	shalt  }
0x5e: {  	_ =	shalt  }
0x5f: {  	_ =	shalt  }
0x60: {  	_ =	shalt  }
0x61: {  	_ =	shalt  }
0x62: {  	_ =	shalt  }
0x63: {  	_ =	shalt  }
0x64: {  	_ =	shalt  }
0x65: {  	_ =	shalt  }
0x66: {  	_ =	shalt  }
0x67: {  	_ =	shalt  }
0x68: {  	_ =	shalt  }
0x69: {  	_ =	shalt  }
0x6a: {  	_ =	shalt  }
0x6b: {  	_ =	shalt  }
0x6c: {  	_ =	shalt  }
0x6d: {  	_ =	shalt  }
0x6e: {  	_ =	shalt  }
0x6f: {  	_ =	shalt  }
0x70: {  	_ =	shalt  }
0x71: {  	_ =	shalt  }
0x72: {  	_ =	shalt  }
0x73: {  	_ =	shalt  }
0x74: {  	_ =	shalt  }
0x75: {  	_ =	shalt  }
0x76: {  	_ =	shalt  }
0x77: {  	_ =	shalt  }
0x78: {  	_ =	shalt  }
0x79: {  	_ =	shalt  }
0x7a: {  	_ =	shalt  }
0x7b: {  	_ =	shalt  }
0x7c: {  	_ =	shalt  }
0x7d: {  	_ =	shalt  }
0x7e: {  	_ =	shalt  }
0x7f: {  	_ =	shalt  }
0x80: {  	_ =	shalt  }
0x81: {  	_ =	shalt  }
0x82: {  	_ =	shalt  }
0x83: {  	_ =	shalt  }
0x84: {  	_ =	shalt  }
0x85: {  	_ =	shalt  }
0x86: {  	_ =	shalt  }
0x87: {  	_ =	shalt  }
.Lfunc_end0:
.L_simem_size_0:
called_computation_lowered:
.L_overlay_start_0:
0x88: {  	s2 =	sld [smem:$0x3FD9]  }
0x89: {  	s3 =	sld [smem:$0x3FFE];
	_ =	sdelay $0x1  }
0x8a: {  	s1 =	srdreg.scid  }
0x8b: {  	s0 =	sand.u32 $0x1, s1  }
0x8c: {  	s17 =	sshll.u32 s0, $0xA;
	s2 =	sadd.s32 s3, s2  }
0x8d: {  	s2 =	sadd.s32 s2, s17  }
0x8e: {  	[smem:$0x3FC6] =	sst s2  }
0x8f: {  	_ = 	snop  }
0x90: {  	s2 =	sld [smem:$0x3FC9]  }
0x91: {  	s18 =	sld [smem:$0x3FD0];
	(tm) =	ssettm $0x1  }
0x92: {  	s4 =	sld [smem:$0x3FFB];
	_ =	sdelay $0x3  }
0x93: {  	_ =	strace s4  }
0x94: {  	s4 =	sld [smem:$0x3FFC];
	_ =	sdelay $0x3  }
0x95: {  	_ =	strace s4  }
0x96: {  	s4 =	sld [smem:$0x3FFD];
	_ =	sdelay $0x3  }
0x97: {  	_ =	strace s4  }
0x98: {  	_ =	strace $0x8FFFFFFF  }
0x99: {  	s19 =	sld [smem:$0x3FDB];
	_ =	sdelay $0x1  }
0x9a: {  	s5 =	simm.s32 $_scs_section_size  }
0x9b: {  	s6 =	simm.s32 $_size__tile_overlayer_lowered;
	s7 =	simm.s32 $_tile_overlayer_lowered  }
0x9c: {  	s22 =	simm.s32 $0x1BFF;
	s21 =	sshll.u32 s7, $0x1;
	s4 =	sadd.s32 s5, s19  }
0x9d: {  	s8 =	simm.s32 $0x0;
	s20 =	sshll.u32 s6, $0x1;
	s6 =	sadd.s32 s21, s4  }
0x9e: {  	[timem:s8], [sflag:s22] =	dma.local [hbm:s6], s20  }
0x9f: {  	_ =	swait.ge [sflag:s22], s20  }
0xa0: {  	s5 =	ssub.s32 $0x0, s20;
	[sflag:s22] =	ssyncset.done $0x0  }
0xa1: {  	[sflag:s22] =	ssyncadd.s32 s5;
	_ =	sdelay $0x1  }
0xa2: {  	s23 =	simm.s32 $0x1B8B  }
0xa3: {  	_ =	swait.ge [sflag:s23], $0x1  }
0xa4: {  	[sflag:s23] =	ssyncset.done $0x0  }
0xa5: {  	s25 =	simm.s32 $0x1B8E;
	s24 =	sld [smem:$0x3FFE];
	[sflag:s23] =	ssyncadd.s32 $0xFFFFFFFF  }
0xa6: {  	s26 =	simm.s32 $execute0_lowered;
	[smem:$0x3FD2] =	sst s25  }
0xa7: {  	s6 =	sshll.u32 s26, $0x1;
	_ =	strace $0x80000046;
	[dreg:$0x1] =	wrdreg $0xFFFFFFFF  }
0xa8: {  	s28 =	simm.s32 $_size_execute0_lowered;
	s4 =	sadd.s32 s4, s6;
	[dreg:$0x0] =	wrdreg $0x0  }
0xa9: {  	s6 =	sshll.u32 s28, $0x1;
	[dreg:$0x2] =	wrdreg s4  }
0xaa: {  	[dreg:$0x3] =	wrdreg s6  }
0xab: {  	[dreg:$0x4] =	wrdreg $0xC0  }
0xac: {  	_ =	task [dreg:s8], $0x5FFFF  }
0xad: {  	[dreg:$0x1] =	wrdreg $0xFFFFFFFF  }
0xae: {  	[dreg:$0x0] =	wrdreg $0x60  }
0xaf: {  	[dreg:$0x2] =	wrdreg s2  }
0xb0: {  	[dreg:$0x3] =	wrdreg s24  }
0xb1: {  	[dreg:$0x4] =	wrdreg s18  }
0xb2: {  	[dreg:$0x5] =	wrdreg $0xA0000  }
0xb3: {  	[dreg:$0x6] =	wrdreg $0x9  }
0xb4: {  	_ =	task.clear_ibuf [dreg:s8], $0x7FFFF;
	_ =	strace $0x90000046  }
0xb5: {  	s29 =	simm.s32 $0x9;
	_ =	strace $0x80000048  }
0xb6: {  	_ =	swait.ge [sflag:s29], $0x1  }
0xb7: {  	[sflag:s29] =	ssyncadd.s32 $0xFFFFFFFF  }
0xb8: {  	_ =	strace $0x90000048  }
0xb9: {  	_ =	sfence  }
0xba: {  	s30 =	sld [smem:$0x0];
	_ =	sdelay $0x2  }
0xbb: {  	s31 =	sshll.u32 s1, $0xD;
	s1 =	sshrl.u32 s1, $0x2  }
0xbc: {  	s3 =	sand.u32 $0x4000, s31;
	s1 =	sadd.s32 s1, s30  }
0xbd: {  	s0 =	sor.u32 s3, s0;
	s1 =	sshll.u32 s1, $0x11  }
0xbe: {  	s0 =	sor.u32 s1, s0  }
0xbf: {  	s0 =	sadd.s32 $0x8F2B, s0  }
0xc0: {  	[sflag:s0] =	ssyncadd.remote.s32 $0x1  }
0xc1: {  	_ =	sfence.sel $0xFFFF  }
0xc2: {  	[dreg:$0x0] =	wrdreg $0xFFFFFFFF;
	(pc) =	sbr.abs _section_cstart, $3  }
0xc3: {  	[dreg:$0x1] =	wrdreg $0xFFFFFFFF  }
0xc4: {  	_ =	task.clear_ibuf [dreg:s8], $0x2FFFF;
	_ =	strace $0x9FFFFFFF  }
0xc5: {  	(tm) =	ssettm $0x7FFFFFFF  }
tec
execute0_lowered:
.L_overlay_start_1:
0x0: {  	(tag) =	ssettag $0x1  }
0x1: {  	s1 =	rddreg [dreg:$0x0]  }
0x2: {  	s2 =	rddreg [dreg:$0x1]  }
0x3: {  	s3 =	srdreg.scid;
	s0 =	rddreg [dreg:$0x2]  }
0x4: {  	s4 =	simm.s32 $0x0;
	s6 =	sand.u32 $0x1, s3;
	s3 =	rddreg [dreg:$0x3]  }
0x5: {  	s22 =	simm.s32 $0x80;
	[smem:$0x7FF] =	sst s4  }
0x6: {  	s23 =	simm.s32 $0x100;
	_ =	strace $0x80000047;
	[dreg:$0x7] =	wrdreg s22  }
0x7: {  	s25 =	simm.s32 $0x880;
	[dreg:$0x8] =	wrdreg s23  }
0x8: {  	s26 =	simm.s32 $0x180;
	[dreg:$0x9] =	wrdreg s25  }
0x9: {  	s11 =	simm.s32 $0x200;
	[dreg:$0xa] =	wrdreg s26  }
0xa: {  	s12 =	simm.s32 $0x980;
	[dreg:$0xc] =	wrdreg s11  }
0xb: {  	s14 =	simm.s32 $0x280;
	[dreg:$0xd] =	wrdreg s12  }
0xc: {  	s16 =	simm.s32 $0xA00;
	[dreg:$0xe] =	wrdreg s14  }
0xd: {  	s10 =	stileid.u32;
	s18 =	simm.s32 $0x300;
	[dreg:$0xf] =	wrdreg s16  }
0xe: {  	s20 =	simm.s32 $0xA80;
	s7 =	sshll.u32 s10, $0xE;
	[dreg:$0x10] =	wrdreg s18  }
0xf: {  	s17 =	smul.u32 $0x278, s10;
	s10 =	simm.s32 $0xC80;
	[dreg:$0x11] =	wrdreg s20  }
0x10: {  	s28 =	simm.s32 $0x4;
	s22 =	simm.s32 $0xB00;
	[dreg:$0x18] =	wrdreg s10  }
0x11: {  	s29 =	simm.s32 $0x2;
	s23 =	simm.s32 $0x400;
	[dreg:$0x13] =	wrdreg s22  }
0x12: {  	s30 =	simm.s32 $0x1400;
	s26 =	simm.s32 $0x480;
	[dreg:$0x14] =	wrdreg s23  }
0x13: {  	s2 =	sadd.s32 $0x400, s2;
	s11 =	simm.s32 $0x1080;
	[dreg:$0x16] =	wrdreg s26  }
0x14: {  	s5 =	sshll.u32 s6, $0x12;
	s18 =	simm.s32 $0x1900;
	[dreg:$0x19] =	wrdreg s11  }
0x15: {  	s24 =	ssub.s32 $0x2, s6;
	s20 =	simm.s32 $0x1980;
	[dreg:$0x1d] =	wrdreg s18  }
0x16: {  	s5 =	sor.u32 s7, s5;
	s9 =	sshrl.u32 s24, $0x1;
	[dreg:$0x1f] =	wrdreg s20  }
0x17: {  	s22 =	simm.s32 $0x1A00;
	s23 =	simm.s32 $0x1300;
	s26 =	simm.s32 $0x1B00  }
0x18: {  	s7 =	sor.u32 $0x81000, s5;
	s8 =	sor.u32 $0x1000, s5;
	[smem:$0x7F9] =	sst s22  }
0x19: {  	s5 =	sshrl.u32 s5, $0x3;
	[smem:$0x7FA] =	sst s23;
	s7 =	sshrl.u32 s7, $0x3  }
0x1a: {  	[smem:$0x7FD] =	sst s26;
	s8 =	sshrl.u32 s8, $0x3;
	s7 =	sadd.s32 s7, s2  }
0x1b: {  	s5 =	sadd.s32 s5, s2;
	s21 =	sadd.s32 s8, s2;
	[dreg:$0x5] =	wrdreg s7  }
0x1c: {  	s8 =	ssub.s32 s24, s9;
	s9 =	simm.s32 $0x900;
	[dreg:$0x6] =	wrdreg s21  }
0x1d: {  	s31 =	simm.s32 $0x1B80;
	s13 =	sadd.s32 $0x10000, s5;
	[dreg:$0xb] =	wrdreg s9  }
0x1e: {  	s6 =	smul.u32 $0x138800, s6;
	s15 =	sadd.s32 $0x100, s5;
	[smem:$0x7F0] =	sst s13  }
0x1f: {  	s18 =	simm.s32 $0x800;
	s19 =	sadd.s32 $0x10100, s5;
	[smem:$0x7F1] =	sst s15  }
0x20: {  	s20 =	simm.s32 $0x1800;
	s24 =	simm.s32 $0xB80;
	[smem:$0x7F2] =	sst s19  }
0x21: {  	s22 =	simm.s32 $0x7D;
	s21 =	simm.s32 $0x380;
	[dreg:$0x15] =	wrdreg s24  }
0x22: {  	s23 =	simm.s32 $0x2000;
	s12 =	smax.u32 s8, $0x1;
	[dreg:$0x12] =	wrdreg s21  }
0x23: {  	s26 =	simm.s32 $0x3;
	s13 =	simm.s32 $0x1100;
	[smem:$0x7F5] =	sst s12  }
0x24: {  	s2 =	simm.s32 $0x1480;
	s15 =	simm.s32 $0x1880;
	[dreg:$0x1a] =	wrdreg s13  }
0x25: {  	s7 =	smin.u32 s17, $0x2498;
	s17 =	simm.s32 $0x1180;
	[dreg:$0x1b] =	wrdreg s15  }
0x26: {  	s19 =	simm.s32 $0x1200;
	s24 =	simm.s32 $0x1A80;
	[dreg:$0x1c] =	wrdreg s17  }
0x27: {  	s7 =	sshll.u32 s7, $0x7;
	[dreg:$0x1e] =	wrdreg s19;
	s21 =	simm.s32 $0x1280  }
0x28: {  	s19 =	simm.s32 $0x1000;
	[smem:$0x7FB] =	sst s24;
	s24 =	simm.s32 $0x6000  }
0x29: {  	s9 =	sadd.s32 s7, s3;
	s6 =	sadd.s32 s6, s7;
	s7 =	simm.s32 $0xC00  }
0x2a: {  	[smem:$0x7F8] =	sst s21;
	s21 =	simm.s32 $0x1;
	s25 =	sadd.s32 $0x12000, s9  }
0x2b: {  	s6 =	sshrl.u32 s6, $0x3;
	[dreg:$0x17] =	wrdreg s7;
	s14 =	sadd.s32 $0x3000, s9  }
0x2c: {  	s16 =	sadd.s32 $0x6000, s9;
	s15 =	sadd.s32 $0x9000, s9;
	[smem:$0x7F3] =	sst s25  }
0x2d: {  	s17 =	sadd.s32 $0xF000, s9;
	s7 =	simm.s32 $0x0;
	[smem:$0x7F6] =	sst s14  }
0x2e: {  	s0 =	sadd.s32 s0, s6;
	[smem:$0x7F7] =	sst s16;
	s16 =	sadd.s32 $0xC000, s9  }
0x2f: {  	s25 =	simm.s32 $0x1380;
	s6 =	simm.s32 $0x1C80;
	[smem:$0x7F4] =	sst s0  }
0x30: {  	v0 =	vimm.f32 $0.0e+00;
	[smem:$0x7FC] =	sst s25;
	s25 =	simm.s32 $0x5;
	s0 =	simm.s32 $0x1C00  }
.LBB2_1:
0x31: {  	s8 =	sld [smem:$0x7F0]  }
0x32: {  	[tilespmem:s4], [sflag:$0x1] =	stream.linear.gather [hbm4b:s5+s4], $0x500, $0x38;
	[tilespmem:$0x1D880] =	vst v63  }
0x33: {  	s13 =	sld [smem:$0x7F1]  }
0x34: {  	[tilespmem:s18], [sflag:$0x1] =	stream.linear.gather [hbm4b:s8+s4], $0x500, $0x38;
	[tilespmem:$0x1D880] =	vst v63  }
0x35: {  	s14 =	sld [smem:$0x7F2]  }
0x36: {  	[tilespmem:s19], [sflag:$0x2] =	stream.linear.gather [hbm4b:s13+s4], $0x500, $0x38;
	[tilespmem:$0x1D880] =	vst v63  }
0x37: {  	s10 =	simm.s32 $0x200;
	s8 =	simm.s32 $0x0  }
0x38: {  	[tilespmem:s20], [sflag:$0x2] =	stream.linear.gather [hbm4b:s14+s4], $0x500, $0x38;
	[tilespmem:$0x1D880] =	vst v63  }
.LBB2_2:
0x39: {  	p0 =	sne.s32 s10, $0xBE00;
	[tilespmem:s8+$0x6070] =	vst v0  }
0x3a: {  	[tilespmem:s8+$0x6000] =	vst v0  }
0x3b: {  	[tilespmem:s8+$0x6010] =	vst v0  }
.Ltmp0:
0x3c: {  	[tilespmem:s8+$0x6020] =	vst v0;
	(pc) =	sbr.rel @p0 .LBB2_2-.Ltmp0, $4  }
0x3d: {  	[tilespmem:s8+$0x6030] =	vst v0  }
0x3e: {  	[tilespmem:s8+$0x6040] =	vst v0  }
0x3f: {  	[tilespmem:s8+$0x6050] =	vst v0  }
0x40: {  	[tilespmem:s8+$0x6060] =	vst v0;
	s8 =	sshra.s32 s10, $0x2;
	s10 =	sadd.s32 $0x200, s10  }
0x41: {  	[tilespmem:s8+$0x6070] =	vst v0  }
0x42: {  	[tilespmem:s8+$0x6000] =	vst v0  }
0x43: {  	[tilespmem:s8+$0x6010] =	vst v0  }
0x44: {  	[tilespmem:s8+$0x6020] =	vst v0  }
0x45: {  	[tilespmem:s8+$0x6030] =	vst v0  }
0x46: {  	[tilespmem:s8+$0x6040] =	vst v0  }
0x47: {  	[tilespmem:s8+$0x6050] =	vst v0  }
0x48: {  	[tilespmem:s8+$0x6060] =	vst v0  }
0x49: {  	_ =	swait.ge [sflag:s21], $0x500  }
0x4a: {  	[sflag:s21] =	ssyncset.done $0x0  }
0x4b: {  	[sflag:s21] =	ssyncadd.s32 $0xFFFFFB00  }
0x4c: {  	_ =	swait.ge [sflag:s21], $0x500  }
0x4d: {  	[sflag:s21] =	ssyncset.done $0x0  }
0x4e: {  	s10 =	simm.s32 $0x0;
	[sflag:s21] =	ssyncadd.s32 $0xFFFFFB00  }
0x4f: {  	[tilespmem:s23], [sflag:$0x3] =	stream.indirect.gather [hbm4b:s1+s22], $0x80, s10, s22, $0xb8;
	[tilespmem:$0x1D880] =	vst v63  }
0x50: {  	_ = 	snop  }
0x51: {  	[spmem:s9] =	stream.linear.scatter [tilespmem:s24], [sflag:$0x5], $0x3000, $0x38;
	[tilespmem:$0x1D880] =	vst v63  }
0x52: {  	_ =	swait.ge [sflag:s25], $0x3000  }
0x53: {  	s11 =	sld [smem:$0x7F6]  }
0x54: {  	[sflag:s25] =	ssyncset.done $0x0  }
0x55: {  	[sflag:s25] =	ssyncadd.s32 $0xFFFFD000  }
0x56: {  	[spmem:s11] =	stream.linear.scatter [tilespmem:s24], [sflag:$0x5], $0x3000, $0x38;
	[tilespmem:$0x1D880] =	vst v63  }
0x57: {  	_ =	swait.ge [sflag:s25], $0x3000  }
0x58: {  	s12 =	sld [smem:$0x7F7]  }
0x59: {  	[sflag:s25] =	ssyncset.done $0x0  }
0x5a: {  	[sflag:s25] =	ssyncadd.s32 $0xFFFFD000  }
0x5b: {  	[spmem:s12] =	stream.linear.scatter [tilespmem:s24], [sflag:$0x5], $0x3000, $0x38;
	[tilespmem:$0x1D880] =	vst v63  }
0x5c: {  	_ =	swait.ge [sflag:s25], $0x3000  }
0x5d: {  	[sflag:s25] =	ssyncset.done $0x0  }
0x5e: {  	[sflag:s25] =	ssyncadd.s32 $0xFFFFD000  }
0x5f: {  	[spmem:s15] =	stream.linear.scatter [tilespmem:s24], [sflag:$0x5], $0x3000, $0x38;
	[tilespmem:$0x1D880] =	vst v63  }
0x60: {  	_ =	swait.ge [sflag:s25], $0x3000  }
0x61: {  	[sflag:s25] =	ssyncset.done $0x0  }
0x62: {  	[sflag:s25] =	ssyncadd.s32 $0xFFFFD000  }
0x63: {  	[spmem:s16] =	stream.linear.scatter [tilespmem:s24], [sflag:$0x5], $0x3000, $0x38;
	[tilespmem:$0x1D880] =	vst v63  }
0x64: {  	_ =	swait.ge [sflag:s25], $0x3000  }
0x65: {  	[sflag:s25] =	ssyncset.done $0x0  }
0x66: {  	[sflag:s25] =	ssyncadd.s32 $0xFFFFD000  }
0x67: {  	[spmem:s17] =	stream.linear.scatter [tilespmem:s24], [sflag:$0x5], $0x3000, $0x38;
	[tilespmem:$0x1D880] =	vst v63  }
0x68: {  	_ =	swait.ge [sflag:s25], $0x3000  }
0x69: {  	s13 =	sld [smem:$0x7F3]  }
0x6a: {  	[sflag:s25] =	ssyncset.done $0x0  }
0x6b: {  	[sflag:s25] =	ssyncadd.s32 $0xFFFFD000  }
0x6c: {  	[spmem:s13] =	stream.linear.scatter [tilespmem:s24], [sflag:$0x5], $0x1C00, $0x38;
	[tilespmem:$0x1D880] =	vst v63  }
0x6d: {  	_ =	swait.ge [sflag:s25], $0x1C00  }
0x6e: {  	p0 =	por $0x1, $0x1;
	[sflag:s25] =	ssyncset.done $0x0  }
0x6f: {  	s8 =	sadd.s32 @!p0 $0x0, s5;
	s10 =	simm.s32 @!p0 $0x0;
	[sflag:s25] =	ssyncadd.s32 $0xFFFFE400  }
0x70: {  	s11 =	sadd.s32 @!p0 $0x100, s8;
	s12 =	simm.s32 @!p0 $0x1000;
	[bflag:$0x0] =	sbarrier.arrive $0xFFFF  }
0x71: {  	[tilespmem:s12], [sflag:$0x2] =	stream.linear.gather @!p0 [hbm4b:s11+s10], $0x500, $0x38;
	[tilespmem:$0x1D880] =	vst v63  }
0x72: {  	s8 =	sadd.s32 @!p0 $0x10100, s8;
	s11 =	simm.s32 @!p0 $0x1800  }
0x73: {  	[tilespmem:s11], [sflag:$0x2] =	stream.linear.gather @!p0 [hbm4b:s8+s10], $0x500, $0x38;
	[tilespmem:$0x1D880] =	vst v63  }
0x74: {  	s14 =	rddreg [dreg:$0x7]  }
0x75: {  	[tilespmem:s24], [sflag:$0x4] =	stream.indirect.gather [hbm4b:s1+s22], $0x80, s14, s22, $0xb8;
	[tilespmem:$0x1D880] =	vst v63  }
0x76: {  	_ =	swait.ge [sflag:s26], $0x3E80  }
0x77: {  	[sflag:s26] =	ssyncset.done $0x0  }
0x78: {  	[sflag:s26] =	ssyncadd.s32 $0xFFFFC180  }
0x79: {  	[spmem:s3] =	stream.indirect.scatter.add.f32 [tilespmem:s23], [sflag:$0x5], $0x80, s18, s22, $0xb8;
	[tilespmem:$0x1D880] =	vst v63  }
0x7a: {  	_ =	swait.ge [sflag:s25], $0x3E80  }
0x7b: {  	[sflag:s25] =	ssyncset.done $0x0  }
0x7c: {  	s12 =	rddreg [dreg:$0x8];
	[sflag:s25] =	ssyncadd.s32 $0xFFFFC180  }
0x7d: {  	[tilespmem:s23], [sflag:$0x3] =	stream.indirect.gather [hbm4b:s1+s22], $0x80, s12, s22, $0xb8;
	[tilespmem:$0x1D880] =	vst v63  }
0x7e: {  	_ =	swait.ge [sflag:s28], $0x3E80  }
0x7f: {  	[sflag:s28] =	ssyncset.done $0x0  }
0x80: {  	s13 =	rddreg [dreg:$0x9];
	[sflag:s28] =	ssyncadd.s32 $0xFFFFC180  }
0x81: {  	[spmem:s3] =	stream.indirect.scatter.add.f32 [tilespmem:s24], [sflag:$0x5], $0x80, s13, s22, $0xb8;
	[tilespmem:$0x1D880] =	vst v63  }
0x82: {  	_ =	swait.ge [sflag:s25], $0x3E80  }
0x83: {  	[sflag:s25] =	ssyncset.done $0x0  }
0x84: {  	s14 =	rddreg [dreg:$0xa];
	[sflag:s25] =	ssyncadd.s32 $0xFFFFC180  }
0x85: {  	[tilespmem:s24], [sflag:$0x4] =	stream.indirect.gather [hbm4b:s1+s22], $0x80, s14, s22, $0xb8;
	[tilespmem:$0x1D880] =	vst v63  }
0x86: {  	_ =	swait.ge [sflag:s26], $0x3E80  }
0x87: {  	[sflag:s26] =	ssyncset.done $0x0  }
0x88: {  	s10 =	rddreg [dreg:$0xb];
	[sflag:s26] =	ssyncadd.s32 $0xFFFFC180  }
0x89: {  	[spmem:s3] =	stream.indirect.scatter.add.f32 [tilespmem:s23], [sflag:$0x5], $0x80, s10, s22, $0xb8;
	[tilespmem:$0x1D880] =	vst v63  }
0x8a: {  	_ =	swait.ge [sflag:s25], $0x3E80  }
0x8b: {  	[sflag:s25] =	ssyncset.done $0x0  }
0x8c: {  	s11 =	rddreg [dreg:$0xc];
	[sflag:s25] =	ssyncadd.s32 $0xFFFFC180  }
0x8d: {  	[tilespmem:s23], [sflag:$0x3] =	stream.indirect.gather [hbm4b:s1+s22], $0x80, s11, s22, $0xb8;
	[tilespmem:$0x1D880] =	vst v63  }
0x8e: {  	_ =	swait.ge [sflag:s28], $0x3E80  }
0x8f: {  	[sflag:s28] =	ssyncset.done $0x0  }
0x90: {  	s12 =	rddreg [dreg:$0xd];
	[sflag:s28] =	ssyncadd.s32 $0xFFFFC180  }
0x91: {  	[spmem:s3] =	stream.indirect.scatter.add.f32 [tilespmem:s24], [sflag:$0x5], $0x80, s12, s22, $0xb8;
	[tilespmem:$0x1D880] =	vst v63  }
0x92: {  	_ =	swait.ge [sflag:s25], $0x3E80  }
0x93: {  	[sflag:s25] =	ssyncset.done $0x0  }
0x94: {  	s13 =	rddreg [dreg:$0xe];
	[sflag:s25] =	ssyncadd.s32 $0xFFFFC180  }
0x95: {  	[tilespmem:s24], [sflag:$0x4] =	stream.indirect.gather [hbm4b:s1+s22], $0x80, s13, s22, $0xb8;
	[tilespmem:$0x1D880] =	vst v63  }
0x96: {  	_ =	swait.ge [sflag:s26], $0x3E80  }
0x97: {  	[sflag:s26] =	ssyncset.done $0x0  }
0x98: {  	s14 =	rddreg [dreg:$0xf];
	[sflag:s26] =	ssyncadd.s32 $0xFFFFC180  }
0x99: {  	[spmem:s3] =	stream.indirect.scatter.add.f32 [tilespmem:s23], [sflag:$0x5], $0x80, s14, s22, $0xb8;
	[tilespmem:$0x1D880] =	vst v63  }
0x9a: {  	_ =	swait.ge [sflag:s25], $0x3E80  }
0x9b: {  	[sflag:s25] =	ssyncset.done $0x0  }
0x9c: {  	s10 =	rddreg [dreg:$0x10];
	[sflag:s25] =	ssyncadd.s32 $0xFFFFC180  }
0x9d: {  	[tilespmem:s23], [sflag:$0x3] =	stream.indirect.gather [hbm4b:s1+s22], $0x80, s10, s22, $0xb8;
	[tilespmem:$0x1D880] =	vst v63  }
0x9e: {  	_ =	swait.ge [sflag:s28], $0x3E80  }
0x9f: {  	[sflag:s28] =	ssyncset.done $0x0  }
0xa0: {  	s11 =	rddreg [dreg:$0x11];
	[sflag:s28] =	ssyncadd.s32 $0xFFFFC180  }
0xa1: {  	[spmem:s3] =	stream.indirect.scatter.add.f32 [tilespmem:s24], [sflag:$0x5], $0x80, s11, s22, $0xb8;
	[tilespmem:$0x1D880] =	vst v63  }
0xa2: {  	_ =	swait.ge [sflag:s25], $0x3E80  }
0xa3: {  	[sflag:s25] =	ssyncset.done $0x0  }
0xa4: {  	s12 =	rddreg [dreg:$0x12];
	[sflag:s25] =	ssyncadd.s32 $0xFFFFC180  }
0xa5: {  	[tilespmem:s24], [sflag:$0x4] =	stream.indirect.gather [hbm4b:s1+s22], $0x80, s12, s22, $0xb8;
	[tilespmem:$0x1D880] =	vst v63  }
0xa6: {  	_ =	swait.ge [sflag:s26], $0x3E80  }
0xa7: {  	[sflag:s26] =	ssyncset.done $0x0  }
0xa8: {  	s13 =	rddreg [dreg:$0x13];
	[sflag:s26] =	ssyncadd.s32 $0xFFFFC180  }
0xa9: {  	[spmem:s3] =	stream.indirect.scatter.add.f32 [tilespmem:s23], [sflag:$0x5], $0x80, s13, s22, $0xb8;
	[tilespmem:$0x1D880] =	vst v63  }
0xaa: {  	_ =	swait.ge [sflag:s25], $0x3E80  }
0xab: {  	[sflag:s25] =	ssyncset.done $0x0  }
0xac: {  	s14 =	rddreg [dreg:$0x14];
	[sflag:s25] =	ssyncadd.s32 $0xFFFFC180  }
0xad: {  	[tilespmem:s23], [sflag:$0x3] =	stream.indirect.gather [hbm4b:s1+s22], $0x80, s14, s22, $0xb8;
	[tilespmem:$0x1D880] =	vst v63  }
0xae: {  	_ =	swait.ge [sflag:s28], $0x3E80  }
0xaf: {  	[sflag:s28] =	ssyncset.done $0x0  }
0xb0: {  	s10 =	rddreg [dreg:$0x15];
	[sflag:s28] =	ssyncadd.s32 $0xFFFFC180  }
0xb1: {  	[spmem:s3] =	stream.indirect.scatter.add.f32 [tilespmem:s24], [sflag:$0x5], $0x80, s10, s22, $0xb8;
	[tilespmem:$0x1D880] =	vst v63  }
0xb2: {  	_ =	swait.ge [sflag:s25], $0x3E80  }
0xb3: {  	[sflag:s25] =	ssyncset.done $0x0  }
0xb4: {  	s11 =	rddreg [dreg:$0x16];
	[sflag:s25] =	ssyncadd.s32 $0xFFFFC180  }
0xb5: {  	[tilespmem:s24], [sflag:$0x4] =	stream.indirect.gather [hbm4b:s1+s22], $0x80, s11, s22, $0xb8;
	[tilespmem:$0x1D880] =	vst v63  }
0xb6: {  	_ =	swait.ge [sflag:s26], $0x3E80  }
0xb7: {  	[sflag:s26] =	ssyncset.done $0x0  }
0xb8: {  	s12 =	rddreg [dreg:$0x17];
	[sflag:s26] =	ssyncadd.s32 $0xFFFFC180  }
0xb9: {  	[spmem:s3] =	stream.indirect.scatter.add.f32 [tilespmem:s23], [sflag:$0x5], $0x80, s12, s22, $0xb8;
	[tilespmem:$0x1D880] =	vst v63  }
0xba: {  	_ =	swait.ge [sflag:s25], $0x3E80  }
0xbb: {  	[sflag:s25] =	ssyncset.done $0x0  }
0xbc: {  	[sflag:s25] =	ssyncadd.s32 $0xFFFFC180  }
0xbd: {  	_ =	swait.ge [sflag:s29], $0x500  }
0xbe: {  	[sflag:s29] =	ssyncset.done $0x0  }
0xbf: {  	[sflag:s29] =	ssyncadd.s32 $0xFFFFFB00  }
0xc0: {  	_ =	swait.ge [sflag:s29], $0x500  }
0xc1: {  	[sflag:s29] =	ssyncset.done $0x0  }
0xc2: {  	[sflag:s29] =	ssyncadd.s32 $0xFFFFFB00  }
0xc3: {  	[tilespmem:s23], [sflag:$0x3] =	stream.indirect.gather [hbm4b:s1+s22], $0x80, s19, s22, $0xb8;
	[tilespmem:$0x1D880] =	vst v63  }
0xc4: {  	_ =	swait.ge [sflag:s28], $0x3E80  }
0xc5: {  	[sflag:s28] =	ssyncset.done $0x0  }
0xc6: {  	s13 =	rddreg [dreg:$0x18];
	[sflag:s28] =	ssyncadd.s32 $0xFFFFC180  }
0xc7: {  	[spmem:s3] =	stream.indirect.scatter.add.f32 [tilespmem:s24], [sflag:$0x5], $0x80, s13, s22, $0xb8;
	[tilespmem:$0x1D880] =	vst v63  }
0xc8: {  	_ =	swait.ge [sflag:s25], $0x3E80  }
0xc9: {  	s8 =	rddreg [dreg:$0x6]  }
0xca: {  	p0 =	por $0x0, $0x0;
	[sflag:s25] =	ssyncset.done $0x0;
	s10 =	rddreg [dreg:$0x5]  }
0xcb: {  	[sflag:s25] =	ssyncadd.s32 $0xFFFFC180;
	s11 =	sadd.s32 @!p0 $0x0, s8;
	s8 =	simm.s32 @!p0 $0x0  }
0xcc: {  	[tilespmem:s8], [sflag:$0x1] =	stream.linear.gather @!p0 [hbm4b:s11+s8], $0x500, $0x38;
	[tilespmem:$0x1D880] =	vst v63  }
0xcd: {  	s10 =	sadd.s32 @!p0 $0x0, s10;
	s11 =	simm.s32 @!p0 $0x800  }
0xce: {  	[tilespmem:s11], [sflag:$0x1] =	stream.linear.gather @!p0 [hbm4b:s10+s8], $0x500, $0x38;
	[tilespmem:$0x1D880] =	vst v63  }
0xcf: {  	s14 =	rddreg [dreg:$0x19]  }
0xd0: {  	[tilespmem:s24], [sflag:$0x4] =	stream.indirect.gather [hbm4b:s1+s22], $0x80, s14, s22, $0xb8;
	[tilespmem:$0x1D880] =	vst v63  }
0xd1: {  	_ =	swait.ge [sflag:s26], $0x3E80  }
0xd2: {  	[sflag:s26] =	ssyncset.done $0x0  }
0xd3: {  	[sflag:s26] =	ssyncadd.s32 $0xFFFFC180  }
0xd4: {  	[spmem:s3] =	stream.indirect.scatter.add.f32 [tilespmem:s23], [sflag:$0x5], $0x80, s20, s22, $0xb8;
	[tilespmem:$0x1D880] =	vst v63  }
0xd5: {  	_ =	swait.ge [sflag:s25], $0x3E80  }
0xd6: {  	[sflag:s25] =	ssyncset.done $0x0  }
0xd7: {  	s11 =	rddreg [dreg:$0x1a];
	[sflag:s25] =	ssyncadd.s32 $0xFFFFC180  }
0xd8: {  	[tilespmem:s23], [sflag:$0x3] =	stream.indirect.gather [hbm4b:s1+s22], $0x80, s11, s22, $0xb8;
	[tilespmem:$0x1D880] =	vst v63  }
0xd9: {  	_ =	swait.ge [sflag:s28], $0x3E80  }
0xda: {  	[sflag:s28] =	ssyncset.done $0x0  }
0xdb: {  	s12 =	rddreg [dreg:$0x1b];
	[sflag:s28] =	ssyncadd.s32 $0xFFFFC180  }
0xdc: {  	[spmem:s3] =	stream.indirect.scatter.add.f32 [tilespmem:s24], [sflag:$0x5], $0x80, s12, s22, $0xb8;
	[tilespmem:$0x1D880] =	vst v63  }
0xdd: {  	_ =	swait.ge [sflag:s25], $0x3E80  }
0xde: {  	[sflag:s25] =	ssyncset.done $0x0  }
0xdf: {  	s13 =	rddreg [dreg:$0x1c];
	[sflag:s25] =	ssyncadd.s32 $0xFFFFC180  }
0xe0: {  	[tilespmem:s24], [sflag:$0x4] =	stream.indirect.gather [hbm4b:s1+s22], $0x80, s13, s22, $0xb8;
	[tilespmem:$0x1D880] =	vst v63  }
0xe1: {  	_ =	swait.ge [sflag:s26], $0x3E80  }
0xe2: {  	[sflag:s26] =	ssyncset.done $0x0  }
0xe3: {  	s14 =	rddreg [dreg:$0x1d];
	[sflag:s26] =	ssyncadd.s32 $0xFFFFC180  }
0xe4: {  	[spmem:s3] =	stream.indirect.scatter.add.f32 [tilespmem:s23], [sflag:$0x5], $0x80, s14, s22, $0xb8;
	[tilespmem:$0x1D880] =	vst v63  }
0xe5: {  	_ =	swait.ge [sflag:s25], $0x3E80  }
0xe6: {  	[sflag:s25] =	ssyncset.done $0x0  }
0xe7: {  	s11 =	rddreg [dreg:$0x1e];
	[sflag:s25] =	ssyncadd.s32 $0xFFFFC180  }
0xe8: {  	[tilespmem:s23], [sflag:$0x3] =	stream.indirect.gather [hbm4b:s1+s22], $0x80, s11, s22, $0xb8;
	[tilespmem:$0x1D880] =	vst v63  }
0xe9: {  	_ =	swait.ge [sflag:s28], $0x3E80  }
0xea: {  	[sflag:s28] =	ssyncset.done $0x0  }
0xeb: {  	s12 =	rddreg [dreg:$0x1f];
	[sflag:s28] =	ssyncadd.s32 $0xFFFFC180  }
0xec: {  	[spmem:s3] =	stream.indirect.scatter.add.f32 [tilespmem:s24], [sflag:$0x5], $0x80, s12, s22, $0xb8;
	[tilespmem:$0x1D880] =	vst v63  }
0xed: {  	_ =	swait.ge [sflag:s25], $0x3E80  }
0xee: {  	s13 =	sld [smem:$0x7F8]  }
0xef: {  	[sflag:s25] =	ssyncset.done $0x0  }
0xf0: {  	[sflag:s25] =	ssyncadd.s32 $0xFFFFC180  }
0xf1: {  	[tilespmem:s24], [sflag:$0x4] =	stream.indirect.gather [hbm4b:s1+s22], $0x80, s13, s22, $0xb8;
	[tilespmem:$0x1D880] =	vst v63  }
0xf2: {  	_ =	swait.ge [sflag:s26], $0x3E80  }
0xf3: {  	s14 =	sld [smem:$0x7F9]  }
0xf4: {  	[sflag:s26] =	ssyncset.done $0x0  }
0xf5: {  	[sflag:s26] =	ssyncadd.s32 $0xFFFFC180  }
0xf6: {  	[spmem:s3] =	stream.indirect.scatter.add.f32 [tilespmem:s23], [sflag:$0x5], $0x80, s14, s22, $0xb8;
	[tilespmem:$0x1D880] =	vst v63  }
0xf7: {  	_ =	swait.ge [sflag:s25], $0x3E80  }
0xf8: {  	s11 =	sld [smem:$0x7FA]  }
0xf9: {  	[sflag:s25] =	ssyncset.done $0x0  }
0xfa: {  	[sflag:s25] =	ssyncadd.s32 $0xFFFFC180  }
0xfb: {  	[tilespmem:s23], [sflag:$0x3] =	stream.indirect.gather [hbm4b:s1+s22], $0x80, s11, s22, $0xb8;
	[tilespmem:$0x1D880] =	vst v63  }
0xfc: {  	_ =	swait.ge [sflag:s28], $0x3E80  }
0xfd: {  	s12 =	sld [smem:$0x7FB]  }
0xfe: {  	[sflag:s28] =	ssyncset.done $0x0  }
0xff: {  	[sflag:s28] =	ssyncadd.s32 $0xFFFFC180  }
0x100: {  	[spmem:s3] =	stream.indirect.scatter.add.f32 [tilespmem:s24], [sflag:$0x5], $0x80, s12, s22, $0xb8;
	[tilespmem:$0x1D880] =	vst v63  }
0x101: {  	_ =	swait.ge [sflag:s25], $0x3E80  }
0x102: {  	s13 =	sld [smem:$0x7FC]  }
0x103: {  	[sflag:s25] =	ssyncset.done $0x0  }
0x104: {  	[sflag:s25] =	ssyncadd.s32 $0xFFFFC180  }
0x105: {  	[tilespmem:s24], [sflag:$0x4] =	stream.indirect.gather [hbm4b:s1+s22], $0x80, s13, s22, $0xb8;
	[tilespmem:$0x1D880] =	vst v63  }
0x106: {  	_ =	swait.ge [sflag:s26], $0x3E80  }
0x107: {  	s14 =	sld [smem:$0x7FD]  }
0x108: {  	[sflag:s26] =	ssyncset.done $0x0  }
0x109: {  	[sflag:s26] =	ssyncadd.s32 $0xFFFFC180  }
0x10a: {  	[spmem:s3] =	stream.indirect.scatter.add.f32 [tilespmem:s23], [sflag:$0x5], $0x80, s14, s22, $0xb8;
	[tilespmem:$0x1D880] =	vst v63  }
0x10b: {  	_ =	swait.ge [sflag:s25], $0x3E80  }
0x10c: {  	[sflag:s25] =	ssyncset.done $0x0  }
0x10d: {  	[sflag:s25] =	ssyncadd.s32 $0xFFFFC180  }
0x10e: {  	[tilespmem:s23], [sflag:$0x3] =	stream.indirect.gather [hbm4b:s1+s22], $0x80, s30, s22, $0xb8;
	[tilespmem:$0x1D880] =	vst v63  }
0x10f: {  	_ =	swait.ge [sflag:s28], $0x3E80  }
0x110: {  	[sflag:s28] =	ssyncset.done $0x0  }
0x111: {  	[sflag:s28] =	ssyncadd.s32 $0xFFFFC180  }
0x112: {  	[spmem:s3] =	stream.indirect.scatter.add.f32 [tilespmem:s24], [sflag:$0x5], $0x80, s31, s22, $0xb8;
	[tilespmem:$0x1D880] =	vst v63  }
0x113: {  	_ =	swait.ge [sflag:s25], $0x3E80  }
0x114: {  	[sflag:s25] =	ssyncset.done $0x0  }
0x115: {  	[sflag:s25] =	ssyncadd.s32 $0xFFFFC180  }
0x116: {  	[tilespmem:s24], [sflag:$0x4] =	stream.indirect.gather [hbm4b:s1+s22], $0x80, s2, s22, $0xb8;
	[tilespmem:$0x1D880] =	vst v63  }
0x117: {  	_ =	swait.ge [sflag:s26], $0x3E80  }
0x118: {  	[sflag:s26] =	ssyncset.done $0x0  }
0x119: {  	[sflag:s26] =	ssyncadd.s32 $0xFFFFC180  }
0x11a: {  	[spmem:s3] =	stream.indirect.scatter.add.f32 [tilespmem:s23], [sflag:$0x5], $0x80, s0, s22, $0xb8;
	[tilespmem:$0x1D880] =	vst v63  }
0x11b: {  	_ =	swait.ge [sflag:s25], $0x3E80  }
0x11c: {  	[sflag:s25] =	ssyncset.done $0x0  }
0x11d: {  	s10 =	simm.s32 @!p0 $0x1;
	[sflag:s25] =	ssyncadd.s32 $0xFFFFC180  }
0x11e: {  	_ =	swait.ge @!p0 [sflag:s10], $0x500  }
0x11f: {  	[sflag:s10] =	ssyncset.done @!p0 $0x0  }
0x120: {  	[sflag:s10] =	ssyncadd.s32 @!p0 $0xFFFFFB00  }
0x121: {  	_ =	swait.ge @!p0 [sflag:s10], $0x500  }
0x122: {  	[sflag:s10] =	ssyncset.done @!p0 $0x0  }
0x123: {  	s11 =	simm.s32 @!p0 $0x2000;
	[sflag:s10] =	ssyncadd.s32 @!p0 $0xFFFFFB00;
	s10 =	simm.s32 @!p0 $0x7D  }
0x124: {  	[tilespmem:s11], [sflag:$0x3] =	stream.indirect.gather @!p0 [hbm4b:s1+s10], $0x80, s8, s10, $0xb8;
	[tilespmem:$0x1D880] =	vst v63  }
0x125: {  	_ =	swait.ge [sflag:s28], $0x3E80  }
0x126: {  	[sflag:s28] =	ssyncset.done $0x0  }
0x127: {  	p1 =	por $0x0, $0x0;
	[sflag:s28] =	ssyncadd.s32 $0xFFFFC180  }
0x128: {  	[spmem:s3] =	stream.indirect.scatter.add.f32 [tilespmem:s24], [sflag:$0x5], $0x80, s6, s22, $0xb8;
	[tilespmem:$0x1D880] =	vst v63  }
0x129: {  	s12 =	sadd.s32 @!p1 $0x200, s5;
	s8 =	simm.s32 $0x200;
	_ =	swait.ge [sflag:s25], $0x3E80  }
0x12a: {  	s10 =	simm.s32 $0x400;
	s11 =	simm.s32 @!p1 $0x0;
	[sflag:s25] =	ssyncset.done $0x0  }
.LBB2_4:
0x12b: {  	s13 =	sadd.s32 @!p1 $0x100, s12;
	s14 =	simm.s32 @!p1 $0x1000;
	[sflag:s25] =	ssyncadd.s32 $0xFFFFC180  }
0x12c: {  	[tilespmem:s14], [sflag:$0x2] =	stream.linear.gather @!p1 [hbm4b:s13+s11], $0x500, $0x38;
	[tilespmem:$0x1D880] =	vst v63  }
0x12d: {  	s12 =	sadd.s32 @!p1 $0x10100, s12;
	s13 =	simm.s32 @!p1 $0x1800  }
0x12e: {  	[tilespmem:s13], [sflag:$0x2] =	stream.linear.gather @!p1 [hbm4b:s12+s11], $0x500, $0x38;
	[tilespmem:$0x1D880] =	vst v63  }
0x12f: {  	s14 =	rddreg [dreg:$0x7]  }
0x130: {  	[tilespmem:s24], [sflag:$0x4] =	stream.indirect.gather [hbm4b:s1+s22], $0x80, s14, s22, $0xb8;
	[tilespmem:$0x1D880] =	vst v63  }
0x131: {  	_ =	swait.ge [sflag:s26], $0x3E80  }
0x132: {  	[sflag:s26] =	ssyncset.done $0x0  }
0x133: {  	[sflag:s26] =	ssyncadd.s32 $0xFFFFC180  }
0x134: {  	[spmem:s3] =	stream.indirect.scatter.add.f32 [tilespmem:s23], [sflag:$0x5], $0x80, s18, s22, $0xb8;
	[tilespmem:$0x1D880] =	vst v63  }
0x135: {  	_ =	swait.ge [sflag:s25], $0x3E80  }
0x136: {  	[sflag:s25] =	ssyncset.done $0x0  }
0x137: {  	s14 =	rddreg [dreg:$0x8];
	[sflag:s25] =	ssyncadd.s32 $0xFFFFC180  }
0x138: {  	[tilespmem:s23], [sflag:$0x3] =	stream.indirect.gather [hbm4b:s1+s22], $0x80, s14, s22, $0xb8;
	[tilespmem:$0x1D880] =	vst v63  }
0x139: {  	_ =	swait.ge [sflag:s28], $0x3E80  }
0x13a: {  	[sflag:s28] =	ssyncset.done $0x0  }
0x13b: {  	s13 =	rddreg [dreg:$0x9];
	[sflag:s28] =	ssyncadd.s32 $0xFFFFC180  }
0x13c: {  	[spmem:s3] =	stream.indirect.scatter.add.f32 [tilespmem:s24], [sflag:$0x5], $0x80, s13, s22, $0xb8;
	[tilespmem:$0x1D880] =	vst v63  }
0x13d: {  	_ =	swait.ge [sflag:s25], $0x3E80  }
0x13e: {  	[sflag:s25] =	ssyncset.done $0x0  }
0x13f: {  	s14 =	rddreg [dreg:$0xa];
	[sflag:s25] =	ssyncadd.s32 $0xFFFFC180  }
0x140: {  	[tilespmem:s24], [sflag:$0x4] =	stream.indirect.gather [hbm4b:s1+s22], $0x80, s14, s22, $0xb8;
	[tilespmem:$0x1D880] =	vst v63  }
0x141: {  	_ =	swait.ge [sflag:s26], $0x3E80  }
0x142: {  	[sflag:s26] =	ssyncset.done $0x0  }
0x143: {  	s13 =	rddreg [dreg:$0xb];
	[sflag:s26] =	ssyncadd.s32 $0xFFFFC180  }
0x144: {  	[spmem:s3] =	stream.indirect.scatter.add.f32 [tilespmem:s23], [sflag:$0x5], $0x80, s13, s22, $0xb8;
	[tilespmem:$0x1D880] =	vst v63  }
0x145: {  	_ =	swait.ge [sflag:s25], $0x3E80  }
0x146: {  	[sflag:s25] =	ssyncset.done $0x0  }
0x147: {  	s14 =	rddreg [dreg:$0xc];
	[sflag:s25] =	ssyncadd.s32 $0xFFFFC180  }
0x148: {  	[tilespmem:s23], [sflag:$0x3] =	stream.indirect.gather [hbm4b:s1+s22], $0x80, s14, s22, $0xb8;
	[tilespmem:$0x1D880] =	vst v63  }
0x149: {  	_ =	swait.ge [sflag:s28], $0x3E80  }
0x14a: {  	[sflag:s28] =	ssyncset.done $0x0  }
0x14b: {  	s13 =	rddreg [dreg:$0xd];
	[sflag:s28] =	ssyncadd.s32 $0xFFFFC180  }
0x14c: {  	[spmem:s3] =	stream.indirect.scatter.add.f32 [tilespmem:s24], [sflag:$0x5], $0x80, s13, s22, $0xb8;
	[tilespmem:$0x1D880] =	vst v63  }
0x14d: {  	_ =	swait.ge [sflag:s25], $0x3E80  }
0x14e: {  	[sflag:s25] =	ssyncset.done $0x0  }
0x14f: {  	s14 =	rddreg [dreg:$0xe];
	[sflag:s25] =	ssyncadd.s32 $0xFFFFC180  }
0x150: {  	[tilespmem:s24], [sflag:$0x4] =	stream.indirect.gather [hbm4b:s1+s22], $0x80, s14, s22, $0xb8;
	[tilespmem:$0x1D880] =	vst v63  }
0x151: {  	_ =	swait.ge [sflag:s26], $0x3E80  }
0x152: {  	[sflag:s26] =	ssyncset.done $0x0  }
0x153: {  	s13 =	rddreg [dreg:$0xf];
	[sflag:s26] =	ssyncadd.s32 $0xFFFFC180  }
0x154: {  	[spmem:s3] =	stream.indirect.scatter.add.f32 [tilespmem:s23], [sflag:$0x5], $0x80, s13, s22, $0xb8;
	[tilespmem:$0x1D880] =	vst v63  }
0x155: {  	_ =	swait.ge [sflag:s25], $0x3E80  }
0x156: {  	[sflag:s25] =	ssyncset.done $0x0  }
0x157: {  	s14 =	rddreg [dreg:$0x10];
	[sflag:s25] =	ssyncadd.s32 $0xFFFFC180  }
0x158: {  	[tilespmem:s23], [sflag:$0x3] =	stream.indirect.gather [hbm4b:s1+s22], $0x80, s14, s22, $0xb8;
	[tilespmem:$0x1D880] =	vst v63  }
0x159: {  	_ =	swait.ge [sflag:s28], $0x3E80  }
0x15a: {  	[sflag:s28] =	ssyncset.done $0x0  }
0x15b: {  	s13 =	rddreg [dreg:$0x11];
	[sflag:s28] =	ssyncadd.s32 $0xFFFFC180  }
0x15c: {  	[spmem:s3] =	stream.indirect.scatter.add.f32 [tilespmem:s24], [sflag:$0x5], $0x80, s13, s22, $0xb8;
	[tilespmem:$0x1D880] =	vst v63  }
0x15d: {  	_ =	swait.ge [sflag:s25], $0x3E80  }
0x15e: {  	[sflag:s25] =	ssyncset.done $0x0  }
0x15f: {  	s14 =	rddreg [dreg:$0x12];
	[sflag:s25] =	ssyncadd.s32 $0xFFFFC180  }
0x160: {  	[tilespmem:s24], [sflag:$0x4] =	stream.indirect.gather [hbm4b:s1+s22], $0x80, s14, s22, $0xb8;
	[tilespmem:$0x1D880] =	vst v63  }
0x161: {  	_ =	swait.ge [sflag:s26], $0x3E80  }
0x162: {  	[sflag:s26] =	ssyncset.done $0x0  }
0x163: {  	s13 =	rddreg [dreg:$0x13];
	[sflag:s26] =	ssyncadd.s32 $0xFFFFC180  }
0x164: {  	[spmem:s3] =	stream.indirect.scatter.add.f32 [tilespmem:s23], [sflag:$0x5], $0x80, s13, s22, $0xb8;
	[tilespmem:$0x1D880] =	vst v63  }
0x165: {  	_ =	swait.ge [sflag:s25], $0x3E80  }
0x166: {  	[sflag:s25] =	ssyncset.done $0x0  }
0x167: {  	s14 =	rddreg [dreg:$0x14];
	[sflag:s25] =	ssyncadd.s32 $0xFFFFC180  }
0x168: {  	[tilespmem:s23], [sflag:$0x3] =	stream.indirect.gather [hbm4b:s1+s22], $0x80, s14, s22, $0xb8;
	[tilespmem:$0x1D880] =	vst v63  }
0x169: {  	_ =	swait.ge [sflag:s28], $0x3E80  }
0x16a: {  	[sflag:s28] =	ssyncset.done $0x0  }
0x16b: {  	s13 =	rddreg [dreg:$0x15];
	[sflag:s28] =	ssyncadd.s32 $0xFFFFC180  }
0x16c: {  	[spmem:s3] =	stream.indirect.scatter.add.f32 [tilespmem:s24], [sflag:$0x5], $0x80, s13, s22, $0xb8;
	[tilespmem:$0x1D880] =	vst v63  }
0x16d: {  	_ =	swait.ge [sflag:s25], $0x3E80  }
0x16e: {  	[sflag:s25] =	ssyncset.done $0x0  }
0x16f: {  	s14 =	rddreg [dreg:$0x16];
	[sflag:s25] =	ssyncadd.s32 $0xFFFFC180  }
0x170: {  	[tilespmem:s24], [sflag:$0x4] =	stream.indirect.gather [hbm4b:s1+s22], $0x80, s14, s22, $0xb8;
	[tilespmem:$0x1D880] =	vst v63  }
0x171: {  	_ =	swait.ge [sflag:s26], $0x3E80  }
0x172: {  	[sflag:s26] =	ssyncset.done $0x0  }
0x173: {  	s13 =	rddreg [dreg:$0x17];
	[sflag:s26] =	ssyncadd.s32 $0xFFFFC180  }
0x174: {  	[spmem:s3] =	stream.indirect.scatter.add.f32 [tilespmem:s23], [sflag:$0x5], $0x80, s13, s22, $0xb8;
	[tilespmem:$0x1D880] =	vst v63  }
0x175: {  	_ =	swait.ge [sflag:s25], $0x3E80  }
0x176: {  	[sflag:s25] =	ssyncset.done $0x0  }
0x177: {  	[sflag:s25] =	ssyncadd.s32 $0xFFFFC180  }
0x178: {  	_ =	swait.ge [sflag:s29], $0x500  }
0x179: {  	[sflag:s29] =	ssyncset.done $0x0  }
0x17a: {  	[sflag:s29] =	ssyncadd.s32 $0xFFFFFB00  }
0x17b: {  	_ =	swait.ge [sflag:s29], $0x500  }
0x17c: {  	[sflag:s29] =	ssyncset.done $0x0  }
0x17d: {  	[sflag:s29] =	ssyncadd.s32 $0xFFFFFB00  }
0x17e: {  	[tilespmem:s23], [sflag:$0x3] =	stream.indirect.gather [hbm4b:s1+s22], $0x80, s19, s22, $0xb8;
	[tilespmem:$0x1D880] =	vst v63  }
0x17f: {  	_ =	swait.ge [sflag:s28], $0x3E80  }
0x180: {  	[sflag:s28] =	ssyncset.done $0x0  }
0x181: {  	s14 =	rddreg [dreg:$0x18];
	[sflag:s28] =	ssyncadd.s32 $0xFFFFC180  }
0x182: {  	[spmem:s3] =	stream.indirect.scatter.add.f32 [tilespmem:s24], [sflag:$0x5], $0x80, s14, s22, $0xb8;
	[tilespmem:$0x1D880] =	vst v63  }
0x183: {  	_ =	swait.ge [sflag:s25], $0x3E80  }
0x184: {  	s12 =	rddreg [dreg:$0x6]  }
0x185: {  	p1 =	seq.s32 s8, $0x600;
	[sflag:s25] =	ssyncset.done $0x0;
	s13 =	rddreg [dreg:$0x5]  }
0x186: {  	[sflag:s25] =	ssyncadd.s32 $0xFFFFC180;
	s14 =	sadd.s32 @!p1 s8, s12;
	s12 =	simm.s32 @!p1 $0x0  }
0x187: {  	[tilespmem:s12], [sflag:$0x1] =	stream.linear.gather @!p1 [hbm4b:s14+s12], $0x500, $0x38;
	[tilespmem:$0x1D880] =	vst v63  }
0x188: {  	s8 =	sadd.s32 @!p1 s8, s13;
	s13 =	simm.s32 @!p1 $0x800  }
0x189: {  	[tilespmem:s13], [sflag:$0x1] =	stream.linear.gather @!p1 [hbm4b:s8+s12], $0x500, $0x38;
	[tilespmem:$0x1D880] =	vst v63  }
0x18a: {  	s14 =	rddreg [dreg:$0x19]  }
0x18b: {  	[tilespmem:s24], [sflag:$0x4] =	stream.indirect.gather [hbm4b:s1+s22], $0x80, s14, s22, $0xb8;
	[tilespmem:$0x1D880] =	vst v63  }
0x18c: {  	_ =	swait.ge [sflag:s26], $0x3E80  }
0x18d: {  	[sflag:s26] =	ssyncset.done $0x0  }
0x18e: {  	[sflag:s26] =	ssyncadd.s32 $0xFFFFC180  }
0x18f: {  	[spmem:s3] =	stream.indirect.scatter.add.f32 [tilespmem:s23], [sflag:$0x5], $0x80, s20, s22, $0xb8;
	[tilespmem:$0x1D880] =	vst v63  }
0x190: {  	_ =	swait.ge [sflag:s25], $0x3E80  }
0x191: {  	[sflag:s25] =	ssyncset.done $0x0  }
0x192: {  	s13 =	rddreg [dreg:$0x1a];
	[sflag:s25] =	ssyncadd.s32 $0xFFFFC180  }
0x193: {  	[tilespmem:s23], [sflag:$0x3] =	stream.indirect.gather [hbm4b:s1+s22], $0x80, s13, s22, $0xb8;
	[tilespmem:$0x1D880] =	vst v63  }
0x194: {  	_ =	swait.ge [sflag:s28], $0x3E80  }
0x195: {  	[sflag:s28] =	ssyncset.done $0x0  }
0x196: {  	s14 =	rddreg [dreg:$0x1b];
	[sflag:s28] =	ssyncadd.s32 $0xFFFFC180  }
0x197: {  	[spmem:s3] =	stream.indirect.scatter.add.f32 [tilespmem:s24], [sflag:$0x5], $0x80, s14, s22, $0xb8;
	[tilespmem:$0x1D880] =	vst v63  }
0x198: {  	_ =	swait.ge [sflag:s25], $0x3E80  }
0x199: {  	[sflag:s25] =	ssyncset.done $0x0  }
0x19a: {  	s13 =	rddreg [dreg:$0x1c];
	[sflag:s25] =	ssyncadd.s32 $0xFFFFC180  }
0x19b: {  	[tilespmem:s24], [sflag:$0x4] =	stream.indirect.gather [hbm4b:s1+s22], $0x80, s13, s22, $0xb8;
	[tilespmem:$0x1D880] =	vst v63  }
0x19c: {  	_ =	swait.ge [sflag:s26], $0x3E80  }
0x19d: {  	[sflag:s26] =	ssyncset.done $0x0  }
0x19e: {  	s14 =	rddreg [dreg:$0x1d];
	[sflag:s26] =	ssyncadd.s32 $0xFFFFC180  }
0x19f: {  	[spmem:s3] =	stream.indirect.scatter.add.f32 [tilespmem:s23], [sflag:$0x5], $0x80, s14, s22, $0xb8;
	[tilespmem:$0x1D880] =	vst v63  }
0x1a0: {  	_ =	swait.ge [sflag:s25], $0x3E80  }
0x1a1: {  	[sflag:s25] =	ssyncset.done $0x0  }
0x1a2: {  	s13 =	rddreg [dreg:$0x1e];
	[sflag:s25] =	ssyncadd.s32 $0xFFFFC180  }
0x1a3: {  	[tilespmem:s23], [sflag:$0x3] =	stream.indirect.gather [hbm4b:s1+s22], $0x80, s13, s22, $0xb8;
	[tilespmem:$0x1D880] =	vst v63  }
0x1a4: {  	_ =	swait.ge [sflag:s28], $0x3E80  }
0x1a5: {  	[sflag:s28] =	ssyncset.done $0x0  }
0x1a6: {  	s14 =	rddreg [dreg:$0x1f];
	[sflag:s28] =	ssyncadd.s32 $0xFFFFC180  }
0x1a7: {  	[spmem:s3] =	stream.indirect.scatter.add.f32 [tilespmem:s24], [sflag:$0x5], $0x80, s14, s22, $0xb8;
	[tilespmem:$0x1D880] =	vst v63  }
0x1a8: {  	_ =	swait.ge [sflag:s25], $0x3E80  }
0x1a9: {  	s13 =	sld [smem:$0x7F8]  }
0x1aa: {  	[sflag:s25] =	ssyncset.done $0x0  }
0x1ab: {  	[sflag:s25] =	ssyncadd.s32 $0xFFFFC180  }
0x1ac: {  	[tilespmem:s24], [sflag:$0x4] =	stream.indirect.gather [hbm4b:s1+s22], $0x80, s13, s22, $0xb8;
	[tilespmem:$0x1D880] =	vst v63  }
0x1ad: {  	_ =	swait.ge [sflag:s26], $0x3E80  }
0x1ae: {  	s14 =	sld [smem:$0x7F9]  }
0x1af: {  	[sflag:s26] =	ssyncset.done $0x0  }
0x1b0: {  	[sflag:s26] =	ssyncadd.s32 $0xFFFFC180  }
0x1b1: {  	[spmem:s3] =	stream.indirect.scatter.add.f32 [tilespmem:s23], [sflag:$0x5], $0x80, s14, s22, $0xb8;
	[tilespmem:$0x1D880] =	vst v63  }
0x1b2: {  	_ =	swait.ge [sflag:s25], $0x3E80  }
0x1b3: {  	s13 =	sld [smem:$0x7FA]  }
0x1b4: {  	[sflag:s25] =	ssyncset.done $0x0  }
0x1b5: {  	[sflag:s25] =	ssyncadd.s32 $0xFFFFC180  }
0x1b6: {  	[tilespmem:s23], [sflag:$0x3] =	stream.indirect.gather [hbm4b:s1+s22], $0x80, s13, s22, $0xb8;
	[tilespmem:$0x1D880] =	vst v63  }
0x1b7: {  	_ =	swait.ge [sflag:s28], $0x3E80  }
0x1b8: {  	s14 =	sld [smem:$0x7FB]  }
0x1b9: {  	[sflag:s28] =	ssyncset.done $0x0  }
0x1ba: {  	[sflag:s28] =	ssyncadd.s32 $0xFFFFC180  }
0x1bb: {  	[spmem:s3] =	stream.indirect.scatter.add.f32 [tilespmem:s24], [sflag:$0x5], $0x80, s14, s22, $0xb8;
	[tilespmem:$0x1D880] =	vst v63  }
0x1bc: {  	_ =	swait.ge [sflag:s25], $0x3E80  }
0x1bd: {  	s13 =	sld [smem:$0x7FC]  }
0x1be: {  	[sflag:s25] =	ssyncset.done $0x0  }
0x1bf: {  	[sflag:s25] =	ssyncadd.s32 $0xFFFFC180  }
0x1c0: {  	[tilespmem:s24], [sflag:$0x4] =	stream.indirect.gather [hbm4b:s1+s22], $0x80, s13, s22, $0xb8;
	[tilespmem:$0x1D880] =	vst v63  }
0x1c1: {  	_ =	swait.ge [sflag:s26], $0x3E80  }
0x1c2: {  	s14 =	sld [smem:$0x7FD]  }
0x1c3: {  	[sflag:s26] =	ssyncset.done $0x0  }
0x1c4: {  	[sflag:s26] =	ssyncadd.s32 $0xFFFFC180  }
0x1c5: {  	[spmem:s3] =	stream.indirect.scatter.add.f32 [tilespmem:s23], [sflag:$0x5], $0x80, s14, s22, $0xb8;
	[tilespmem:$0x1D880] =	vst v63  }
0x1c6: {  	_ =	swait.ge [sflag:s25], $0x3E80  }
0x1c7: {  	[sflag:s25] =	ssyncset.done $0x0  }
0x1c8: {  	[sflag:s25] =	ssyncadd.s32 $0xFFFFC180  }
0x1c9: {  	[tilespmem:s23], [sflag:$0x3] =	stream.indirect.gather [hbm4b:s1+s22], $0x80, s30, s22, $0xb8;
	[tilespmem:$0x1D880] =	vst v63  }
0x1ca: {  	_ =	swait.ge [sflag:s28], $0x3E80  }
0x1cb: {  	[sflag:s28] =	ssyncset.done $0x0  }
0x1cc: {  	[sflag:s28] =	ssyncadd.s32 $0xFFFFC180  }
0x1cd: {  	[spmem:s3] =	stream.indirect.scatter.add.f32 [tilespmem:s24], [sflag:$0x5], $0x80, s31, s22, $0xb8;
	[tilespmem:$0x1D880] =	vst v63  }
0x1ce: {  	_ =	swait.ge [sflag:s25], $0x3E80  }
0x1cf: {  	[sflag:s25] =	ssyncset.done $0x0  }
0x1d0: {  	[sflag:s25] =	ssyncadd.s32 $0xFFFFC180  }
0x1d1: {  	[tilespmem:s24], [sflag:$0x4] =	stream.indirect.gather [hbm4b:s1+s22], $0x80, s2, s22, $0xb8;
	[tilespmem:$0x1D880] =	vst v63  }
0x1d2: {  	_ =	swait.ge [sflag:s26], $0x3E80  }
0x1d3: {  	[sflag:s26] =	ssyncset.done $0x0  }
0x1d4: {  	[sflag:s26] =	ssyncadd.s32 $0xFFFFC180  }
0x1d5: {  	[spmem:s3] =	stream.indirect.scatter.add.f32 [tilespmem:s23], [sflag:$0x5], $0x80, s0, s22, $0xb8;
	[tilespmem:$0x1D880] =	vst v63  }
0x1d6: {  	_ =	swait.ge [sflag:s25], $0x3E80  }
0x1d7: {  	s11 =	smov.u32 s10;
	[sflag:s25] =	ssyncset.done $0x0  }
0x1d8: {  	s8 =	smov.u32 s11;
	s11 =	simm.s32 @!p1 $0x1;
	[sflag:s25] =	ssyncadd.s32 $0xFFFFC180  }
0x1d9: {  	_ =	swait.ge @!p1 [sflag:s11], $0x500  }
0x1da: {  	[sflag:s11] =	ssyncset.done @!p1 $0x0  }
0x1db: {  	[sflag:s11] =	ssyncadd.s32 @!p1 $0xFFFFFB00  }
0x1dc: {  	_ =	swait.ge @!p1 [sflag:s11], $0x500  }
0x1dd: {  	s10 =	sadd.s32 $0x200, s10;
	[sflag:s11] =	ssyncset.done @!p1 $0x0  }
0x1de: {  	s13 =	simm.s32 @!p1 $0x2000;
	[sflag:s11] =	ssyncadd.s32 @!p1 $0xFFFFFB00;
	s11 =	simm.s32 @!p1 $0x7D  }
0x1df: {  	[tilespmem:s13], [sflag:$0x3] =	stream.indirect.gather @!p1 [hbm4b:s1+s11], $0x80, s12, s11, $0xb8;
	[tilespmem:$0x1D880] =	vst v63  }
0x1e0: {  	p0 =	sne.s32 s10, $0x800;
	_ =	swait.ge [sflag:s28], $0x3E80  }
.Ltmp1:
0x1e1: {  	[sflag:s28] =	ssyncset.done $0x0;
	(pc) =	sbr.rel @p0 .LBB2_4-.Ltmp1, $4  }
0x1e2: {  	[sflag:s28] =	ssyncadd.s32 $0xFFFFC180  }
0x1e3: {  	[spmem:s3] =	stream.indirect.scatter.add.f32 [tilespmem:s24], [sflag:$0x5], $0x80, s6, s22, $0xb8;
	[tilespmem:$0x1D880] =	vst v63  }
0x1e4: {  	p1 =	seq.s32 s8, $0x0;
	_ =	swait.ge [sflag:s25], $0x3E80  }
0x1e5: {  	s12 =	sadd.s32 @!p1 s8, s5;
	s11 =	simm.s32 @!p1 $0x0;
	[sflag:s25] =	ssyncset.done $0x0  }
0x1e6: {  	s10 =	sadd.s32 @!p1 $0x100, s12;
	s13 =	simm.s32 @!p1 $0x1000;
	[sflag:s25] =	ssyncadd.s32 $0xFFFFC180  }
0x1e7: {  	[tilespmem:s13], [sflag:$0x2] =	stream.linear.gather @!p1 [hbm4b:s10+s11], $0x500, $0x38;
	[tilespmem:$0x1D880] =	vst v63  }
0x1e8: {  	s10 =	sadd.s32 @!p1 $0x10100, s12;
	s12 =	simm.s32 @!p1 $0x1800  }
0x1e9: {  	[tilespmem:s12], [sflag:$0x2] =	stream.linear.gather @!p1 [hbm4b:s10+s11], $0x500, $0x38;
	[tilespmem:$0x1D880] =	vst v63  }
0x1ea: {  	s14 =	rddreg [dreg:$0x7]  }
0x1eb: {  	[tilespmem:s24], [sflag:$0x4] =	stream.indirect.gather [hbm4b:s1+s22], $0x80, s14, s22, $0xb8;
	[tilespmem:$0x1D880] =	vst v63  }
0x1ec: {  	_ =	swait.ge [sflag:s26], $0x3E80  }
0x1ed: {  	[sflag:s26] =	ssyncset.done $0x0  }
0x1ee: {  	[sflag:s26] =	ssyncadd.s32 $0xFFFFC180  }
0x1ef: {  	[spmem:s3] =	stream.indirect.scatter.add.f32 [tilespmem:s23], [sflag:$0x5], $0x80, s18, s22, $0xb8;
	[tilespmem:$0x1D880] =	vst v63  }
0x1f0: {  	_ =	swait.ge [sflag:s25], $0x3E80  }
0x1f1: {  	[sflag:s25] =	ssyncset.done $0x0  }
0x1f2: {  	s13 =	rddreg [dreg:$0x8];
	[sflag:s25] =	ssyncadd.s32 $0xFFFFC180  }
0x1f3: {  	[tilespmem:s23], [sflag:$0x3] =	stream.indirect.gather [hbm4b:s1+s22], $0x80, s13, s22, $0xb8;
	[tilespmem:$0x1D880] =	vst v63  }
0x1f4: {  	_ =	swait.ge [sflag:s28], $0x3E80  }
0x1f5: {  	[sflag:s28] =	ssyncset.done $0x0  }
0x1f6: {  	s14 =	rddreg [dreg:$0x9];
	[sflag:s28] =	ssyncadd.s32 $0xFFFFC180  }
0x1f7: {  	[spmem:s3] =	stream.indirect.scatter.add.f32 [tilespmem:s24], [sflag:$0x5], $0x80, s14, s22, $0xb8;
	[tilespmem:$0x1D880] =	vst v63  }
0x1f8: {  	_ =	swait.ge [sflag:s25], $0x3E80  }
0x1f9: {  	[sflag:s25] =	ssyncset.done $0x0  }
0x1fa: {  	s11 =	rddreg [dreg:$0xa];
	[sflag:s25] =	ssyncadd.s32 $0xFFFFC180  }
0x1fb: {  	[tilespmem:s24], [sflag:$0x4] =	stream.indirect.gather [hbm4b:s1+s22], $0x80, s11, s22, $0xb8;
	[tilespmem:$0x1D880] =	vst v63  }
0x1fc: {  	_ =	swait.ge [sflag:s26], $0x3E80  }
0x1fd: {  	[sflag:s26] =	ssyncset.done $0x0  }
0x1fe: {  	s12 =	rddreg [dreg:$0xb];
	[sflag:s26] =	ssyncadd.s32 $0xFFFFC180  }
0x1ff: {  	[spmem:s3] =	stream.indirect.scatter.add.f32 [tilespmem:s23], [sflag:$0x5], $0x80, s12, s22, $0xb8;
	[tilespmem:$0x1D880] =	vst v63  }
0x200: {  	_ =	swait.ge [sflag:s25], $0x3E80  }
0x201: {  	[sflag:s25] =	ssyncset.done $0x0  }
0x202: {  	s13 =	rddreg [dreg:$0xc];
	[sflag:s25] =	ssyncadd.s32 $0xFFFFC180  }
0x203: {  	[tilespmem:s23], [sflag:$0x3] =	stream.indirect.gather [hbm4b:s1+s22], $0x80, s13, s22, $0xb8;
	[tilespmem:$0x1D880] =	vst v63  }
0x204: {  	_ =	swait.ge [sflag:s28], $0x3E80  }
0x205: {  	[sflag:s28] =	ssyncset.done $0x0  }
0x206: {  	s14 =	rddreg [dreg:$0xd];
	[sflag:s28] =	ssyncadd.s32 $0xFFFFC180  }
0x207: {  	[spmem:s3] =	stream.indirect.scatter.add.f32 [tilespmem:s24], [sflag:$0x5], $0x80, s14, s22, $0xb8;
	[tilespmem:$0x1D880] =	vst v63  }
0x208: {  	_ =	swait.ge [sflag:s25], $0x3E80  }
0x209: {  	[sflag:s25] =	ssyncset.done $0x0  }
0x20a: {  	s11 =	rddreg [dreg:$0xe];
	[sflag:s25] =	ssyncadd.s32 $0xFFFFC180  }
0x20b: {  	[tilespmem:s24], [sflag:$0x4] =	stream.indirect.gather [hbm4b:s1+s22], $0x80, s11, s22, $0xb8;
	[tilespmem:$0x1D880] =	vst v63  }
0x20c: {  	_ =	swait.ge [sflag:s26], $0x3E80  }
0x20d: {  	[sflag:s26] =	ssyncset.done $0x0  }
0x20e: {  	s12 =	rddreg [dreg:$0xf];
	[sflag:s26] =	ssyncadd.s32 $0xFFFFC180  }
0x20f: {  	[spmem:s3] =	stream.indirect.scatter.add.f32 [tilespmem:s23], [sflag:$0x5], $0x80, s12, s22, $0xb8;
	[tilespmem:$0x1D880] =	vst v63  }
0x210: {  	_ =	swait.ge [sflag:s25], $0x3E80  }
0x211: {  	[sflag:s25] =	ssyncset.done $0x0  }
0x212: {  	s13 =	rddreg [dreg:$0x10];
	[sflag:s25] =	ssyncadd.s32 $0xFFFFC180  }
0x213: {  	[tilespmem:s23], [sflag:$0x3] =	stream.indirect.gather [hbm4b:s1+s22], $0x80, s13, s22, $0xb8;
	[tilespmem:$0x1D880] =	vst v63  }
0x214: {  	_ =	swait.ge [sflag:s28], $0x3E80  }
0x215: {  	[sflag:s28] =	ssyncset.done $0x0  }
0x216: {  	s14 =	rddreg [dreg:$0x11];
	[sflag:s28] =	ssyncadd.s32 $0xFFFFC180  }
0x217: {  	[spmem:s3] =	stream.indirect.scatter.add.f32 [tilespmem:s24], [sflag:$0x5], $0x80, s14, s22, $0xb8;
	[tilespmem:$0x1D880] =	vst v63  }
0x218: {  	_ =	swait.ge [sflag:s25], $0x3E80  }
0x219: {  	[sflag:s25] =	ssyncset.done $0x0  }
0x21a: {  	s11 =	rddreg [dreg:$0x12];
	[sflag:s25] =	ssyncadd.s32 $0xFFFFC180  }
0x21b: {  	[tilespmem:s24], [sflag:$0x4] =	stream.indirect.gather [hbm4b:s1+s22], $0x80, s11, s22, $0xb8;
	[tilespmem:$0x1D880] =	vst v63  }
0x21c: {  	_ =	swait.ge [sflag:s26], $0x3E80  }
0x21d: {  	[sflag:s26] =	ssyncset.done $0x0  }
0x21e: {  	s12 =	rddreg [dreg:$0x13];
	[sflag:s26] =	ssyncadd.s32 $0xFFFFC180  }
0x21f: {  	[spmem:s3] =	stream.indirect.scatter.add.f32 [tilespmem:s23], [sflag:$0x5], $0x80, s12, s22, $0xb8;
	[tilespmem:$0x1D880] =	vst v63  }
0x220: {  	_ =	swait.ge [sflag:s25], $0x3E80  }
0x221: {  	[sflag:s25] =	ssyncset.done $0x0  }
0x222: {  	s13 =	rddreg [dreg:$0x14];
	[sflag:s25] =	ssyncadd.s32 $0xFFFFC180  }
0x223: {  	[tilespmem:s23], [sflag:$0x3] =	stream.indirect.gather [hbm4b:s1+s22], $0x80, s13, s22, $0xb8;
	[tilespmem:$0x1D880] =	vst v63  }
0x224: {  	_ =	swait.ge [sflag:s28], $0x3E80  }
0x225: {  	[sflag:s28] =	ssyncset.done $0x0  }
0x226: {  	s14 =	rddreg [dreg:$0x15];
	[sflag:s28] =	ssyncadd.s32 $0xFFFFC180  }
0x227: {  	[spmem:s3] =	stream.indirect.scatter.add.f32 [tilespmem:s24], [sflag:$0x5], $0x80, s14, s22, $0xb8;
	[tilespmem:$0x1D880] =	vst v63  }
0x228: {  	_ =	swait.ge [sflag:s25], $0x3E80  }
0x229: {  	[sflag:s25] =	ssyncset.done $0x0  }
0x22a: {  	s11 =	rddreg [dreg:$0x16];
	[sflag:s25] =	ssyncadd.s32 $0xFFFFC180  }
0x22b: {  	[tilespmem:s24], [sflag:$0x4] =	stream.indirect.gather [hbm4b:s1+s22], $0x80, s11, s22, $0xb8;
	[tilespmem:$0x1D880] =	vst v63  }
0x22c: {  	_ =	swait.ge [sflag:s26], $0x3E80  }
0x22d: {  	[sflag:s26] =	ssyncset.done $0x0  }
0x22e: {  	s12 =	rddreg [dreg:$0x17];
	[sflag:s26] =	ssyncadd.s32 $0xFFFFC180  }
0x22f: {  	[spmem:s3] =	stream.indirect.scatter.add.f32 [tilespmem:s23], [sflag:$0x5], $0x80, s12, s22, $0xb8;
	[tilespmem:$0x1D880] =	vst v63  }
0x230: {  	_ =	swait.ge [sflag:s25], $0x3E80  }
0x231: {  	[sflag:s25] =	ssyncset.done $0x0  }
0x232: {  	[sflag:s25] =	ssyncadd.s32 $0xFFFFC180  }
0x233: {  	_ =	swait.ge [sflag:s29], $0x500  }
0x234: {  	[sflag:s29] =	ssyncset.done $0x0  }
0x235: {  	[sflag:s29] =	ssyncadd.s32 $0xFFFFFB00  }
0x236: {  	_ =	swait.ge [sflag:s29], $0x500  }
0x237: {  	[sflag:s29] =	ssyncset.done $0x0  }
0x238: {  	[sflag:s29] =	ssyncadd.s32 $0xFFFFFB00  }
0x239: {  	[tilespmem:s23], [sflag:$0x3] =	stream.indirect.gather [hbm4b:s1+s22], $0x80, s19, s22, $0xb8;
	[tilespmem:$0x1D880] =	vst v63  }
0x23a: {  	_ =	swait.ge [sflag:s28], $0x3E80  }
0x23b: {  	[sflag:s28] =	ssyncset.done $0x0  }
0x23c: {  	s13 =	rddreg [dreg:$0x18];
	[sflag:s28] =	ssyncadd.s32 $0xFFFFC180  }
0x23d: {  	[spmem:s3] =	stream.indirect.scatter.add.f32 [tilespmem:s24], [sflag:$0x5], $0x80, s13, s22, $0xb8;
	[tilespmem:$0x1D880] =	vst v63  }
0x23e: {  	_ =	swait.ge [sflag:s25], $0x3E80  }
0x23f: {  	s10 =	rddreg [dreg:$0x6]  }
0x240: {  	p0 =	seq.s32 s8, $0x600;
	[sflag:s25] =	ssyncset.done $0x0;
	s11 =	rddreg [dreg:$0x5]  }
0x241: {  	[sflag:s25] =	ssyncadd.s32 $0xFFFFC180;
	s12 =	sadd.s32 @!p0 s8, s10;
	s10 =	simm.s32 @!p0 $0x0  }
0x242: {  	[tilespmem:s10], [sflag:$0x1] =	stream.linear.gather @!p0 [hbm4b:s12+s10], $0x500, $0x38;
	[tilespmem:$0x1D880] =	vst v63  }
0x243: {  	s8 =	sadd.s32 @!p0 s8, s11;
	s11 =	simm.s32 @!p0 $0x800  }
0x244: {  	[tilespmem:s11], [sflag:$0x1] =	stream.linear.gather @!p0 [hbm4b:s8+s10], $0x500, $0x38;
	[tilespmem:$0x1D880] =	vst v63  }
0x245: {  	s14 =	rddreg [dreg:$0x19]  }
0x246: {  	[tilespmem:s24], [sflag:$0x4] =	stream.indirect.gather [hbm4b:s1+s22], $0x80, s14, s22, $0xb8;
	[tilespmem:$0x1D880] =	vst v63  }
0x247: {  	_ =	swait.ge [sflag:s26], $0x3E80  }
0x248: {  	[sflag:s26] =	ssyncset.done $0x0  }
0x249: {  	[sflag:s26] =	ssyncadd.s32 $0xFFFFC180  }
0x24a: {  	[spmem:s3] =	stream.indirect.scatter.add.f32 [tilespmem:s23], [sflag:$0x5], $0x80, s20, s22, $0xb8;
	[tilespmem:$0x1D880] =	vst v63  }
0x24b: {  	_ =	swait.ge [sflag:s25], $0x3E80  }
0x24c: {  	[sflag:s25] =	ssyncset.done $0x0  }
0x24d: {  	s11 =	rddreg [dreg:$0x1a];
	[sflag:s25] =	ssyncadd.s32 $0xFFFFC180  }
0x24e: {  	[tilespmem:s23], [sflag:$0x3] =	stream.indirect.gather [hbm4b:s1+s22], $0x80, s11, s22, $0xb8;
	[tilespmem:$0x1D880] =	vst v63  }
0x24f: {  	_ =	swait.ge [sflag:s28], $0x3E80  }
0x250: {  	[sflag:s28] =	ssyncset.done $0x0  }
0x251: {  	s12 =	rddreg [dreg:$0x1b];
	[sflag:s28] =	ssyncadd.s32 $0xFFFFC180  }
0x252: {  	[spmem:s3] =	stream.indirect.scatter.add.f32 [tilespmem:s24], [sflag:$0x5], $0x80, s12, s22, $0xb8;
	[tilespmem:$0x1D880] =	vst v63  }
0x253: {  	_ =	swait.ge [sflag:s25], $0x3E80  }
0x254: {  	[sflag:s25] =	ssyncset.done $0x0  }
0x255: {  	s13 =	rddreg [dreg:$0x1c];
	[sflag:s25] =	ssyncadd.s32 $0xFFFFC180  }
0x256: {  	[tilespmem:s24], [sflag:$0x4] =	stream.indirect.gather [hbm4b:s1+s22], $0x80, s13, s22, $0xb8;
	[tilespmem:$0x1D880] =	vst v63  }
0x257: {  	_ =	swait.ge [sflag:s26], $0x3E80  }
0x258: {  	[sflag:s26] =	ssyncset.done $0x0  }
0x259: {  	s14 =	rddreg [dreg:$0x1d];
	[sflag:s26] =	ssyncadd.s32 $0xFFFFC180  }
0x25a: {  	[spmem:s3] =	stream.indirect.scatter.add.f32 [tilespmem:s23], [sflag:$0x5], $0x80, s14, s22, $0xb8;
	[tilespmem:$0x1D880] =	vst v63  }
0x25b: {  	_ =	swait.ge [sflag:s25], $0x3E80  }
0x25c: {  	[sflag:s25] =	ssyncset.done $0x0  }
0x25d: {  	s11 =	rddreg [dreg:$0x1e];
	[sflag:s25] =	ssyncadd.s32 $0xFFFFC180  }
0x25e: {  	[tilespmem:s23], [sflag:$0x3] =	stream.indirect.gather [hbm4b:s1+s22], $0x80, s11, s22, $0xb8;
	[tilespmem:$0x1D880] =	vst v63  }
0x25f: {  	_ =	swait.ge [sflag:s28], $0x3E80  }
0x260: {  	[sflag:s28] =	ssyncset.done $0x0  }
0x261: {  	s12 =	rddreg [dreg:$0x1f];
	[sflag:s28] =	ssyncadd.s32 $0xFFFFC180  }
0x262: {  	[spmem:s3] =	stream.indirect.scatter.add.f32 [tilespmem:s24], [sflag:$0x5], $0x80, s12, s22, $0xb8;
	[tilespmem:$0x1D880] =	vst v63  }
0x263: {  	_ =	swait.ge [sflag:s25], $0x3E80  }
0x264: {  	s13 =	sld [smem:$0x7F8]  }
0x265: {  	[sflag:s25] =	ssyncset.done $0x0  }
0x266: {  	[sflag:s25] =	ssyncadd.s32 $0xFFFFC180  }
0x267: {  	[tilespmem:s24], [sflag:$0x4] =	stream.indirect.gather [hbm4b:s1+s22], $0x80, s13, s22, $0xb8;
	[tilespmem:$0x1D880] =	vst v63  }
0x268: {  	_ =	swait.ge [sflag:s26], $0x3E80  }
0x269: {  	s14 =	sld [smem:$0x7F9]  }
0x26a: {  	[sflag:s26] =	ssyncset.done $0x0  }
0x26b: {  	[sflag:s26] =	ssyncadd.s32 $0xFFFFC180  }
0x26c: {  	[spmem:s3] =	stream.indirect.scatter.add.f32 [tilespmem:s23], [sflag:$0x5], $0x80, s14, s22, $0xb8;
	[tilespmem:$0x1D880] =	vst v63  }
0x26d: {  	_ =	swait.ge [sflag:s25], $0x3E80  }
0x26e: {  	s11 =	sld [smem:$0x7FA]  }
0x26f: {  	[sflag:s25] =	ssyncset.done $0x0  }
0x270: {  	[sflag:s25] =	ssyncadd.s32 $0xFFFFC180  }
0x271: {  	[tilespmem:s23], [sflag:$0x3] =	stream.indirect.gather [hbm4b:s1+s22], $0x80, s11, s22, $0xb8;
	[tilespmem:$0x1D880] =	vst v63  }
0x272: {  	_ =	swait.ge [sflag:s28], $0x3E80  }
0x273: {  	s12 =	sld [smem:$0x7FB]  }
0x274: {  	[sflag:s28] =	ssyncset.done $0x0  }
0x275: {  	[sflag:s28] =	ssyncadd.s32 $0xFFFFC180  }
0x276: {  	[spmem:s3] =	stream.indirect.scatter.add.f32 [tilespmem:s24], [sflag:$0x5], $0x80, s12, s22, $0xb8;
	[tilespmem:$0x1D880] =	vst v63  }
0x277: {  	_ =	swait.ge [sflag:s25], $0x3E80  }
0x278: {  	s13 =	sld [smem:$0x7FC]  }
0x279: {  	[sflag:s25] =	ssyncset.done $0x0  }
0x27a: {  	[sflag:s25] =	ssyncadd.s32 $0xFFFFC180  }
0x27b: {  	[tilespmem:s24], [sflag:$0x4] =	stream.indirect.gather [hbm4b:s1+s22], $0x80, s13, s22, $0xb8;
	[tilespmem:$0x1D880] =	vst v63  }
0x27c: {  	_ =	swait.ge [sflag:s26], $0x3E80  }
0x27d: {  	s14 =	sld [smem:$0x7FD]  }
0x27e: {  	[sflag:s26] =	ssyncset.done $0x0  }
0x27f: {  	[sflag:s26] =	ssyncadd.s32 $0xFFFFC180  }
0x280: {  	[spmem:s3] =	stream.indirect.scatter.add.f32 [tilespmem:s23], [sflag:$0x5], $0x80, s14, s22, $0xb8;
	[tilespmem:$0x1D880] =	vst v63  }
0x281: {  	_ =	swait.ge [sflag:s25], $0x3E80  }
0x282: {  	[sflag:s25] =	ssyncset.done $0x0  }
0x283: {  	[sflag:s25] =	ssyncadd.s32 $0xFFFFC180  }
0x284: {  	[tilespmem:s23], [sflag:$0x3] =	stream.indirect.gather [hbm4b:s1+s22], $0x80, s30, s22, $0xb8;
	[tilespmem:$0x1D880] =	vst v63  }
0x285: {  	_ =	swait.ge [sflag:s28], $0x3E80  }
0x286: {  	[sflag:s28] =	ssyncset.done $0x0  }
0x287: {  	[sflag:s28] =	ssyncadd.s32 $0xFFFFC180  }
0x288: {  	[spmem:s3] =	stream.indirect.scatter.add.f32 [tilespmem:s24], [sflag:$0x5], $0x80, s31, s22, $0xb8;
	[tilespmem:$0x1D880] =	vst v63  }
0x289: {  	_ =	swait.ge [sflag:s25], $0x3E80  }
0x28a: {  	[sflag:s25] =	ssyncset.done $0x0  }
0x28b: {  	[sflag:s25] =	ssyncadd.s32 $0xFFFFC180  }
0x28c: {  	[tilespmem:s24], [sflag:$0x4] =	stream.indirect.gather [hbm4b:s1+s22], $0x80, s2, s22, $0xb8;
	[tilespmem:$0x1D880] =	vst v63  }
0x28d: {  	_ =	swait.ge [sflag:s26], $0x3E80  }
0x28e: {  	[sflag:s26] =	ssyncset.done $0x0  }
0x28f: {  	[sflag:s26] =	ssyncadd.s32 $0xFFFFC180  }
0x290: {  	[spmem:s3] =	stream.indirect.scatter.add.f32 [tilespmem:s23], [sflag:$0x5], $0x80, s0, s22, $0xb8;
	[tilespmem:$0x1D880] =	vst v63  }
0x291: {  	_ =	swait.ge [sflag:s25], $0x3E80  }
0x292: {  	[sflag:s25] =	ssyncset.done $0x0  }
0x293: {  	s8 =	simm.s32 @!p0 $0x1;
	[sflag:s25] =	ssyncadd.s32 $0xFFFFC180  }
0x294: {  	_ =	swait.ge @!p0 [sflag:s8], $0x500  }
0x295: {  	[sflag:s8] =	ssyncset.done @!p0 $0x0  }
0x296: {  	[sflag:s8] =	ssyncadd.s32 @!p0 $0xFFFFFB00  }
0x297: {  	_ =	swait.ge @!p0 [sflag:s8], $0x500  }
0x298: {  	[sflag:s8] =	ssyncset.done @!p0 $0x0  }
0x299: {  	s11 =	simm.s32 @!p0 $0x2000;
	[sflag:s8] =	ssyncadd.s32 @!p0 $0xFFFFFB00;
	s8 =	simm.s32 @!p0 $0x7D  }
0x29a: {  	[tilespmem:s11], [sflag:$0x3] =	stream.indirect.gather @!p0 [hbm4b:s1+s8], $0x80, s10, s8, $0xb8;
	[tilespmem:$0x1D880] =	vst v63  }
0x29b: {  	_ =	swait.ge [sflag:s28], $0x3E80  }
0x29c: {  	[sflag:s28] =	ssyncset.done $0x0  }
0x29d: {  	[sflag:s28] =	ssyncadd.s32 $0xFFFFC180  }
0x29e: {  	[spmem:s3] =	stream.indirect.scatter.add.f32 [tilespmem:s24], [sflag:$0x5], $0x80, s6, s22, $0xb8;
	[tilespmem:$0x1D880] =	vst v63  }
0x29f: {  	_ =	swait.ge [sflag:s25], $0x3E80  }
0x2a0: {  	[sflag:s25] =	ssyncset.done $0x0  }
0x2a1: {  	[sflag:s25] =	ssyncadd.s32 $0xFFFFC180  }
0x2a2: {  	[bflag:$0x0] =	sbarrier.arrive $0xFFFF  }
0x2a3: {  	s11 =	stileid.u32;
	s13 =	sld [smem:$0x7F4]  }
0x2a4: {  	s8 =	sshll.u32 s11, $0x6  }
0x2a5: {  	s12 =	sshrl.u32 s9, $0x3;
	s8 =	sor.u32 $0x1C05, s8  }
0x2a6: {  	[hbm:s13], [sflag:s8] =	dma.local [spmem:s12], $0x2780  }
0x2a7: {  	_ =	swait.ge [sflag:s25], $0x2780  }
0x2a8: {  	s14 =	sld [smem:$0x7F5];
	_ =	sdelay $0x1  }
0x2a9: {  	s7 =	sadd.s32 $0x1, s7  }
0x2aa: {  	p0 =	sne.s32 s7, s14  }
.Ltmp2:
0x2ab: {  	_ = 	snop;
	(pc) =	sbr.rel @p0 .LBB2_1-.Ltmp2, $3  }
0x2ac: {  	_ =	sdelay $0x1  }
0x2ad: {  	[sflag:s25] =	ssyncset.done $0x0  }
0x2ae: {  	[sflag:s25] =	ssyncadd.s32 $0xFFFFD880  }
0x2af: {  	_ =	sfence.sel $0x180000  }
0x2b0: {  	[bflag:$0x0] =	sbarrier.arrive $0xFFFF  }
0x2b1: {  	_ =	strace $0x90000047  }
0x2b2: {  	s0 =	stileid.u32;
	[bflag:$0x2] =	sbarrier.arrive $0xFFFF  }
0x2b3: {  	p0 =	sne.s32 s0, $0x0;
	s0 =	rddreg [dreg:$0x4]  }
0x2b4: {  	s0 =	sadd.s32 @!p0 $0x100000, s0  }
0x2b5: {  	[sflag:s0] =	ssyncadd.tile.s32 @!p0 $0x1;
	_ =	shalt  }
.Lfunc_end2:
_tile_overlayer_lowered:
.L_overlay_start_2:
0x2b6: {  	(tag) =	ssettag $0x2  }
0x2b7: {  	s0 =	rddreg [dreg:$0x0];
	s2 =	stileid.u32  }
0x2b8: {  	s1 =	rddreg [dreg:$0x1];
	p0 =	sne.s32 s2, $0x0  }
0x2b9: {  	s3 =	rddreg [dreg:$0x2];
	[bflag:$0x3] =	sbarrier.arrive $0xFFFF;
	s2 =	simm.s32 @!p0 $0x1C05  }
0x2ba: {  	[timem:s3], [sflag:s2] =	dma.local @!p0 [hbm:s0], s1  }
0x2bb: {  	s0 =	simm.s32 @!p0 $0x5  }
0x2bc: {  	_ =	swait.ge @!p0 [sflag:s0], s1  }
0x2bd: {  	s1 =	ssub.s32 @!p0 $0x0, s1;
	[sflag:s0] =	ssyncset.done @!p0 $0x0  }
0x2be: {  	[sflag:s0] =	ssyncadd.s32 @!p0 s1  }
0x2bf: {  	[bflag:$0x3] =	sbarrier.arrive $0xFFFF  }
0x2c0: {  	_ =	shalt  }

</sc_bundles>
